<compile_context>
chip_gen: v7x
topology: tpu7x:2x2x1
jax: 0.10.2.dev20260603
libtpu: 0.0.44.dev20260713+nightly
codegen_flags: <defaults>
</compile_context>

<pallas_src>
import functools

import jax
import jax.numpy as jnp
import numpy as np
from jax import lax
from jax.experimental import pallas as pl
from jax.experimental.pallas import tpu as pltpu
from jax.experimental.pallas import tpu_sc as plsc

NC, NS, LANES = 2, 16, 16
NW = NC * NS
N_PAD = 10240
NPT = N_PAD // NW
NPS = N_PAD // NS
H = 32
CHUNK = 128
BM = 2048
_PREC = lax.Precision.HIGHEST


def _mesh():
    return plsc.VectorSubcoreMesh(core_axis_name="c", subcore_axis_name="s")



def _tc_h(x_pad, W1, b1, W2, b2):
    F = x_pad.shape[1]
    Hh = W1.shape[1]

    def body(x_ref, w1_ref, b1_ref, w2_ref, b2_ref, h_ref):
        h1 = jnp.dot(x_ref[...], w1_ref[...], preferred_element_type=jnp.float32)
        h1 = jnp.maximum(h1 + b1_ref[...], 0.0)
        h2 = jnp.dot(h1, w2_ref[...], preferred_element_type=jnp.float32)
        h_ref[...] = jnp.maximum(h2 + b2_ref[...], 0.0)

    return pl.pallas_call(
        body,
        grid=(N_PAD // BM,),
        in_specs=[
            pl.BlockSpec((BM, F), lambda i: (i, 0)),
            pl.BlockSpec((F, Hh), lambda i: (0, 0)),
            pl.BlockSpec((1, Hh), lambda i: (0, 0)),
            pl.BlockSpec((Hh, Hh), lambda i: (0, 0)),
            pl.BlockSpec((1, Hh), lambda i: (0, 0)),
        ],
        out_specs=pl.BlockSpec((BM, Hh), lambda i: (i, 0)),
        out_shape=jax.ShapeDtypeStruct((N_PAD, Hh), jnp.float32),
    )(x_pad, W1, b1, W2, b2)


def _tc_scale(h, d0_col, d1_col):

    def body(h_ref, d0_ref, d1_ref, q_ref, dinv_ref):
        dinv = jnp.power(jnp.maximum(d0_ref[...] + d1_ref[...], 1.0), -0.5)
        dinv_ref[...] = dinv
        q_ref[...] = h_ref[...] * dinv

    return pl.pallas_call(
        body,
        grid=(N_PAD // BM,),
        in_specs=[
            pl.BlockSpec((BM, H), lambda i: (i, 0)),
            pl.BlockSpec((BM, 1), lambda i: (i, 0)),
            pl.BlockSpec((BM, 1), lambda i: (i, 0)),
        ],
        out_specs=[
            pl.BlockSpec((BM, H), lambda i: (i, 0)),
            pl.BlockSpec((BM, 1), lambda i: (i, 0)),
        ],
        out_shape=[
            jax.ShapeDtypeStruct((N_PAD, H), jnp.float32),
            jax.ShapeDtypeStruct((N_PAD, 1), jnp.float32),
        ],
    )(h, d0_col, d1_col)


def _tc_combine(h, a0, a1, dinv_col):

    def body(h_ref, a0_ref, a1_ref, dv_ref, p_ref, q_ref):
        dinv = dv_ref[...]
        p = h_ref[...] - dinv * (a0_ref[...] + a1_ref[...])
        p_ref[...] = p
        q_ref[...] = p * dinv

    return pl.pallas_call(
        body,
        grid=(N_PAD // BM,),
        in_specs=[
            pl.BlockSpec((BM, H), lambda i: (i, 0)),
            pl.BlockSpec((BM, H), lambda i: (i, 0)),
            pl.BlockSpec((BM, H), lambda i: (i, 0)),
            pl.BlockSpec((BM, 1), lambda i: (i, 0)),
        ],
        out_specs=[
            pl.BlockSpec((BM, H), lambda i: (i, 0)),
            pl.BlockSpec((BM, H), lambda i: (i, 0)),
        ],
        out_shape=[
            jax.ShapeDtypeStruct((N_PAD, H), jnp.float32),
            jax.ShapeDtypeStruct((N_PAD, H), jnp.float32),
        ],
    )(h, a0, a1, dinv_col)


def _tc_head(h, p1, b0, b1_agg, dinv_col, Wm1, bm1, Wm2, bm2):
    C = Wm2.shape[1]

    def body(h_ref, p1_ref, b0_ref, b1_ref, dv_ref, w1r, b1r, w2r, b2r,
             o_ref):
        hv = h_ref[...]
        p1v = p1_ref[...]
        p2 = p1v - dv_ref[...] * (b0_ref[...] + b1_ref[...])
        acc0 = 3.0 * hv
        acc0 = acc0 + (-3.0) * p1v
        acc0 = acc0 + 0.75 * p2
        acc1 = 0.0 * hv
        acc1 = acc1 + 3.0 * p1v
        acc1 = acc1 + (-1.5) * p2
        acc2 = 0.0 * hv
        acc2 = acc2 + 0.0 * p1v
        acc2 = acc2 + 0.75 * p2
        hf = jnp.concatenate([acc0, acc1, acc2], axis=1)
        t = jnp.dot(hf, w1r[...], preferred_element_type=jnp.float32)
        z = jnp.maximum(t + b1r[...], 0.0)
        o_ref[...] = jnp.dot(z, w2r[...], preferred_element_type=jnp.float32) + b2r[...]

    return pl.pallas_call(
        body,
        grid=(N_PAD // BM,),
        in_specs=[
            pl.BlockSpec((BM, H), lambda i: (i, 0)),
            pl.BlockSpec((BM, H), lambda i: (i, 0)),
            pl.BlockSpec((BM, H), lambda i: (i, 0)),
            pl.BlockSpec((BM, H), lambda i: (i, 0)),
            pl.BlockSpec((BM, 1), lambda i: (i, 0)),
            pl.BlockSpec((3 * H, H), lambda i: (0, 0)),
            pl.BlockSpec((1, H), lambda i: (0, 0)),
            pl.BlockSpec((H, C), lambda i: (0, 0)),
            pl.BlockSpec((1, C), lambda i: (0, 0)),
        ],
        out_specs=pl.BlockSpec((BM, C), lambda i: (i, 0)),
        out_shape=jax.ShapeDtypeStruct((N_PAD, C), jnp.float32),
    )(h, p1, b0, b1_agg, dinv_col, Wm1, bm1, Wm2, bm2)



@functools.lru_cache(maxsize=None)
def _build_deg(K):

    @functools.partial(
        pl.kernel,
        mesh=_mesh(),
        compiler_params=pltpu.CompilerParams(use_tc_tiling_on_sc=False),
        out_type=(
            jax.ShapeDtypeStruct((N_PAD,), jnp.float32),
            jax.ShapeDtypeStruct((N_PAD,), jnp.float32),
        ),
        scratch_types=[
            pltpu.VMEM((K, CHUNK), jnp.int32),
            pltpu.VMEM((CHUNK,), jnp.float32),
            pltpu.VMEM((NPS,), jnp.float32),
            pltpu.VMEM_SHARED((N_PAD,), jnp.float32),
            pltpu.SemaphoreType.DMA,
        ],
    )
    def deg_kernel(dst_hbm, d0_out, d1_out, didx, ones_v, buf, deg_sh, dsem):
        c = lax.axis_index("c")
        s = lax.axis_index("s")
        wid = c * NS + s
        pltpu.sync_copy(dst_hbm.at[wid], didx)
        zeros16 = jnp.zeros((LANES,), jnp.float32)

        def zf(i, carry):
            buf[pl.ds(i * LANES, LANES)] = zeros16
            return carry
        lax.fori_loop(0, NPS // LANES, zf, 0)

        def of(i, carry):
            ones_v[pl.ds(i * LANES, LANES)] = zeros16 + 1.0
            return carry
        lax.fori_loop(0, CHUNK // LANES, of, 0)

        pltpu.sync_copy(buf, deg_sh.at[pl.ds(s * NPS, NPS)])
        plsc.subcore_barrier()

        def body(k, carry):
            pltpu.sync_copy(ones_v, deg_sh.at[didx.at[k]], add=True)
            return carry
        lax.fori_loop(0, K, body, 0)

        plsc.subcore_barrier()
        pltpu.sync_copy(deg_sh.at[pl.ds(s * NPS, NPS)], buf)

        @pl.when(c == 0)
        def _():
            pltpu.sync_copy(buf, d0_out.at[pl.ds(s * NPS, NPS)])

        @pl.when(c == 1)
        def _():
            pltpu.sync_copy(buf, d1_out.at[pl.ds(s * NPS, NPS)])

    return deg_kernel


@functools.lru_cache(maxsize=None)
def _build_edges(K):
    NBUF, G = 8, 4
    assert K % NBUF == 0 and K >= NBUF

    @functools.partial(
        pl.kernel,
        mesh=_mesh(),
        compiler_params=pltpu.CompilerParams(use_tc_tiling_on_sc=False),
        out_type=(
            jax.ShapeDtypeStruct((N_PAD, H), jnp.float32),
            jax.ShapeDtypeStruct((N_PAD, H), jnp.float32),
        ),
        scratch_types=[
            pltpu.VMEM((K, CHUNK), jnp.int32),
            pltpu.VMEM((K, CHUNK), jnp.int32),
            [pltpu.VMEM((CHUNK, H), jnp.float32) for _ in range(NBUF)],
            pltpu.VMEM_SHARED((N_PAD, H), jnp.float32),
            [pltpu.SemaphoreType.DMA for _ in range(NBUF)],
            [pltpu.SemaphoreType.DMA for _ in range(NBUF)],
        ],
    )
    def edges(q_hbm, src_hbm, dst_hbm, a0_out, a1_out,
              sidx, didx, rows, agg_sh, gsems, ssems):
        c = lax.axis_index("c")
        s = lax.axis_index("s")
        wid = c * NS + s
        idx_load = pltpu.async_copy(src_hbm.at[wid], sidx, gsems[0])
        idx_load2 = pltpu.async_copy(dst_hbm.at[wid], didx, gsems[1])

        zeros16 = jnp.zeros((LANES,), jnp.float32)

        def zf(i, carry):
            rows[0][i, pl.ds(0, LANES)] = zeros16
            rows[0][i, pl.ds(LANES, LANES)] = zeros16
            return carry
        lax.fori_loop(0, CHUNK, zf, 0)

        def zs(j, carry):
            pltpu.sync_copy(rows[0], agg_sh.at[pl.ds(s * NPS + j * CHUNK, CHUNK)])
            return carry
        lax.fori_loop(0, NPS // CHUNK, zs, 0)

        idx_load.wait()
        idx_load2.wait()
        plsc.subcore_barrier()

        for j in range(G):
            pltpu.async_copy(q_hbm.at[sidx.at[j]], rows[j], gsems[j])

        def body(g, carry):
            k0 = NBUF * g
            for j in range(NBUF):
                k = k0 + j
                kg = k + G
                jg = (j + G) % NBUF

                @pl.when(kg < K)
                def _():
                    @pl.when(k >= NBUF - G)
                    def _():
                        pltpu.make_async_copy(
                            rows[jg], agg_sh.at[didx.at[kg - NBUF]],
                            ssems[jg]).wait()
                    pltpu.async_copy(q_hbm.at[sidx.at[kg]], rows[jg], gsems[jg])

                pltpu.make_async_copy(q_hbm.at[sidx.at[k]], rows[j], gsems[j]).wait()
                pltpu.async_copy(rows[j], agg_sh.at[didx.at[k]], ssems[j], add=True)
            return carry
        lax.fori_loop(0, K // NBUF, body, 0)

        for j in range(NBUF):
            pltpu.make_async_copy(rows[j], agg_sh.at[didx.at[K - NBUF + j]],
                                  ssems[j]).wait()

        plsc.subcore_barrier()

        @pl.when(c == 0)
        def _():
            def dump(j, carry):
                pltpu.sync_copy(agg_sh.at[pl.ds(s * NPS + j * CHUNK, CHUNK)], rows[0])
                pltpu.sync_copy(rows[0], a0_out.at[pl.ds(s * NPS + j * CHUNK, CHUNK)])
                return carry
            lax.fori_loop(0, NPS // CHUNK, dump, 0)

        @pl.when(c == 1)
        def _():
            def dump(j, carry):
                pltpu.sync_copy(agg_sh.at[pl.ds(s * NPS + j * CHUNK, CHUNK)], rows[0])
                pltpu.sync_copy(rows[0], a1_out.at[pl.ds(s * NPS + j * CHUNK, CHUNK)])
                return carry
            lax.fori_loop(0, NPS // CHUNK, dump, 0)

    return edges



def kernel(x, edge_index, W1, b1, W2, b2, Wm1, bm1, Wm2, bm2):
    N = x.shape[0]
    Hh = W1.shape[1]
    E = edge_index.shape[1]
    ept = -(-E // NW)
    K = -(-ept // CHUNK)
    K = -(-K // 16) * 16
    E_PAD = K * CHUNK * NW

    src = edge_index[0]
    dst = edge_index[1]
    ept_real = -(-E // NW)
    if E != ept_real * NW:
        flat_pad = ept_real * NW - E
        src = jnp.pad(src, (0, flat_pad))
        dst = jnp.concatenate(
            [dst, jnp.asarray(N + (np.arange(flat_pad) % (N_PAD - N)),
                              dtype=jnp.int32)])
    pad_per_tile = K * CHUNK - ept_real
    pad_rows = np.broadcast_to(
        N + (np.arange(pad_per_tile, dtype=np.int32) % (N_PAD - N)),
        (NW, pad_per_tile))
    pad_src = np.broadcast_to(
        np.arange(pad_per_tile, dtype=np.int32) % N, (NW, pad_per_tile))
    src_p = jnp.concatenate(
        [src.reshape(NW, ept_real), jnp.asarray(pad_src)], axis=1
    ).reshape(NW, K, CHUNK)
    dst_p = jnp.concatenate(
        [dst.reshape(NW, ept_real), jnp.asarray(pad_rows)], axis=1
    ).reshape(NW, K, CHUNK)
    x_pad = jnp.pad(x, ((0, N_PAD - N), (0, 0)))

    d0, d1 = _build_deg(K)(dst_p)
    h = _tc_h(x_pad, W1, b1.reshape(1, -1), W2, b2.reshape(1, -1))
    q0, dinv_col = _tc_scale(h, d0.reshape(-1, 1), d1.reshape(-1, 1))
    a0, a1 = _build_edges(K)(q0, src_p, dst_p)
    p1, q1 = _tc_combine(h, a0, a1, dinv_col)
    b0, b1_agg = _build_edges(K)(q1, src_p, dst_p)

    out = _tc_head(h, p1, b0, b1_agg, dinv_col, Wm1,
                   bm1.reshape(1, -1), Wm2, bm2.reshape(1, -1))
    return out[:N]

# --- scband reference (transcript-rebuilt; emitter-appended) ---
"""Pipeline reference for scband-bwgnn-10273561772519 (READ-ONLY COPY).

The authoritative reference and input builder live on the scoring server;
editing this copy changes nothing except your own understanding.
"""

import jax, jax.numpy as jnp
import numpy as np

# Beta-wavelet polynomial coefficients for d=num_layers=2 (calculate_theta(2))
THETAS = [[3.0, -3.0, 0.75], [0.0, 3.0, -1.5], [0.0, 0.0, 0.75]]

N, E, F_IN, H, C = 10000, 320000, 128, 32, 2


def setup_inputs(seed: int = 0) -> dict:
    key = jax.random.key(seed)
    ks = jax.random.split(key, 12)
    x = jax.random.normal(ks[0], (N, F_IN), dtype=jnp.float32)
    edge_index = jax.random.randint(ks[1], (2, E), 0, N, dtype=jnp.int32)
    s = 0.05
    W1 = jax.random.normal(ks[2], (F_IN, H), dtype=jnp.float32) * s
    b1 = jnp.zeros((H,), jnp.float32)
    W2 = jax.random.normal(ks[3], (H, H), dtype=jnp.float32) * s
    b2 = jnp.zeros((H,), jnp.float32)
    Wm1 = jax.random.normal(ks[4], (H * len(THETAS), H), dtype=jnp.float32) * s
    bm1 = jnp.zeros((H,), jnp.float32)
    Wm2 = jax.random.normal(ks[5], (H, C), dtype=jnp.float32) * s
    bm2 = jnp.zeros((C,), jnp.float32)
    return {"x": x, "edge_index": edge_index, "W1": W1, "b1": b1, "W2": W2, "b2": b2,
            "Wm1": Wm1, "bm1": bm1, "Wm2": Wm2, "bm2": bm2}


def _poly_conv(theta, feat, src, dst, d_invsqrt, n_nodes):
    # h = theta[0]*feat; feat <- (I - D^-1/2 A D^-1/2) feat each step
    acc = theta[0] * feat
    for k in range(1, len(theta)):
        m = (feat * d_invsqrt)[src]
        agg = jax.ops.segment_sum(m, dst, num_segments=n_nodes)
        feat = feat - agg * d_invsqrt
        acc = acc + theta[k] * feat
    return acc


def reference(x, edge_index, W1, b1, W2, b2, Wm1, bm1, Wm2, bm2):
    src = edge_index[0]
    dst = edge_index[1]
    n_nodes = x.shape[0]
    # in-degrees (messages aggregated at destination)
    deg = jnp.zeros((n_nodes,), jnp.float32).at[dst].add(1.0)
    d_invsqrt = jnp.power(jnp.clip(deg, 1.0, None), -0.5)[:, None]
    h = jax.nn.relu(x @ W1 + b1)
    h = jax.nn.relu(h @ W2 + b2)
    hs = []
    for theta in THETAS:
        hs.append(_poly_conv(theta, h, src, dst, d_invsqrt, n_nodes))
    h_final = jnp.concatenate(hs, axis=-1)
    # MLP (num_layers=2): Linear -> ReLU -> Linear (dropout_rate=0 -> identity)
    h = jax.nn.relu(h_final @ Wm1 + bm1)
    return h @ Wm2 + bm2

if __name__ == "__main__":
    import jax
    _d = setup_inputs()
    print(jax.jit(kernel)(*tuple(_d.values())))

</pallas_src>

<mosaic_0001>
#map = affine_map<(d0, d1) -> (0, 0)>
#map1 = affine_map<(d0, d1) -> (0, 0, 0)>
module attributes {stable_mosaic.version = 14 : i64} {
  func.func @edges(%arg0: i32, %arg1: i32, %arg2: memref<10240x32xf32, #tpu.memory_space<hbm>>, %arg3: memref<32x80x128xi32, #tpu.memory_space<hbm>>, %arg4: memref<32x80x128xi32, #tpu.memory_space<hbm>>, %arg5: memref<10240x32xf32, #tpu.memory_space<hbm>>, %arg6: memref<10240x32xf32, #tpu.memory_space<hbm>>, %arg7: memref<80x128xi32, #tpu.memory_space<vmem>>, %arg8: memref<80x128xi32, #tpu.memory_space<vmem>>, %arg9: memref<128x32xf32, #tpu.memory_space<vmem>>, %arg10: memref<128x32xf32, #tpu.memory_space<vmem>>, %arg11: memref<128x32xf32, #tpu.memory_space<vmem>>, %arg12: memref<128x32xf32, #tpu.memory_space<vmem>>, %arg13: memref<128x32xf32, #tpu.memory_space<vmem>>, %arg14: memref<128x32xf32, #tpu.memory_space<vmem>>, %arg15: memref<128x32xf32, #tpu.memory_space<vmem>>, %arg16: memref<128x32xf32, #tpu.memory_space<vmem>>, %arg17: memref<10240x32xf32, #tpu.memory_space<vmem_shared>>, %arg18: memref<!tpu.dma_semaphore, #tpu.memory_space<semaphore_mem>>, %arg19: memref<!tpu.dma_semaphore, #tpu.memory_space<semaphore_mem>>, %arg20: memref<!tpu.dma_semaphore, #tpu.memory_space<semaphore_mem>>, %arg21: memref<!tpu.dma_semaphore, #tpu.memory_space<semaphore_mem>>, %arg22: memref<!tpu.dma_semaphore, #tpu.memory_space<semaphore_mem>>, %arg23: memref<!tpu.dma_semaphore, #tpu.memory_space<semaphore_mem>>, %arg24: memref<!tpu.dma_semaphore, #tpu.memory_space<semaphore_mem>>, %arg25: memref<!tpu.dma_semaphore, #tpu.memory_space<semaphore_mem>>, %arg26: memref<!tpu.dma_semaphore, #tpu.memory_space<semaphore_mem>>, %arg27: memref<!tpu.dma_semaphore, #tpu.memory_space<semaphore_mem>>, %arg28: memref<!tpu.dma_semaphore, #tpu.memory_space<semaphore_mem>>, %arg29: memref<!tpu.dma_semaphore, #tpu.memory_space<semaphore_mem>>, %arg30: memref<!tpu.dma_semaphore, #tpu.memory_space<semaphore_mem>>, %arg31: memref<!tpu.dma_semaphore, #tpu.memory_space<semaphore_mem>>, %arg32: memref<!tpu.dma_semaphore, #tpu.memory_space<semaphore_mem>>, %arg33: memref<!tpu.dma_semaphore, #tpu.memory_space<semaphore_mem>>) attributes {dimension_semantics = [#tpu.dimension_semantics<core_parallel>, #tpu.dimension_semantics<subcore_parallel>], iteration_bounds = array<i64: 2, 16>, scalar_prefetch = 0 : i64, scratch_operands = 27 : i64, tpu.core_type = #tpu.core_type<sc_vector_subcore>, window_params = [{transform_indices = #map}, {transform_indices = #map1}, {transform_indices = #map1}, {transform_indices = #map}, {transform_indices = #map}]} {
    %mul3A = arith.constant 16 : i32
    %mul3A_0 = arith.muli %arg0, %mul3A : i32
    %add3A = arith.addi %mul3A_0, %arg1 : i32
    %dma_start3A = arith.constant 0 : i32
    %dma_start3A_1 = arith.constant 0 : i32
    %dma_start3A_2 = tpu.memref_slice %arg3[%add3A, %dma_start3A, %dma_start3A_1] : memref<32x80x128xi32, #tpu.memory_space<hbm>> -> memref<1x80x128xi32, #tpu.memory_space<hbm>>
    %dma_start3A_3 = tpu.memref_squeeze %dma_start3A_2 : memref<1x80x128xi32, #tpu.memory_space<hbm>> -> memref<80x128xi32, #tpu.memory_space<hbm>>
    %dma_start3A_4 = arith.constant 0 : i32
    %dma_start3A_5 = arith.constant 0 : i32
    %dma_start3A_6 = tpu.memref_slice %arg3[%add3A, %dma_start3A_4, %dma_start3A_5] : memref<32x80x128xi32, #tpu.memory_space<hbm>> -> memref<1x80x128xi32, #tpu.memory_space<hbm>>
    %dma_start3A_7 = tpu.memref_squeeze %dma_start3A_6 : memref<1x80x128xi32, #tpu.memory_space<hbm>> -> memref<80x128xi32, #tpu.memory_space<hbm>>
    tpu.enqueue_dma source(%dma_start3A_7 : memref<80x128xi32, #tpu.memory_space<hbm>>) target(%arg7 : memref<80x128xi32, #tpu.memory_space<vmem>>) target_semaphore(%arg18 : memref<!tpu.dma_semaphore, #tpu.memory_space<semaphore_mem>>)
    %dma_start3A_8 = arith.constant 0 : i32
    %dma_start3A_9 = arith.constant 0 : i32
    %dma_start3A_10 = tpu.memref_slice %arg4[%add3A, %dma_start3A_8, %dma_start3A_9] : memref<32x80x128xi32, #tpu.memory_space<hbm>> -> memref<1x80x128xi32, #tpu.memory_space<hbm>>
    %dma_start3A_11 = tpu.memref_squeeze %dma_start3A_10 : memref<1x80x128xi32, #tpu.memory_space<hbm>> -> memref<80x128xi32, #tpu.memory_space<hbm>>
    %dma_start3A_12 = arith.constant 0 : i32
    %dma_start3A_13 = arith.constant 0 : i32
    %dma_start3A_14 = tpu.memref_slice %arg4[%add3A, %dma_start3A_12, %dma_start3A_13] : memref<32x80x128xi32, #tpu.memory_space<hbm>> -> memref<1x80x128xi32, #tpu.memory_space<hbm>>
    %dma_start3A_15 = tpu.memref_squeeze %dma_start3A_14 : memref<1x80x128xi32, #tpu.memory_space<hbm>> -> memref<80x128xi32, #tpu.memory_space<hbm>>
    tpu.enqueue_dma source(%dma_start3A_15 : memref<80x128xi32, #tpu.memory_space<hbm>>) target(%arg8 : memref<80x128xi32, #tpu.memory_space<vmem>>) target_semaphore(%arg19 : memref<!tpu.dma_semaphore, #tpu.memory_space<semaphore_mem>>)
    %broadcast_in_dim3A = arith.constant 0.000000e+00 : f32
    %broadcast_in_dim3A_16 = vector.broadcast %broadcast_in_dim3A : f32 to vector<16xf32>
    %scan3A = arith.constant 0 : i32
    %scan3A_17 = arith.constant 0 : i32
    %scan3A_18 = arith.constant 128 : i32
    %scan3A_19 = arith.addi %scan3A_17, %scan3A_18 : i32
    %scan3A_20 = arith.constant 1 : i32
    scf.for %scan3A_141 = %scan3A_17 to %scan3A_19 step %scan3A_20  : i32 {
      %swap3A = arith.index_cast %scan3A_141 : i32 to index
      %swap3A_142 = arith.constant 0 : index
      %swap3A_143 = tpu.vector_load %arg9[%swap3A, %swap3A_142] {strides = array<i32>} : memref<128x32xf32, #tpu.memory_space<vmem>>, vector<1x16xf32>,
      %swap3A_144 = vector.shape_cast %swap3A_143 : vector<1x16xf32> to vector<16xf32>
      %swap3A_145 = vector.shape_cast %broadcast_in_dim3A_16 : vector<16xf32> to vector<1x16xf32>
      tpu.vector_store %arg9[%swap3A, %swap3A_142], %swap3A_145 {strides = array<i32>} : memref<128x32xf32, #tpu.memory_space<vmem>>, vector<1x16xf32>,
      %swap3A_146 = arith.index_cast %scan3A_141 : i32 to index
      %swap3A_147 = arith.constant 16 : index
      %swap3A_148 = tpu.vector_load %arg9[%swap3A_146, %swap3A_147] {strides = array<i32>} : memref<128x32xf32, #tpu.memory_space<vmem>>, vector<1x16xf32>,
      %swap3A_149 = vector.shape_cast %swap3A_148 : vector<1x16xf32> to vector<16xf32>
      %swap3A_150 = vector.shape_cast %broadcast_in_dim3A_16 : vector<16xf32> to vector<1x16xf32>
      tpu.vector_store %arg9[%swap3A_146, %swap3A_147], %swap3A_150 {strides = array<i32>} : memref<128x32xf32, #tpu.memory_space<vmem>>, vector<1x16xf32>,
    }
    %scan3A_21 = arith.constant 128 : i32
    %scan3A_22 = arith.constant 0 : i32
    %scan3A_23 = arith.constant 0 : i32
    %scan3A_24 = arith.constant 5 : i32
    %scan3A_25 = arith.addi %scan3A_23, %scan3A_24 : i32
    %scan3A_26 = arith.constant 1 : i32
    scf.for %scan3A_141 = %scan3A_23 to %scan3A_25 step %scan3A_26  : i32 {
      %mul3A_142 = arith.constant 640 : i32
      %mul3A_143 = arith.muli %arg1, %mul3A_142 : i32
      %mul3A_144 = arith.constant 128 : i32
      %mul3A_145 = arith.muli %scan3A_141, %mul3A_144 : i32
      %add3A_146 = arith.addi %mul3A_143, %mul3A_145 : i32
      "tpu.region"() ({
        %run_scoped3A = tpu.sem_alloc : memref<!tpu.dma_semaphore, #tpu.memory_space<semaphore_mem>>
        %dma_start3A_147 = arith.constant 0 : i32
        %dma_start3A_148 = tpu.memref_slice %arg17[%add3A_146, %dma_start3A_147] : memref<10240x32xf32, #tpu.memory_space<vmem_shared>> -> memref<128x32xf32, #tpu.memory_space<vmem_shared>>
        %dma_start3A_149 = arith.constant 0 : i32
        %dma_start3A_150 = tpu.memref_slice %arg17[%add3A_146, %dma_start3A_149] : memref<10240x32xf32, #tpu.memory_space<vmem_shared>> -> memref<128x32xf32, #tpu.memory_space<vmem_shared>>
        tpu.enqueue_dma source(%arg9 : memref<128x32xf32, #tpu.memory_space<vmem>>) target(%dma_start3A_150 : memref<128x32xf32, #tpu.memory_space<vmem_shared>>) target_semaphore(%run_scoped3A : memref<!tpu.dma_semaphore, #tpu.memory_space<semaphore_mem>>)
        %dma_wait3A_151 = arith.constant 0 : i32
        %dma_wait3A_152 = tpu.memref_slice %arg17[%add3A_146, %dma_wait3A_151] : memref<10240x32xf32, #tpu.memory_space<vmem_shared>> -> memref<128x32xf32, #tpu.memory_space<vmem_shared>>
        %dma_wait3A_153 = arith.constant 0 : i32
        %dma_wait3A_154 = tpu.memref_slice %arg17[%add3A_146, %dma_wait3A_153] : memref<10240x32xf32, #tpu.memory_space<vmem_shared>> -> memref<128x32xf32, #tpu.memory_space<vmem_shared>>
        tpu.wait_dma2 semaphore(%run_scoped3A : memref<!tpu.dma_semaphore, #tpu.memory_space<semaphore_mem>>) src(%arg9 : memref<128x32xf32, #tpu.memory_space<vmem>>) dst(%dma_wait3A_154 : memref<128x32xf32, #tpu.memory_space<vmem_shared>>)
        tpu.yield
      }) : () -> ()
    }
    %scan3A_27 = arith.constant 5 : i32
    %dma_wait3A = arith.constant 0 : i32
    %dma_wait3A_28 = arith.constant 0 : i32
    %dma_wait3A_29 = tpu.memref_slice %arg3[%add3A, %dma_wait3A, %dma_wait3A_28] : memref<32x80x128xi32, #tpu.memory_space<hbm>> -> memref<1x80x128xi32, #tpu.memory_space<hbm>>
    %dma_wait3A_30 = tpu.memref_squeeze %dma_wait3A_29 : memref<1x80x128xi32, #tpu.memory_space<hbm>> -> memref<80x128xi32, #tpu.memory_space<hbm>>
    %dma_wait3A_31 = arith.constant 0 : i32
    %dma_wait3A_32 = arith.constant 0 : i32
    %dma_wait3A_33 = tpu.memref_slice %arg3[%add3A, %dma_wait3A_31, %dma_wait3A_32] : memref<32x80x128xi32, #tpu.memory_space<hbm>> -> memref<1x80x128xi32, #tpu.memory_space<hbm>>
    %dma_wait3A_34 = tpu.memref_squeeze %dma_wait3A_33 : memref<1x80x128xi32, #tpu.memory_space<hbm>> -> memref<80x128xi32, #tpu.memory_space<hbm>>
    tpu.wait_dma2 semaphore(%arg18 : memref<!tpu.dma_semaphore, #tpu.memory_space<semaphore_mem>>) src(%dma_wait3A_34 : memref<80x128xi32, #tpu.memory_space<hbm>>) dst(%arg7 : memref<80x128xi32, #tpu.memory_space<vmem>>)
    %dma_wait3A_35 = arith.constant 0 : i32
    %dma_wait3A_36 = arith.constant 0 : i32
    %dma_wait3A_37 = tpu.memref_slice %arg4[%add3A, %dma_wait3A_35, %dma_wait3A_36] : memref<32x80x128xi32, #tpu.memory_space<hbm>> -> memref<1x80x128xi32, #tpu.memory_space<hbm>>
    %dma_wait3A_38 = tpu.memref_squeeze %dma_wait3A_37 : memref<1x80x128xi32, #tpu.memory_space<hbm>> -> memref<80x128xi32, #tpu.memory_space<hbm>>
    %dma_wait3A_39 = arith.constant 0 : i32
    %dma_wait3A_40 = arith.constant 0 : i32
    %dma_wait3A_41 = tpu.memref_slice %arg4[%add3A, %dma_wait3A_39, %dma_wait3A_40] : memref<32x80x128xi32, #tpu.memory_space<hbm>> -> memref<1x80x128xi32, #tpu.memory_space<hbm>>
    %dma_wait3A_42 = tpu.memref_squeeze %dma_wait3A_41 : memref<1x80x128xi32, #tpu.memory_space<hbm>> -> memref<80x128xi32, #tpu.memory_space<hbm>>
    tpu.wait_dma2 semaphore(%arg19 : memref<!tpu.dma_semaphore, #tpu.memory_space<semaphore_mem>>) src(%dma_wait3A_42 : memref<80x128xi32, #tpu.memory_space<hbm>>) dst(%arg8 : memref<80x128xi32, #tpu.memory_space<vmem>>)
    %barrier3A = arith.constant 0 : index
    tpu.barrier barrier_id(%barrier3A)
    %dma_start3A_43 = arith.constant 0 : i32
    %dma_start3A_44 = arith.constant 0 : i32
    %dma_start3A_45 = tpu.memref_slice %arg7[%dma_start3A_43, %dma_start3A_44] : memref<80x128xi32, #tpu.memory_space<vmem>> -> memref<1x128xi32, #tpu.memory_space<vmem>>
    %dma_start3A_46 = tpu.memref_squeeze %dma_start3A_45 : memref<1x128xi32, #tpu.memory_space<vmem>> -> memref<128xi32, #tpu.memory_space<vmem>>
    %dma_start3A_47 = arith.constant 0 : i32
    %dma_start3A_48 = arith.constant 0 : i32
    %dma_start3A_49 = tpu.memref_slice %arg2[%dma_start3A_47, %dma_start3A_48] : memref<10240x32xf32, #tpu.memory_space<hbm>> -> memref<10240x32xf32, #tpu.memory_space<hbm>>
    tpu.enqueue_indirect_dma source(%dma_start3A_49 : memref<10240x32xf32, #tpu.memory_space<hbm>>) target(%arg9 : memref<128x32xf32, #tpu.memory_space<vmem>>) offsets(%dma_start3A_46 : memref<128xi32, #tpu.memory_space<vmem>>) semaphore(%arg18 : memref<!tpu.dma_semaphore, #tpu.memory_space<semaphore_mem>>)
    %dma_start3A_50 = arith.constant 1 : i32
    %dma_start3A_51 = arith.constant 0 : i32
    %dma_start3A_52 = tpu.memref_slice %arg7[%dma_start3A_50, %dma_start3A_51] : memref<80x128xi32, #tpu.memory_space<vmem>> -> memref<1x128xi32, #tpu.memory_space<vmem>>
    %dma_start3A_53 = tpu.memref_squeeze %dma_start3A_52 : memref<1x128xi32, #tpu.memory_space<vmem>> -> memref<128xi32, #tpu.memory_space<vmem>>
    %dma_start3A_54 = arith.constant 0 : i32
    %dma_start3A_55 = arith.constant 0 : i32
    %dma_start3A_56 = tpu.memref_slice %arg2[%dma_start3A_54, %dma_start3A_55] : memref<10240x32xf32, #tpu.memory_space<hbm>> -> memref<10240x32xf32, #tpu.memory_space<hbm>>
    tpu.enqueue_indirect_dma source(%dma_start3A_56 : memref<10240x32xf32, #tpu.memory_space<hbm>>) target(%arg10 : memref<128x32xf32, #tpu.memory_space<vmem>>) offsets(%dma_start3A_53 : memref<128xi32, #tpu.memory_space<vmem>>) semaphore(%arg19 : memref<!tpu.dma_semaphore, #tpu.memory_space<semaphore_mem>>)
    %dma_start3A_57 = arith.constant 2 : i32
    %dma_start3A_58 = arith.constant 0 : i32
    %dma_start3A_59 = tpu.memref_slice %arg7[%dma_start3A_57, %dma_start3A_58] : memref<80x128xi32, #tpu.memory_space<vmem>> -> memref<1x128xi32, #tpu.memory_space<vmem>>
    %dma_start3A_60 = tpu.memref_squeeze %dma_start3A_59 : memref<1x128xi32, #tpu.memory_space<vmem>> -> memref<128xi32, #tpu.memory_space<vmem>>
    %dma_start3A_61 = arith.constant 0 : i32
    %dma_start3A_62 = arith.constant 0 : i32
    %dma_start3A_63 = tpu.memref_slice %arg2[%dma_start3A_61, %dma_start3A_62] : memref<10240x32xf32, #tpu.memory_space<hbm>> -> memref<10240x32xf32, #tpu.memory_space<hbm>>
    tpu.enqueue_indirect_dma source(%dma_start3A_63 : memref<10240x32xf32, #tpu.memory_space<hbm>>) target(%arg11 : memref<128x32xf32, #tpu.memory_space<vmem>>) offsets(%dma_start3A_60 : memref<128xi32, #tpu.memory_space<vmem>>) semaphore(%arg20 : memref<!tpu.dma_semaphore, #tpu.memory_space<semaphore_mem>>)
    %dma_start3A_64 = arith.constant 3 : i32
    %dma_start3A_65 = arith.constant 0 : i32
    %dma_start3A_66 = tpu.memref_slice %arg7[%dma_start3A_64, %dma_start3A_65] : memref<80x128xi32, #tpu.memory_space<vmem>> -> memref<1x128xi32, #tpu.memory_space<vmem>>
    %dma_start3A_67 = tpu.memref_squeeze %dma_start3A_66 : memref<1x128xi32, #tpu.memory_space<vmem>> -> memref<128xi32, #tpu.memory_space<vmem>>
    %dma_start3A_68 = arith.constant 0 : i32
    %dma_start3A_69 = arith.constant 0 : i32
    %dma_start3A_70 = tpu.memref_slice %arg2[%dma_start3A_68, %dma_start3A_69] : memref<10240x32xf32, #tpu.memory_space<hbm>> -> memref<10240x32xf32, #tpu.memory_space<hbm>>
    tpu.enqueue_indirect_dma source(%dma_start3A_70 : memref<10240x32xf32, #tpu.memory_space<hbm>>) target(%arg12 : memref<128x32xf32, #tpu.memory_space<vmem>>) offsets(%dma_start3A_67 : memref<128xi32, #tpu.memory_space<vmem>>) semaphore(%arg21 : memref<!tpu.dma_semaphore, #tpu.memory_space<semaphore_mem>>)
    %scan3A_71 = arith.constant 0 : i32
    %scan3A_72 = arith.constant 0 : i32
    %scan3A_73 = arith.constant 10 : i32
    %scan3A_74 = arith.addi %scan3A_72, %scan3A_73 : i32
    %scan3A_75 = arith.constant 1 : i32
    scf.for %scan3A_141 = %scan3A_72 to %scan3A_74 step %scan3A_75  : i32 {
      %mul3A_142 = arith.constant 8 : i32
      %mul3A_143 = arith.muli %mul3A_142, %scan3A_141 : i32
      %add3A_144 = arith.constant 0 : i32
      %add3A_145 = arith.addi %mul3A_143, %add3A_144 : i32
      %add3A_146 = arith.constant 4 : i32
      %add3A_147 = arith.addi %add3A_145, %add3A_146 : i32
      %lt3A = arith.constant 80 : i32
      %lt3A_148 = arith.cmpi slt, %add3A_147, %lt3A : i32
      %convert_element_type3A_149 = arith.extui %lt3A_148 : i1 to i32
      %cond3A_150 = arith.constant 0 : i32
      %cond3A_151 = arith.cmpi ne, %convert_element_type3A_149, %cond3A_150 : i32
      scf.if %cond3A_151 {
        %ge3A = arith.constant 4 : i32
        %ge3A_311 = arith.cmpi sge, %add3A_145, %ge3A : i32
        %convert_element_type3A_312 = arith.extui %ge3A_311 : i1 to i32
        %cond3A_313 = arith.constant 0 : i32
        %cond3A_314 = arith.cmpi ne, %convert_element_type3A_312, %cond3A_313 : i32
        scf.if %cond3A_314 {
          %sub3A = arith.constant 8 : i32
          %sub3A_321 = arith.subi %add3A_147, %sub3A : i32
          %dma_wait3A_322 = arith.constant 0 : i32
          %dma_wait3A_323 = tpu.memref_slice %arg8[%sub3A_321, %dma_wait3A_322] : memref<80x128xi32, #tpu.memory_space<vmem>> -> memref<1x128xi32, #tpu.memory_space<vmem>>
          %dma_wait3A_324 = tpu.memref_squeeze %dma_wait3A_323 : memref<1x128xi32, #tpu.memory_space<vmem>> -> memref<128xi32, #tpu.memory_space<vmem>>
          %dma_wait3A_325 = arith.constant 0 : i32
          %dma_wait3A_326 = arith.constant 0 : i32
          %dma_wait3A_327 = tpu.memref_slice %arg17[%dma_wait3A_325, %dma_wait3A_326] : memref<10240x32xf32, #tpu.memory_space<vmem_shared>> -> memref<10240x32xf32, #tpu.memory_space<vmem_shared>>
          tpu.wait_indirect_dma semaphore(%arg30 : memref<!tpu.dma_semaphore, #tpu.memory_space<semaphore_mem>>) src(%arg13 : memref<128x32xf32, #tpu.memory_space<vmem>>) dst(%dma_wait3A_327 : memref<10240x32xf32, #tpu.memory_space<vmem_shared>>)
        } else {
        }
        %dma_start3A_315 = arith.constant 0 : i32
        %dma_start3A_316 = tpu.memref_slice %arg7[%add3A_147, %dma_start3A_315] : memref<80x128xi32, #tpu.memory_space<vmem>> -> memref<1x128xi32, #tpu.memory_space<vmem>>
        %dma_start3A_317 = tpu.memref_squeeze %dma_start3A_316 : memref<1x128xi32, #tpu.memory_space<vmem>> -> memref<128xi32, #tpu.memory_space<vmem>>
        %dma_start3A_318 = arith.constant 0 : i32
        %dma_start3A_319 = arith.constant 0 : i32
        %dma_start3A_320 = tpu.memref_slice %arg2[%dma_start3A_318, %dma_start3A_319] : memref<10240x32xf32, #tpu.memory_space<hbm>> -> memref<10240x32xf32, #tpu.memory_space<hbm>>
        tpu.enqueue_indirect_dma source(%dma_start3A_320 : memref<10240x32xf32, #tpu.memory_space<hbm>>) target(%arg13 : memref<128x32xf32, #tpu.memory_space<vmem>>) offsets(%dma_start3A_317 : memref<128xi32, #tpu.memory_space<vmem>>) semaphore(%arg22 : memref<!tpu.dma_semaphore, #tpu.memory_space<semaphore_mem>>)
      } else {
      }
      %dma_wait3A_152 = arith.constant 0 : i32
      %dma_wait3A_153 = tpu.memref_slice %arg7[%add3A_145, %dma_wait3A_152] : memref<80x128xi32, #tpu.memory_space<vmem>> -> memref<1x128xi32, #tpu.memory_space<vmem>>
      %dma_wait3A_154 = tpu.memref_squeeze %dma_wait3A_153 : memref<1x128xi32, #tpu.memory_space<vmem>> -> memref<128xi32, #tpu.memory_space<vmem>>
      %dma_wait3A_155 = arith.constant 0 : i32
      %dma_wait3A_156 = arith.constant 0 : i32
      %dma_wait3A_157 = tpu.memref_slice %arg2[%dma_wait3A_155, %dma_wait3A_156] : memref<10240x32xf32, #tpu.memory_space<hbm>> -> memref<10240x32xf32, #tpu.memory_space<hbm>>
      tpu.wait_indirect_dma semaphore(%arg18 : memref<!tpu.dma_semaphore, #tpu.memory_space<semaphore_mem>>) src(%dma_wait3A_157 : memref<10240x32xf32, #tpu.memory_space<hbm>>) dst(%arg9 : memref<128x32xf32, #tpu.memory_space<vmem>>)
      %dma_start3A_158 = arith.constant 0 : i32
      %dma_start3A_159 = tpu.memref_slice %arg8[%add3A_145, %dma_start3A_158] : memref<80x128xi32, #tpu.memory_space<vmem>> -> memref<1x128xi32, #tpu.memory_space<vmem>>
      %dma_start3A_160 = tpu.memref_squeeze %dma_start3A_159 : memref<1x128xi32, #tpu.memory_space<vmem>> -> memref<128xi32, #tpu.memory_space<vmem>>
      %dma_start3A_161 = arith.constant 0 : i32
      %dma_start3A_162 = arith.constant 0 : i32
      %dma_start3A_163 = tpu.memref_slice %arg17[%dma_start3A_161, %dma_start3A_162] : memref<10240x32xf32, #tpu.memory_space<vmem_shared>> -> memref<10240x32xf32, #tpu.memory_space<vmem_shared>>
      tpu.enqueue_indirect_dma source(%arg9 : memref<128x32xf32, #tpu.memory_space<vmem>>) target(%dma_start3A_163 : memref<10240x32xf32, #tpu.memory_space<vmem_shared>>) offsets(%dma_start3A_160 : memref<128xi32, #tpu.memory_space<vmem>>) semaphore(%arg26 : memref<!tpu.dma_semaphore, #tpu.memory_space<semaphore_mem>>) {add = true}
      %add3A_164 = arith.constant 1 : i32
      %add3A_165 = arith.addi %mul3A_143, %add3A_164 : i32
      %add3A_166 = arith.constant 4 : i32
      %add3A_167 = arith.addi %add3A_165, %add3A_166 : i32
      %lt3A_168 = arith.constant 80 : i32
      %lt3A_169 = arith.cmpi slt, %add3A_167, %lt3A_168 : i32
      %convert_element_type3A_170 = arith.extui %lt3A_169 : i1 to i32
      %cond3A_171 = arith.constant 0 : i32
      %cond3A_172 = arith.cmpi ne, %convert_element_type3A_170, %cond3A_171 : i32
      scf.if %cond3A_172 {
        %ge3A = arith.constant 4 : i32
        %ge3A_311 = arith.cmpi sge, %add3A_165, %ge3A : i32
        %convert_element_type3A_312 = arith.extui %ge3A_311 : i1 to i32
        %cond3A_313 = arith.constant 0 : i32
        %cond3A_314 = arith.cmpi ne, %convert_element_type3A_312, %cond3A_313 : i32
        scf.if %cond3A_314 {
          %sub3A = arith.constant 8 : i32
          %sub3A_321 = arith.subi %add3A_167, %sub3A : i32
          %dma_wait3A_322 = arith.constant 0 : i32
          %dma_wait3A_323 = tpu.memref_slice %arg8[%sub3A_321, %dma_wait3A_322] : memref<80x128xi32, #tpu.memory_space<vmem>> -> memref<1x128xi32, #tpu.memory_space<vmem>>
          %dma_wait3A_324 = tpu.memref_squeeze %dma_wait3A_323 : memref<1x128xi32, #tpu.memory_space<vmem>> -> memref<128xi32, #tpu.memory_space<vmem>>
          %dma_wait3A_325 = arith.constant 0 : i32
          %dma_wait3A_326 = arith.constant 0 : i32
          %dma_wait3A_327 = tpu.memref_slice %arg17[%dma_wait3A_325, %dma_wait3A_326] : memref<10240x32xf32, #tpu.memory_space<vmem_shared>> -> memref<10240x32xf32, #tpu.memory_space<vmem_shared>>
          tpu.wait_indirect_dma semaphore(%arg31 : memref<!tpu.dma_semaphore, #tpu.memory_space<semaphore_mem>>) src(%arg14 : memref<128x32xf32, #tpu.memory_space<vmem>>) dst(%dma_wait3A_327 : memref<10240x32xf32, #tpu.memory_space<vmem_shared>>)
        } else {
        }
        %dma_start3A_315 = arith.constant 0 : i32
        %dma_start3A_316 = tpu.memref_slice %arg7[%add3A_167, %dma_start3A_315] : memref<80x128xi32, #tpu.memory_space<vmem>> -> memref<1x128xi32, #tpu.memory_space<vmem>>
        %dma_start3A_317 = tpu.memref_squeeze %dma_start3A_316 : memref<1x128xi32, #tpu.memory_space<vmem>> -> memref<128xi32, #tpu.memory_space<vmem>>
        %dma_start3A_318 = arith.constant 0 : i32
        %dma_start3A_319 = arith.constant 0 : i32
        %dma_start3A_320 = tpu.memref_slice %arg2[%dma_start3A_318, %dma_start3A_319] : memref<10240x32xf32, #tpu.memory_space<hbm>> -> memref<10240x32xf32, #tpu.memory_space<hbm>>
        tpu.enqueue_indirect_dma source(%dma_start3A_320 : memref<10240x32xf32, #tpu.memory_space<hbm>>) target(%arg14 : memref<128x32xf32, #tpu.memory_space<vmem>>) offsets(%dma_start3A_317 : memref<128xi32, #tpu.memory_space<vmem>>) semaphore(%arg23 : memref<!tpu.dma_semaphore, #tpu.memory_space<semaphore_mem>>)
      } else {
      }
      %dma_wait3A_173 = arith.constant 0 : i32
      %dma_wait3A_174 = tpu.memref_slice %arg7[%add3A_165, %dma_wait3A_173] : memref<80x128xi32, #tpu.memory_space<vmem>> -> memref<1x128xi32, #tpu.memory_space<vmem>>
      %dma_wait3A_175 = tpu.memref_squeeze %dma_wait3A_174 : memref<1x128xi32, #tpu.memory_space<vmem>> -> memref<128xi32, #tpu.memory_space<vmem>>
      %dma_wait3A_176 = arith.constant 0 : i32
      %dma_wait3A_177 = arith.constant 0 : i32
      %dma_wait3A_178 = tpu.memref_slice %arg2[%dma_wait3A_176, %dma_wait3A_177] : memref<10240x32xf32, #tpu.memory_space<hbm>> -> memref<10240x32xf32, #tpu.memory_space<hbm>>
      tpu.wait_indirect_dma semaphore(%arg19 : memref<!tpu.dma_semaphore, #tpu.memory_space<semaphore_mem>>) src(%dma_wait3A_178 : memref<10240x32xf32, #tpu.memory_space<hbm>>) dst(%arg10 : memref<128x32xf32, #tpu.memory_space<vmem>>)
      %dma_start3A_179 = arith.constant 0 : i32
      %dma_start3A_180 = tpu.memref_slice %arg8[%add3A_165, %dma_start3A_179] : memref<80x128xi32, #tpu.memory_space<vmem>> -> memref<1x128xi32, #tpu.memory_space<vmem>>
      %dma_start3A_181 = tpu.memref_squeeze %dma_start3A_180 : memref<1x128xi32, #tpu.memory_space<vmem>> -> memref<128xi32, #tpu.memory_space<vmem>>
      %dma_start3A_182 = arith.constant 0 : i32
      %dma_start3A_183 = arith.constant 0 : i32
      %dma_start3A_184 = tpu.memref_slice %arg17[%dma_start3A_182, %dma_start3A_183] : memref<10240x32xf32, #tpu.memory_space<vmem_shared>> -> memref<10240x32xf32, #tpu.memory_space<vmem_shared>>
      tpu.enqueue_indirect_dma source(%arg10 : memref<128x32xf32, #tpu.memory_space<vmem>>) target(%dma_start3A_184 : memref<10240x32xf32, #tpu.memory_space<vmem_shared>>) offsets(%dma_start3A_181 : memref<128xi32, #tpu.memory_space<vmem>>) semaphore(%arg27 : memref<!tpu.dma_semaphore, #tpu.memory_space<semaphore_mem>>) {add = true}
      %add3A_185 = arith.constant 2 : i32
      %add3A_186 = arith.addi %mul3A_143, %add3A_185 : i32
      %add3A_187 = arith.constant 4 : i32
      %add3A_188 = arith.addi %add3A_186, %add3A_187 : i32
      %lt3A_189 = arith.constant 80 : i32
      %lt3A_190 = arith.cmpi slt, %add3A_188, %lt3A_189 : i32
      %convert_element_type3A_191 = arith.extui %lt3A_190 : i1 to i32
      %cond3A_192 = arith.constant 0 : i32
      %cond3A_193 = arith.cmpi ne, %convert_element_type3A_191, %cond3A_192 : i32
      scf.if %cond3A_193 {
        %ge3A = arith.constant 4 : i32
        %ge3A_311 = arith.cmpi sge, %add3A_186, %ge3A : i32
        %convert_element_type3A_312 = arith.extui %ge3A_311 : i1 to i32
        %cond3A_313 = arith.constant 0 : i32
        %cond3A_314 = arith.cmpi ne, %convert_element_type3A_312, %cond3A_313 : i32
        scf.if %cond3A_314 {
          %sub3A = arith.constant 8 : i32
          %sub3A_321 = arith.subi %add3A_188, %sub3A : i32
          %dma_wait3A_322 = arith.constant 0 : i32
          %dma_wait3A_323 = tpu.memref_slice %arg8[%sub3A_321, %dma_wait3A_322] : memref<80x128xi32, #tpu.memory_space<vmem>> -> memref<1x128xi32, #tpu.memory_space<vmem>>
          %dma_wait3A_324 = tpu.memref_squeeze %dma_wait3A_323 : memref<1x128xi32, #tpu.memory_space<vmem>> -> memref<128xi32, #tpu.memory_space<vmem>>
          %dma_wait3A_325 = arith.constant 0 : i32
          %dma_wait3A_326 = arith.constant 0 : i32
          %dma_wait3A_327 = tpu.memref_slice %arg17[%dma_wait3A_325, %dma_wait3A_326] : memref<10240x32xf32, #tpu.memory_space<vmem_shared>> -> memref<10240x32xf32, #tpu.memory_space<vmem_shared>>
          tpu.wait_indirect_dma semaphore(%arg32 : memref<!tpu.dma_semaphore, #tpu.memory_space<semaphore_mem>>) src(%arg15 : memref<128x32xf32, #tpu.memory_space<vmem>>) dst(%dma_wait3A_327 : memref<10240x32xf32, #tpu.memory_space<vmem_shared>>)
        } else {
        }
        %dma_start3A_315 = arith.constant 0 : i32
        %dma_start3A_316 = tpu.memref_slice %arg7[%add3A_188, %dma_start3A_315] : memref<80x128xi32, #tpu.memory_space<vmem>> -> memref<1x128xi32, #tpu.memory_space<vmem>>
        %dma_start3A_317 = tpu.memref_squeeze %dma_start3A_316 : memref<1x128xi32, #tpu.memory_space<vmem>> -> memref<128xi32, #tpu.memory_space<vmem>>
        %dma_start3A_318 = arith.constant 0 : i32
        %dma_start3A_319 = arith.constant 0 : i32
        %dma_start3A_320 = tpu.memref_slice %arg2[%dma_start3A_318, %dma_start3A_319] : memref<10240x32xf32, #tpu.memory_space<hbm>> -> memref<10240x32xf32, #tpu.memory_space<hbm>>
        tpu.enqueue_indirect_dma source(%dma_start3A_320 : memref<10240x32xf32, #tpu.memory_space<hbm>>) target(%arg15 : memref<128x32xf32, #tpu.memory_space<vmem>>) offsets(%dma_start3A_317 : memref<128xi32, #tpu.memory_space<vmem>>) semaphore(%arg24 : memref<!tpu.dma_semaphore, #tpu.memory_space<semaphore_mem>>)
      } else {
      }
      %dma_wait3A_194 = arith.constant 0 : i32
      %dma_wait3A_195 = tpu.memref_slice %arg7[%add3A_186, %dma_wait3A_194] : memref<80x128xi32, #tpu.memory_space<vmem>> -> memref<1x128xi32, #tpu.memory_space<vmem>>
      %dma_wait3A_196 = tpu.memref_squeeze %dma_wait3A_195 : memref<1x128xi32, #tpu.memory_space<vmem>> -> memref<128xi32, #tpu.memory_space<vmem>>
      %dma_wait3A_197 = arith.constant 0 : i32
      %dma_wait3A_198 = arith.constant 0 : i32
      %dma_wait3A_199 = tpu.memref_slice %arg2[%dma_wait3A_197, %dma_wait3A_198] : memref<10240x32xf32, #tpu.memory_space<hbm>> -> memref<10240x32xf32, #tpu.memory_space<hbm>>
      tpu.wait_indirect_dma semaphore(%arg20 : memref<!tpu.dma_semaphore, #tpu.memory_space<semaphore_mem>>) src(%dma_wait3A_199 : memref<10240x32xf32, #tpu.memory_space<hbm>>) dst(%arg11 : memref<128x32xf32, #tpu.memory_space<vmem>>)
      %dma_start3A_200 = arith.constant 0 : i32
      %dma_start3A_201 = tpu.memref_slice %arg8[%add3A_186, %dma_start3A_200] : memref<80x128xi32, #tpu.memory_space<vmem>> -> memref<1x128xi32, #tpu.memory_space<vmem>>
      %dma_start3A_202 = tpu.memref_squeeze %dma_start3A_201 : memref<1x128xi32, #tpu.memory_space<vmem>> -> memref<128xi32, #tpu.memory_space<vmem>>
      %dma_start3A_203 = arith.constant 0 : i32
      %dma_start3A_204 = arith.constant 0 : i32
      %dma_start3A_205 = tpu.memref_slice %arg17[%dma_start3A_203, %dma_start3A_204] : memref<10240x32xf32, #tpu.memory_space<vmem_shared>> -> memref<10240x32xf32, #tpu.memory_space<vmem_shared>>
      tpu.enqueue_indirect_dma source(%arg11 : memref<128x32xf32, #tpu.memory_space<vmem>>) target(%dma_start3A_205 : memref<10240x32xf32, #tpu.memory_space<vmem_shared>>) offsets(%dma_start3A_202 : memref<128xi32, #tpu.memory_space<vmem>>) semaphore(%arg28 : memref<!tpu.dma_semaphore, #tpu.memory_space<semaphore_mem>>) {add = true}
      %add3A_206 = arith.constant 3 : i32
      %add3A_207 = arith.addi %mul3A_143, %add3A_206 : i32
      %add3A_208 = arith.constant 4 : i32
      %add3A_209 = arith.addi %add3A_207, %add3A_208 : i32
      %lt3A_210 = arith.constant 80 : i32
      %lt3A_211 = arith.cmpi slt, %add3A_209, %lt3A_210 : i32
      %convert_element_type3A_212 = arith.extui %lt3A_211 : i1 to i32
      %cond3A_213 = arith.constant 0 : i32
      %cond3A_214 = arith.cmpi ne, %convert_element_type3A_212, %cond3A_213 : i32
      scf.if %cond3A_214 {
        %ge3A = arith.constant 4 : i32
        %ge3A_311 = arith.cmpi sge, %add3A_207, %ge3A : i32
        %convert_element_type3A_312 = arith.extui %ge3A_311 : i1 to i32
        %cond3A_313 = arith.constant 0 : i32
        %cond3A_314 = arith.cmpi ne, %convert_element_type3A_312, %cond3A_313 : i32
        scf.if %cond3A_314 {
          %sub3A = arith.constant 8 : i32
          %sub3A_321 = arith.subi %add3A_209, %sub3A : i32
          %dma_wait3A_322 = arith.constant 0 : i32
          %dma_wait3A_323 = tpu.memref_slice %arg8[%sub3A_321, %dma_wait3A_322] : memref<80x128xi32, #tpu.memory_space<vmem>> -> memref<1x128xi32, #tpu.memory_space<vmem>>
          %dma_wait3A_324 = tpu.memref_squeeze %dma_wait3A_323 : memref<1x128xi32, #tpu.memory_space<vmem>> -> memref<128xi32, #tpu.memory_space<vmem>>
          %dma_wait3A_325 = arith.constant 0 : i32
          %dma_wait3A_326 = arith.constant 0 : i32
          %dma_wait3A_327 = tpu.memref_slice %arg17[%dma_wait3A_325, %dma_wait3A_326] : memref<10240x32xf32, #tpu.memory_space<vmem_shared>> -> memref<10240x32xf32, #tpu.memory_space<vmem_shared>>
          tpu.wait_indirect_dma semaphore(%arg33 : memref<!tpu.dma_semaphore, #tpu.memory_space<semaphore_mem>>) src(%arg16 : memref<128x32xf32, #tpu.memory_space<vmem>>) dst(%dma_wait3A_327 : memref<10240x32xf32, #tpu.memory_space<vmem_shared>>)
        } else {
        }
        %dma_start3A_315 = arith.constant 0 : i32
        %dma_start3A_316 = tpu.memref_slice %arg7[%add3A_209, %dma_start3A_315] : memref<80x128xi32, #tpu.memory_space<vmem>> -> memref<1x128xi32, #tpu.memory_space<vmem>>
        %dma_start3A_317 = tpu.memref_squeeze %dma_start3A_316 : memref<1x128xi32, #tpu.memory_space<vmem>> -> memref<128xi32, #tpu.memory_space<vmem>>
        %dma_start3A_318 = arith.constant 0 : i32
        %dma_start3A_319 = arith.constant 0 : i32
        %dma_start3A_320 = tpu.memref_slice %arg2[%dma_start3A_318, %dma_start3A_319] : memref<10240x32xf32, #tpu.memory_space<hbm>> -> memref<10240x32xf32, #tpu.memory_space<hbm>>
        tpu.enqueue_indirect_dma source(%dma_start3A_320 : memref<10240x32xf32, #tpu.memory_space<hbm>>) target(%arg16 : memref<128x32xf32, #tpu.memory_space<vmem>>) offsets(%dma_start3A_317 : memref<128xi32, #tpu.memory_space<vmem>>) semaphore(%arg25 : memref<!tpu.dma_semaphore, #tpu.memory_space<semaphore_mem>>)
      } else {
      }
      %dma_wait3A_215 = arith.constant 0 : i32
      %dma_wait3A_216 = tpu.memref_slice %arg7[%add3A_207, %dma_wait3A_215] : memref<80x128xi32, #tpu.memory_space<vmem>> -> memref<1x128xi32, #tpu.memory_space<vmem>>
      %dma_wait3A_217 = tpu.memref_squeeze %dma_wait3A_216 : memref<1x128xi32, #tpu.memory_space<vmem>> -> memref<128xi32, #tpu.memory_space<vmem>>
      %dma_wait3A_218 = arith.constant 0 : i32
      %dma_wait3A_219 = arith.constant 0 : i32
      %dma_wait3A_220 = tpu.memref_slice %arg2[%dma_wait3A_218, %dma_wait3A_219] : memref<10240x32xf32, #tpu.memory_space<hbm>> -> memref<10240x32xf32, #tpu.memory_space<hbm>>
      tpu.wait_indirect_dma semaphore(%arg21 : memref<!tpu.dma_semaphore, #tpu.memory_space<semaphore_mem>>) src(%dma_wait3A_220 : memref<10240x32xf32, #tpu.memory_space<hbm>>) dst(%arg12 : memref<128x32xf32, #tpu.memory_space<vmem>>)
      %dma_start3A_221 = arith.constant 0 : i32
      %dma_start3A_222 = tpu.memref_slice %arg8[%add3A_207, %dma_start3A_221] : memref<80x128xi32, #tpu.memory_space<vmem>> -> memref<1x128xi32, #tpu.memory_space<vmem>>
      %dma_start3A_223 = tpu.memref_squeeze %dma_start3A_222 : memref<1x128xi32, #tpu.memory_space<vmem>> -> memref<128xi32, #tpu.memory_space<vmem>>
      %dma_start3A_224 = arith.constant 0 : i32
      %dma_start3A_225 = arith.constant 0 : i32
      %dma_start3A_226 = tpu.memref_slice %arg17[%dma_start3A_224, %dma_start3A_225] : memref<10240x32xf32, #tpu.memory_space<vmem_shared>> -> memref<10240x32xf32, #tpu.memory_space<vmem_shared>>
      tpu.enqueue_indirect_dma source(%arg12 : memref<128x32xf32, #tpu.memory_space<vmem>>) target(%dma_start3A_226 : memref<10240x32xf32, #tpu.memory_space<vmem_shared>>) offsets(%dma_start3A_223 : memref<128xi32, #tpu.memory_space<vmem>>) semaphore(%arg29 : memref<!tpu.dma_semaphore, #tpu.memory_space<semaphore_mem>>) {add = true}
      %add3A_227 = arith.constant 4 : i32
      %add3A_228 = arith.addi %mul3A_143, %add3A_227 : i32
      %add3A_229 = arith.constant 4 : i32
      %add3A_230 = arith.addi %add3A_228, %add3A_229 : i32
      %lt3A_231 = arith.constant 80 : i32
      %lt3A_232 = arith.cmpi slt, %add3A_230, %lt3A_231 : i32
      %convert_element_type3A_233 = arith.extui %lt3A_232 : i1 to i32
      %cond3A_234 = arith.constant 0 : i32
      %cond3A_235 = arith.cmpi ne, %convert_element_type3A_233, %cond3A_234 : i32
      scf.if %cond3A_235 {
        %ge3A = arith.constant 4 : i32
        %ge3A_311 = arith.cmpi sge, %add3A_228, %ge3A : i32
        %convert_element_type3A_312 = arith.extui %ge3A_311 : i1 to i32
        %cond3A_313 = arith.constant 0 : i32
        %cond3A_314 = arith.cmpi ne, %convert_element_type3A_312, %cond3A_313 : i32
        scf.if %cond3A_314 {
          %sub3A = arith.constant 8 : i32
          %sub3A_321 = arith.subi %add3A_230, %sub3A : i32
          %dma_wait3A_322 = arith.constant 0 : i32
          %dma_wait3A_323 = tpu.memref_slice %arg8[%sub3A_321, %dma_wait3A_322] : memref<80x128xi32, #tpu.memory_space<vmem>> -> memref<1x128xi32, #tpu.memory_space<vmem>>
          %dma_wait3A_324 = tpu.memref_squeeze %dma_wait3A_323 : memref<1x128xi32, #tpu.memory_space<vmem>> -> memref<128xi32, #tpu.memory_space<vmem>>
          %dma_wait3A_325 = arith.constant 0 : i32
          %dma_wait3A_326 = arith.constant 0 : i32
          %dma_wait3A_327 = tpu.memref_slice %arg17[%dma_wait3A_325, %dma_wait3A_326] : memref<10240x32xf32, #tpu.memory_space<vmem_shared>> -> memref<10240x32xf32, #tpu.memory_space<vmem_shared>>
          tpu.wait_indirect_dma semaphore(%arg26 : memref<!tpu.dma_semaphore, #tpu.memory_space<semaphore_mem>>) src(%arg9 : memref<128x32xf32, #tpu.memory_space<vmem>>) dst(%dma_wait3A_327 : memref<10240x32xf32, #tpu.memory_space<vmem_shared>>)
        } else {
        }
        %dma_start3A_315 = arith.constant 0 : i32
        %dma_start3A_316 = tpu.memref_slice %arg7[%add3A_230, %dma_start3A_315] : memref<80x128xi32, #tpu.memory_space<vmem>> -> memref<1x128xi32, #tpu.memory_space<vmem>>
        %dma_start3A_317 = tpu.memref_squeeze %dma_start3A_316 : memref<1x128xi32, #tpu.memory_space<vmem>> -> memref<128xi32, #tpu.memory_space<vmem>>
        %dma_start3A_318 = arith.constant 0 : i32
        %dma_start3A_319 = arith.constant 0 : i32
        %dma_start3A_320 = tpu.memref_slice %arg2[%dma_start3A_318, %dma_start3A_319] : memref<10240x32xf32, #tpu.memory_space<hbm>> -> memref<10240x32xf32, #tpu.memory_space<hbm>>
        tpu.enqueue_indirect_dma source(%dma_start3A_320 : memref<10240x32xf32, #tpu.memory_space<hbm>>) target(%arg9 : memref<128x32xf32, #tpu.memory_space<vmem>>) offsets(%dma_start3A_317 : memref<128xi32, #tpu.memory_space<vmem>>) semaphore(%arg18 : memref<!tpu.dma_semaphore, #tpu.memory_space<semaphore_mem>>)
      } else {
      }
      %dma_wait3A_236 = arith.constant 0 : i32
      %dma_wait3A_237 = tpu.memref_slice %arg7[%add3A_228, %dma_wait3A_236] : memref<80x128xi32, #tpu.memory_space<vmem>> -> memref<1x128xi32, #tpu.memory_space<vmem>>
      %dma_wait3A_238 = tpu.memref_squeeze %dma_wait3A_237 : memref<1x128xi32, #tpu.memory_space<vmem>> -> memref<128xi32, #tpu.memory_space<vmem>>
      %dma_wait3A_239 = arith.constant 0 : i32
      %dma_wait3A_240 = arith.constant 0 : i32
      %dma_wait3A_241 = tpu.memref_slice %arg2[%dma_wait3A_239, %dma_wait3A_240] : memref<10240x32xf32, #tpu.memory_space<hbm>> -> memref<10240x32xf32, #tpu.memory_space<hbm>>
      tpu.wait_indirect_dma semaphore(%arg22 : memref<!tpu.dma_semaphore, #tpu.memory_space<semaphore_mem>>) src(%dma_wait3A_241 : memref<10240x32xf32, #tpu.memory_space<hbm>>) dst(%arg13 : memref<128x32xf32, #tpu.memory_space<vmem>>)
      %dma_start3A_242 = arith.constant 0 : i32
      %dma_start3A_243 = tpu.memref_slice %arg8[%add3A_228, %dma_start3A_242] : memref<80x128xi32, #tpu.memory_space<vmem>> -> memref<1x128xi32, #tpu.memory_space<vmem>>
      %dma_start3A_244 = tpu.memref_squeeze %dma_start3A_243 : memref<1x128xi32, #tpu.memory_space<vmem>> -> memref<128xi32, #tpu.memory_space<vmem>>
      %dma_start3A_245 = arith.constant 0 : i32
      %dma_start3A_246 = arith.constant 0 : i32
      %dma_start3A_247 = tpu.memref_slice %arg17[%dma_start3A_245, %dma_start3A_246] : memref<10240x32xf32, #tpu.memory_space<vmem_shared>> -> memref<10240x32xf32, #tpu.memory_space<vmem_shared>>
      tpu.enqueue_indirect_dma source(%arg13 : memref<128x32xf32, #tpu.memory_space<vmem>>) target(%dma_start3A_247 : memref<10240x32xf32, #tpu.memory_space<vmem_shared>>) offsets(%dma_start3A_244 : memref<128xi32, #tpu.memory_space<vmem>>) semaphore(%arg30 : memref<!tpu.dma_semaphore, #tpu.memory_space<semaphore_mem>>) {add = true}
      %add3A_248 = arith.constant 5 : i32
      %add3A_249 = arith.addi %mul3A_143, %add3A_248 : i32
      %add3A_250 = arith.constant 4 : i32
      %add3A_251 = arith.addi %add3A_249, %add3A_250 : i32
      %lt3A_252 = arith.constant 80 : i32
      %lt3A_253 = arith.cmpi slt, %add3A_251, %lt3A_252 : i32
      %convert_element_type3A_254 = arith.extui %lt3A_253 : i1 to i32
      %cond3A_255 = arith.constant 0 : i32
      %cond3A_256 = arith.cmpi ne, %convert_element_type3A_254, %cond3A_255 : i32
      scf.if %cond3A_256 {
        %ge3A = arith.constant 4 : i32
        %ge3A_311 = arith.cmpi sge, %add3A_249, %ge3A : i32
        %convert_element_type3A_312 = arith.extui %ge3A_311 : i1 to i32
        %cond3A_313 = arith.constant 0 : i32
        %cond3A_314 = arith.cmpi ne, %convert_element_type3A_312, %cond3A_313 : i32
        scf.if %cond3A_314 {
          %sub3A = arith.constant 8 : i32
          %sub3A_321 = arith.subi %add3A_251, %sub3A : i32
          %dma_wait3A_322 = arith.constant 0 : i32
          %dma_wait3A_323 = tpu.memref_slice %arg8[%sub3A_321, %dma_wait3A_322] : memref<80x128xi32, #tpu.memory_space<vmem>> -> memref<1x128xi32, #tpu.memory_space<vmem>>
          %dma_wait3A_324 = tpu.memref_squeeze %dma_wait3A_323 : memref<1x128xi32, #tpu.memory_space<vmem>> -> memref<128xi32, #tpu.memory_space<vmem>>
          %dma_wait3A_325 = arith.constant 0 : i32
          %dma_wait3A_326 = arith.constant 0 : i32
          %dma_wait3A_327 = tpu.memref_slice %arg17[%dma_wait3A_325, %dma_wait3A_326] : memref<10240x32xf32, #tpu.memory_space<vmem_shared>> -> memref<10240x32xf32, #tpu.memory_space<vmem_shared>>
          tpu.wait_indirect_dma semaphore(%arg27 : memref<!tpu.dma_semaphore, #tpu.memory_space<semaphore_mem>>) src(%arg10 : memref<128x32xf32, #tpu.memory_space<vmem>>) dst(%dma_wait3A_327 : memref<10240x32xf32, #tpu.memory_space<vmem_shared>>)
        } else {
        }
        %dma_start3A_315 = arith.constant 0 : i32
        %dma_start3A_316 = tpu.memref_slice %arg7[%add3A_251, %dma_start3A_315] : memref<80x128xi32, #tpu.memory_space<vmem>> -> memref<1x128xi32, #tpu.memory_space<vmem>>
        %dma_start3A_317 = tpu.memref_squeeze %dma_start3A_316 : memref<1x128xi32, #tpu.memory_space<vmem>> -> memref<128xi32, #tpu.memory_space<vmem>>
        %dma_start3A_318 = arith.constant 0 : i32
        %dma_start3A_319 = arith.constant 0 : i32
        %dma_start3A_320 = tpu.memref_slice %arg2[%dma_start3A_318, %dma_start3A_319] : memref<10240x32xf32, #tpu.memory_space<hbm>> -> memref<10240x32xf32, #tpu.memory_space<hbm>>
        tpu.enqueue_indirect_dma source(%dma_start3A_320 : memref<10240x32xf32, #tpu.memory_space<hbm>>) target(%arg10 : memref<128x32xf32, #tpu.memory_space<vmem>>) offsets(%dma_start3A_317 : memref<128xi32, #tpu.memory_space<vmem>>) semaphore(%arg19 : memref<!tpu.dma_semaphore, #tpu.memory_space<semaphore_mem>>)
      } else {
      }
      %dma_wait3A_257 = arith.constant 0 : i32
      %dma_wait3A_258 = tpu.memref_slice %arg7[%add3A_249, %dma_wait3A_257] : memref<80x128xi32, #tpu.memory_space<vmem>> -> memref<1x128xi32, #tpu.memory_space<vmem>>
      %dma_wait3A_259 = tpu.memref_squeeze %dma_wait3A_258 : memref<1x128xi32, #tpu.memory_space<vmem>> -> memref<128xi32, #tpu.memory_space<vmem>>
      %dma_wait3A_260 = arith.constant 0 : i32
      %dma_wait3A_261 = arith.constant 0 : i32
      %dma_wait3A_262 = tpu.memref_slice %arg2[%dma_wait3A_260, %dma_wait3A_261] : memref<10240x32xf32, #tpu.memory_space<hbm>> -> memref<10240x32xf32, #tpu.memory_space<hbm>>
      tpu.wait_indirect_dma semaphore(%arg23 : memref<!tpu.dma_semaphore, #tpu.memory_space<semaphore_mem>>) src(%dma_wait3A_262 : memref<10240x32xf32, #tpu.memory_space<hbm>>) dst(%arg14 : memref<128x32xf32, #tpu.memory_space<vmem>>)
      %dma_start3A_263 = arith.constant 0 : i32
      %dma_start3A_264 = tpu.memref_slice %arg8[%add3A_249, %dma_start3A_263] : memref<80x128xi32, #tpu.memory_space<vmem>> -> memref<1x128xi32, #tpu.memory_space<vmem>>
      %dma_start3A_265 = tpu.memref_squeeze %dma_start3A_264 : memref<1x128xi32, #tpu.memory_space<vmem>> -> memref<128xi32, #tpu.memory_space<vmem>>
      %dma_start3A_266 = arith.constant 0 : i32
      %dma_start3A_267 = arith.constant 0 : i32
      %dma_start3A_268 = tpu.memref_slice %arg17[%dma_start3A_266, %dma_start3A_267] : memref<10240x32xf32, #tpu.memory_space<vmem_shared>> -> memref<10240x32xf32, #tpu.memory_space<vmem_shared>>
      tpu.enqueue_indirect_dma source(%arg14 : memref<128x32xf32, #tpu.memory_space<vmem>>) target(%dma_start3A_268 : memref<10240x32xf32, #tpu.memory_space<vmem_shared>>) offsets(%dma_start3A_265 : memref<128xi32, #tpu.memory_space<vmem>>) semaphore(%arg31 : memref<!tpu.dma_semaphore, #tpu.memory_space<semaphore_mem>>) {add = true}
      %add3A_269 = arith.constant 6 : i32
      %add3A_270 = arith.addi %mul3A_143, %add3A_269 : i32
      %add3A_271 = arith.constant 4 : i32
      %add3A_272 = arith.addi %add3A_270, %add3A_271 : i32
      %lt3A_273 = arith.constant 80 : i32
      %lt3A_274 = arith.cmpi slt, %add3A_272, %lt3A_273 : i32
      %convert_element_type3A_275 = arith.extui %lt3A_274 : i1 to i32
      %cond3A_276 = arith.constant 0 : i32
      %cond3A_277 = arith.cmpi ne, %convert_element_type3A_275, %cond3A_276 : i32
      scf.if %cond3A_277 {
        %ge3A = arith.constant 4 : i32
        %ge3A_311 = arith.cmpi sge, %add3A_270, %ge3A : i32
        %convert_element_type3A_312 = arith.extui %ge3A_311 : i1 to i32
        %cond3A_313 = arith.constant 0 : i32
        %cond3A_314 = arith.cmpi ne, %convert_element_type3A_312, %cond3A_313 : i32
        scf.if %cond3A_314 {
          %sub3A = arith.constant 8 : i32
          %sub3A_321 = arith.subi %add3A_272, %sub3A : i32
          %dma_wait3A_322 = arith.constant 0 : i32
          %dma_wait3A_323 = tpu.memref_slice %arg8[%sub3A_321, %dma_wait3A_322] : memref<80x128xi32, #tpu.memory_space<vmem>> -> memref<1x128xi32, #tpu.memory_space<vmem>>
          %dma_wait3A_324 = tpu.memref_squeeze %dma_wait3A_323 : memref<1x128xi32, #tpu.memory_space<vmem>> -> memref<128xi32, #tpu.memory_space<vmem>>
          %dma_wait3A_325 = arith.constant 0 : i32
          %dma_wait3A_326 = arith.constant 0 : i32
          %dma_wait3A_327 = tpu.memref_slice %arg17[%dma_wait3A_325, %dma_wait3A_326] : memref<10240x32xf32, #tpu.memory_space<vmem_shared>> -> memref<10240x32xf32, #tpu.memory_space<vmem_shared>>
          tpu.wait_indirect_dma semaphore(%arg28 : memref<!tpu.dma_semaphore, #tpu.memory_space<semaphore_mem>>) src(%arg11 : memref<128x32xf32, #tpu.memory_space<vmem>>) dst(%dma_wait3A_327 : memref<10240x32xf32, #tpu.memory_space<vmem_shared>>)
        } else {
        }
        %dma_start3A_315 = arith.constant 0 : i32
        %dma_start3A_316 = tpu.memref_slice %arg7[%add3A_272, %dma_start3A_315] : memref<80x128xi32, #tpu.memory_space<vmem>> -> memref<1x128xi32, #tpu.memory_space<vmem>>
        %dma_start3A_317 = tpu.memref_squeeze %dma_start3A_316 : memref<1x128xi32, #tpu.memory_space<vmem>> -> memref<128xi32, #tpu.memory_space<vmem>>
        %dma_start3A_318 = arith.constant 0 : i32
        %dma_start3A_319 = arith.constant 0 : i32
        %dma_start3A_320 = tpu.memref_slice %arg2[%dma_start3A_318, %dma_start3A_319] : memref<10240x32xf32, #tpu.memory_space<hbm>> -> memref<10240x32xf32, #tpu.memory_space<hbm>>
        tpu.enqueue_indirect_dma source(%dma_start3A_320 : memref<10240x32xf32, #tpu.memory_space<hbm>>) target(%arg11 : memref<128x32xf32, #tpu.memory_space<vmem>>) offsets(%dma_start3A_317 : memref<128xi32, #tpu.memory_space<vmem>>) semaphore(%arg20 : memref<!tpu.dma_semaphore, #tpu.memory_space<semaphore_mem>>)
      } else {
      }
      %dma_wait3A_278 = arith.constant 0 : i32
      %dma_wait3A_279 = tpu.memref_slice %arg7[%add3A_270, %dma_wait3A_278] : memref<80x128xi32, #tpu.memory_space<vmem>> -> memref<1x128xi32, #tpu.memory_space<vmem>>
      %dma_wait3A_280 = tpu.memref_squeeze %dma_wait3A_279 : memref<1x128xi32, #tpu.memory_space<vmem>> -> memref<128xi32, #tpu.memory_space<vmem>>
      %dma_wait3A_281 = arith.constant 0 : i32
      %dma_wait3A_282 = arith.constant 0 : i32
      %dma_wait3A_283 = tpu.memref_slice %arg2[%dma_wait3A_281, %dma_wait3A_282] : memref<10240x32xf32, #tpu.memory_space<hbm>> -> memref<10240x32xf32, #tpu.memory_space<hbm>>
      tpu.wait_indirect_dma semaphore(%arg24 : memref<!tpu.dma_semaphore, #tpu.memory_space<semaphore_mem>>) src(%dma_wait3A_283 : memref<10240x32xf32, #tpu.memory_space<hbm>>) dst(%arg15 : memref<128x32xf32, #tpu.memory_space<vmem>>)
      %dma_start3A_284 = arith.constant 0 : i32
      %dma_start3A_285 = tpu.memref_slice %arg8[%add3A_270, %dma_start3A_284] : memref<80x128xi32, #tpu.memory_space<vmem>> -> memref<1x128xi32, #tpu.memory_space<vmem>>
      %dma_start3A_286 = tpu.memref_squeeze %dma_start3A_285 : memref<1x128xi32, #tpu.memory_space<vmem>> -> memref<128xi32, #tpu.memory_space<vmem>>
      %dma_start3A_287 = arith.constant 0 : i32
      %dma_start3A_288 = arith.constant 0 : i32
      %dma_start3A_289 = tpu.memref_slice %arg17[%dma_start3A_287, %dma_start3A_288] : memref<10240x32xf32, #tpu.memory_space<vmem_shared>> -> memref<10240x32xf32, #tpu.memory_space<vmem_shared>>
      tpu.enqueue_indirect_dma source(%arg15 : memref<128x32xf32, #tpu.memory_space<vmem>>) target(%dma_start3A_289 : memref<10240x32xf32, #tpu.memory_space<vmem_shared>>) offsets(%dma_start3A_286 : memref<128xi32, #tpu.memory_space<vmem>>) semaphore(%arg32 : memref<!tpu.dma_semaphore, #tpu.memory_space<semaphore_mem>>) {add = true}
      %add3A_290 = arith.constant 7 : i32
      %add3A_291 = arith.addi %mul3A_143, %add3A_290 : i32
      %add3A_292 = arith.constant 4 : i32
      %add3A_293 = arith.addi %add3A_291, %add3A_292 : i32
      %lt3A_294 = arith.constant 80 : i32
      %lt3A_295 = arith.cmpi slt, %add3A_293, %lt3A_294 : i32
      %convert_element_type3A_296 = arith.extui %lt3A_295 : i1 to i32
      %cond3A_297 = arith.constant 0 : i32
      %cond3A_298 = arith.cmpi ne, %convert_element_type3A_296, %cond3A_297 : i32
      scf.if %cond3A_298 {
        %ge3A = arith.constant 4 : i32
        %ge3A_311 = arith.cmpi sge, %add3A_291, %ge3A : i32
        %convert_element_type3A_312 = arith.extui %ge3A_311 : i1 to i32
        %cond3A_313 = arith.constant 0 : i32
        %cond3A_314 = arith.cmpi ne, %convert_element_type3A_312, %cond3A_313 : i32
        scf.if %cond3A_314 {
          %sub3A = arith.constant 8 : i32
          %sub3A_321 = arith.subi %add3A_293, %sub3A : i32
          %dma_wait3A_322 = arith.constant 0 : i32
          %dma_wait3A_323 = tpu.memref_slice %arg8[%sub3A_321, %dma_wait3A_322] : memref<80x128xi32, #tpu.memory_space<vmem>> -> memref<1x128xi32, #tpu.memory_space<vmem>>
          %dma_wait3A_324 = tpu.memref_squeeze %dma_wait3A_323 : memref<1x128xi32, #tpu.memory_space<vmem>> -> memref<128xi32, #tpu.memory_space<vmem>>
          %dma_wait3A_325 = arith.constant 0 : i32
          %dma_wait3A_326 = arith.constant 0 : i32
          %dma_wait3A_327 = tpu.memref_slice %arg17[%dma_wait3A_325, %dma_wait3A_326] : memref<10240x32xf32, #tpu.memory_space<vmem_shared>> -> memref<10240x32xf32, #tpu.memory_space<vmem_shared>>
          tpu.wait_indirect_dma semaphore(%arg29 : memref<!tpu.dma_semaphore, #tpu.memory_space<semaphore_mem>>) src(%arg12 : memref<128x32xf32, #tpu.memory_space<vmem>>) dst(%dma_wait3A_327 : memref<10240x32xf32, #tpu.memory_space<vmem_shared>>)
        } else {
        }
        %dma_start3A_315 = arith.constant 0 : i32
        %dma_start3A_316 = tpu.memref_slice %arg7[%add3A_293, %dma_start3A_315] : memref<80x128xi32, #tpu.memory_space<vmem>> -> memref<1x128xi32, #tpu.memory_space<vmem>>
        %dma_start3A_317 = tpu.memref_squeeze %dma_start3A_316 : memref<1x128xi32, #tpu.memory_space<vmem>> -> memref<128xi32, #tpu.memory_space<vmem>>
        %dma_start3A_318 = arith.constant 0 : i32
        %dma_start3A_319 = arith.constant 0 : i32
        %dma_start3A_320 = tpu.memref_slice %arg2[%dma_start3A_318, %dma_start3A_319] : memref<10240x32xf32, #tpu.memory_space<hbm>> -> memref<10240x32xf32, #tpu.memory_space<hbm>>
        tpu.enqueue_indirect_dma source(%dma_start3A_320 : memref<10240x32xf32, #tpu.memory_space<hbm>>) target(%arg12 : memref<128x32xf32, #tpu.memory_space<vmem>>) offsets(%dma_start3A_317 : memref<128xi32, #tpu.memory_space<vmem>>) semaphore(%arg21 : memref<!tpu.dma_semaphore, #tpu.memory_space<semaphore_mem>>)
      } else {
      }
      %dma_wait3A_299 = arith.constant 0 : i32
      %dma_wait3A_300 = tpu.memref_slice %arg7[%add3A_291, %dma_wait3A_299] : memref<80x128xi32, #tpu.memory_space<vmem>> -> memref<1x128xi32, #tpu.memory_space<vmem>>
      %dma_wait3A_301 = tpu.memref_squeeze %dma_wait3A_300 : memref<1x128xi32, #tpu.memory_space<vmem>> -> memref<128xi32, #tpu.memory_space<vmem>>
      %dma_wait3A_302 = arith.constant 0 : i32
      %dma_wait3A_303 = arith.constant 0 : i32
      %dma_wait3A_304 = tpu.memref_slice %arg2[%dma_wait3A_302, %dma_wait3A_303] : memref<10240x32xf32, #tpu.memory_space<hbm>> -> memref<10240x32xf32, #tpu.memory_space<hbm>>
      tpu.wait_indirect_dma semaphore(%arg25 : memref<!tpu.dma_semaphore, #tpu.memory_space<semaphore_mem>>) src(%dma_wait3A_304 : memref<10240x32xf32, #tpu.memory_space<hbm>>) dst(%arg16 : memref<128x32xf32, #tpu.memory_space<vmem>>)
      %dma_start3A_305 = arith.constant 0 : i32
      %dma_start3A_306 = tpu.memref_slice %arg8[%add3A_291, %dma_start3A_305] : memref<80x128xi32, #tpu.memory_space<vmem>> -> memref<1x128xi32, #tpu.memory_space<vmem>>
      %dma_start3A_307 = tpu.memref_squeeze %dma_start3A_306 : memref<1x128xi32, #tpu.memory_space<vmem>> -> memref<128xi32, #tpu.memory_space<vmem>>
      %dma_start3A_308 = arith.constant 0 : i32
      %dma_start3A_309 = arith.constant 0 : i32
      %dma_start3A_310 = tpu.memref_slice %arg17[%dma_start3A_308, %dma_start3A_309] : memref<10240x32xf32, #tpu.memory_space<vmem_shared>> -> memref<10240x32xf32, #tpu.memory_space<vmem_shared>>
      tpu.enqueue_indirect_dma source(%arg16 : memref<128x32xf32, #tpu.memory_space<vmem>>) target(%dma_start3A_310 : memref<10240x32xf32, #tpu.memory_space<vmem_shared>>) offsets(%dma_start3A_307 : memref<128xi32, #tpu.memory_space<vmem>>) semaphore(%arg33 : memref<!tpu.dma_semaphore, #tpu.memory_space<semaphore_mem>>) {add = true}
    }
    %scan3A_76 = arith.constant 10 : i32
    %dma_wait3A_77 = arith.constant 72 : i32
    %dma_wait3A_78 = arith.constant 0 : i32
    %dma_wait3A_79 = tpu.memref_slice %arg8[%dma_wait3A_77, %dma_wait3A_78] : memref<80x128xi32, #tpu.memory_space<vmem>> -> memref<1x128xi32, #tpu.memory_space<vmem>>
    %dma_wait3A_80 = tpu.memref_squeeze %dma_wait3A_79 : memref<1x128xi32, #tpu.memory_space<vmem>> -> memref<128xi32, #tpu.memory_space<vmem>>
    %dma_wait3A_81 = arith.constant 0 : i32
    %dma_wait3A_82 = arith.constant 0 : i32
    %dma_wait3A_83 = tpu.memref_slice %arg17[%dma_wait3A_81, %dma_wait3A_82] : memref<10240x32xf32, #tpu.memory_space<vmem_shared>> -> memref<10240x32xf32, #tpu.memory_space<vmem_shared>>
    tpu.wait_indirect_dma semaphore(%arg26 : memref<!tpu.dma_semaphore, #tpu.memory_space<semaphore_mem>>) src(%arg9 : memref<128x32xf32, #tpu.memory_space<vmem>>) dst(%dma_wait3A_83 : memref<10240x32xf32, #tpu.memory_space<vmem_shared>>)
    %dma_wait3A_84 = arith.constant 73 : i32
    %dma_wait3A_85 = arith.constant 0 : i32
    %dma_wait3A_86 = tpu.memref_slice %arg8[%dma_wait3A_84, %dma_wait3A_85] : memref<80x128xi32, #tpu.memory_space<vmem>> -> memref<1x128xi32, #tpu.memory_space<vmem>>
    %dma_wait3A_87 = tpu.memref_squeeze %dma_wait3A_86 : memref<1x128xi32, #tpu.memory_space<vmem>> -> memref<128xi32, #tpu.memory_space<vmem>>
    %dma_wait3A_88 = arith.constant 0 : i32
    %dma_wait3A_89 = arith.constant 0 : i32
    %dma_wait3A_90 = tpu.memref_slice %arg17[%dma_wait3A_88, %dma_wait3A_89] : memref<10240x32xf32, #tpu.memory_space<vmem_shared>> -> memref<10240x32xf32, #tpu.memory_space<vmem_shared>>
    tpu.wait_indirect_dma semaphore(%arg27 : memref<!tpu.dma_semaphore, #tpu.memory_space<semaphore_mem>>) src(%arg10 : memref<128x32xf32, #tpu.memory_space<vmem>>) dst(%dma_wait3A_90 : memref<10240x32xf32, #tpu.memory_space<vmem_shared>>)
    %dma_wait3A_91 = arith.constant 74 : i32
    %dma_wait3A_92 = arith.constant 0 : i32
    %dma_wait3A_93 = tpu.memref_slice %arg8[%dma_wait3A_91, %dma_wait3A_92] : memref<80x128xi32, #tpu.memory_space<vmem>> -> memref<1x128xi32, #tpu.memory_space<vmem>>
    %dma_wait3A_94 = tpu.memref_squeeze %dma_wait3A_93 : memref<1x128xi32, #tpu.memory_space<vmem>> -> memref<128xi32, #tpu.memory_space<vmem>>
    %dma_wait3A_95 = arith.constant 0 : i32
    %dma_wait3A_96 = arith.constant 0 : i32
    %dma_wait3A_97 = tpu.memref_slice %arg17[%dma_wait3A_95, %dma_wait3A_96] : memref<10240x32xf32, #tpu.memory_space<vmem_shared>> -> memref<10240x32xf32, #tpu.memory_space<vmem_shared>>
    tpu.wait_indirect_dma semaphore(%arg28 : memref<!tpu.dma_semaphore, #tpu.memory_space<semaphore_mem>>) src(%arg11 : memref<128x32xf32, #tpu.memory_space<vmem>>) dst(%dma_wait3A_97 : memref<10240x32xf32, #tpu.memory_space<vmem_shared>>)
    %dma_wait3A_98 = arith.constant 75 : i32
    %dma_wait3A_99 = arith.constant 0 : i32
    %dma_wait3A_100 = tpu.memref_slice %arg8[%dma_wait3A_98, %dma_wait3A_99] : memref<80x128xi32, #tpu.memory_space<vmem>> -> memref<1x128xi32, #tpu.memory_space<vmem>>
    %dma_wait3A_101 = tpu.memref_squeeze %dma_wait3A_100 : memref<1x128xi32, #tpu.memory_space<vmem>> -> memref<128xi32, #tpu.memory_space<vmem>>
    %dma_wait3A_102 = arith.constant 0 : i32
    %dma_wait3A_103 = arith.constant 0 : i32
    %dma_wait3A_104 = tpu.memref_slice %arg17[%dma_wait3A_102, %dma_wait3A_103] : memref<10240x32xf32, #tpu.memory_space<vmem_shared>> -> memref<10240x32xf32, #tpu.memory_space<vmem_shared>>
    tpu.wait_indirect_dma semaphore(%arg29 : memref<!tpu.dma_semaphore, #tpu.memory_space<semaphore_mem>>) src(%arg12 : memref<128x32xf32, #tpu.memory_space<vmem>>) dst(%dma_wait3A_104 : memref<10240x32xf32, #tpu.memory_space<vmem_shared>>)
    %dma_wait3A_105 = arith.constant 76 : i32
    %dma_wait3A_106 = arith.constant 0 : i32
    %dma_wait3A_107 = tpu.memref_slice %arg8[%dma_wait3A_105, %dma_wait3A_106] : memref<80x128xi32, #tpu.memory_space<vmem>> -> memref<1x128xi32, #tpu.memory_space<vmem>>
    %dma_wait3A_108 = tpu.memref_squeeze %dma_wait3A_107 : memref<1x128xi32, #tpu.memory_space<vmem>> -> memref<128xi32, #tpu.memory_space<vmem>>
    %dma_wait3A_109 = arith.constant 0 : i32
    %dma_wait3A_110 = arith.constant 0 : i32
    %dma_wait3A_111 = tpu.memref_slice %arg17[%dma_wait3A_109, %dma_wait3A_110] : memref<10240x32xf32, #tpu.memory_space<vmem_shared>> -> memref<10240x32xf32, #tpu.memory_space<vmem_shared>>
    tpu.wait_indirect_dma semaphore(%arg30 : memref<!tpu.dma_semaphore, #tpu.memory_space<semaphore_mem>>) src(%arg13 : memref<128x32xf32, #tpu.memory_space<vmem>>) dst(%dma_wait3A_111 : memref<10240x32xf32, #tpu.memory_space<vmem_shared>>)
    %dma_wait3A_112 = arith.constant 77 : i32
    %dma_wait3A_113 = arith.constant 0 : i32
    %dma_wait3A_114 = tpu.memref_slice %arg8[%dma_wait3A_112, %dma_wait3A_113] : memref<80x128xi32, #tpu.memory_space<vmem>> -> memref<1x128xi32, #tpu.memory_space<vmem>>
    %dma_wait3A_115 = tpu.memref_squeeze %dma_wait3A_114 : memref<1x128xi32, #tpu.memory_space<vmem>> -> memref<128xi32, #tpu.memory_space<vmem>>
    %dma_wait3A_116 = arith.constant 0 : i32
    %dma_wait3A_117 = arith.constant 0 : i32
    %dma_wait3A_118 = tpu.memref_slice %arg17[%dma_wait3A_116, %dma_wait3A_117] : memref<10240x32xf32, #tpu.memory_space<vmem_shared>> -> memref<10240x32xf32, #tpu.memory_space<vmem_shared>>
    tpu.wait_indirect_dma semaphore(%arg31 : memref<!tpu.dma_semaphore, #tpu.memory_space<semaphore_mem>>) src(%arg14 : memref<128x32xf32, #tpu.memory_space<vmem>>) dst(%dma_wait3A_118 : memref<10240x32xf32, #tpu.memory_space<vmem_shared>>)
    %dma_wait3A_119 = arith.constant 78 : i32
    %dma_wait3A_120 = arith.constant 0 : i32
    %dma_wait3A_121 = tpu.memref_slice %arg8[%dma_wait3A_119, %dma_wait3A_120] : memref<80x128xi32, #tpu.memory_space<vmem>> -> memref<1x128xi32, #tpu.memory_space<vmem>>
    %dma_wait3A_122 = tpu.memref_squeeze %dma_wait3A_121 : memref<1x128xi32, #tpu.memory_space<vmem>> -> memref<128xi32, #tpu.memory_space<vmem>>
    %dma_wait3A_123 = arith.constant 0 : i32
    %dma_wait3A_124 = arith.constant 0 : i32
    %dma_wait3A_125 = tpu.memref_slice %arg17[%dma_wait3A_123, %dma_wait3A_124] : memref<10240x32xf32, #tpu.memory_space<vmem_shared>> -> memref<10240x32xf32, #tpu.memory_space<vmem_shared>>
    tpu.wait_indirect_dma semaphore(%arg32 : memref<!tpu.dma_semaphore, #tpu.memory_space<semaphore_mem>>) src(%arg15 : memref<128x32xf32, #tpu.memory_space<vmem>>) dst(%dma_wait3A_125 : memref<10240x32xf32, #tpu.memory_space<vmem_shared>>)
    %dma_wait3A_126 = arith.constant 79 : i32
    %dma_wait3A_127 = arith.constant 0 : i32
    %dma_wait3A_128 = tpu.memref_slice %arg8[%dma_wait3A_126, %dma_wait3A_127] : memref<80x128xi32, #tpu.memory_space<vmem>> -> memref<1x128xi32, #tpu.memory_space<vmem>>
    %dma_wait3A_129 = tpu.memref_squeeze %dma_wait3A_128 : memref<1x128xi32, #tpu.memory_space<vmem>> -> memref<128xi32, #tpu.memory_space<vmem>>
    %dma_wait3A_130 = arith.constant 0 : i32
    %dma_wait3A_131 = arith.constant 0 : i32
    %dma_wait3A_132 = tpu.memref_slice %arg17[%dma_wait3A_130, %dma_wait3A_131] : memref<10240x32xf32, #tpu.memory_space<vmem_shared>> -> memref<10240x32xf32, #tpu.memory_space<vmem_shared>>
    tpu.wait_indirect_dma semaphore(%arg33 : memref<!tpu.dma_semaphore, #tpu.memory_space<semaphore_mem>>) src(%arg16 : memref<128x32xf32, #tpu.memory_space<vmem>>) dst(%dma_wait3A_132 : memref<10240x32xf32, #tpu.memory_space<vmem_shared>>)
    %barrier3A_133 = arith.constant 0 : index
    tpu.barrier barrier_id(%barrier3A_133)
    %eq3A = arith.constant 0 : i32
    %eq3A_134 = arith.cmpi eq, %arg0, %eq3A : i32
    %convert_element_type3A = arith.extui %eq3A_134 : i1 to i32
    %cond3A = arith.constant 0 : i32
    %cond3A_135 = arith.cmpi ne, %convert_element_type3A, %cond3A : i32
    scf.if %cond3A_135 {
      %scan3A_141 = arith.constant 0 : i32
      %scan3A_142 = arith.constant 0 : i32
      %scan3A_143 = arith.constant 5 : i32
      %scan3A_144 = arith.addi %scan3A_142, %scan3A_143 : i32
      %scan3A_145 = arith.constant 1 : i32
      scf.for %scan3A_147 = %scan3A_142 to %scan3A_144 step %scan3A_145  : i32 {
        %mul3A_148 = arith.constant 640 : i32
        %mul3A_149 = arith.muli %arg1, %mul3A_148 : i32
        %mul3A_150 = arith.constant 128 : i32
        %mul3A_151 = arith.muli %scan3A_147, %mul3A_150 : i32
        %add3A_152 = arith.addi %mul3A_149, %mul3A_151 : i32
        "tpu.region"() ({
          %run_scoped3A = tpu.sem_alloc : memref<!tpu.dma_semaphore, #tpu.memory_space<semaphore_mem>>
          %dma_start3A_158 = arith.constant 0 : i32
          %dma_start3A_159 = tpu.memref_slice %arg17[%add3A_152, %dma_start3A_158] : memref<10240x32xf32, #tpu.memory_space<vmem_shared>> -> memref<128x32xf32, #tpu.memory_space<vmem_shared>>
          %dma_start3A_160 = arith.constant 0 : i32
          %dma_start3A_161 = tpu.memref_slice %arg17[%add3A_152, %dma_start3A_160] : memref<10240x32xf32, #tpu.memory_space<vmem_shared>> -> memref<128x32xf32, #tpu.memory_space<vmem_shared>>
          tpu.enqueue_dma source(%dma_start3A_161 : memref<128x32xf32, #tpu.memory_space<vmem_shared>>) target(%arg9 : memref<128x32xf32, #tpu.memory_space<vmem>>) target_semaphore(%run_scoped3A : memref<!tpu.dma_semaphore, #tpu.memory_space<semaphore_mem>>)
          %dma_wait3A_162 = arith.constant 0 : i32
          %dma_wait3A_163 = tpu.memref_slice %arg17[%add3A_152, %dma_wait3A_162] : memref<10240x32xf32, #tpu.memory_space<vmem_shared>> -> memref<128x32xf32, #tpu.memory_space<vmem_shared>>
          %dma_wait3A_164 = arith.constant 0 : i32
          %dma_wait3A_165 = tpu.memref_slice %arg17[%add3A_152, %dma_wait3A_164] : memref<10240x32xf32, #tpu.memory_space<vmem_shared>> -> memref<128x32xf32, #tpu.memory_space<vmem_shared>>
          tpu.wait_dma2 semaphore(%run_scoped3A : memref<!tpu.dma_semaphore, #tpu.memory_space<semaphore_mem>>) src(%dma_wait3A_165 : memref<128x32xf32, #tpu.memory_space<vmem_shared>>) dst(%arg9 : memref<128x32xf32, #tpu.memory_space<vmem>>)
          tpu.yield
        }) : () -> ()
        %mul3A_153 = arith.constant 640 : i32
        %mul3A_154 = arith.muli %arg1, %mul3A_153 : i32
        %mul3A_155 = arith.constant 128 : i32
        %mul3A_156 = arith.muli %scan3A_147, %mul3A_155 : i32
        %add3A_157 = arith.addi %mul3A_154, %mul3A_156 : i32
        "tpu.region"() ({
          %run_scoped3A = tpu.sem_alloc : memref<!tpu.dma_semaphore, #tpu.memory_space<semaphore_mem>>
          %dma_start3A_158 = arith.constant 0 : i32
          %dma_start3A_159 = tpu.memref_slice %arg5[%add3A_157, %dma_start3A_158] : memref<10240x32xf32, #tpu.memory_space<hbm>> -> memref<128x32xf32, #tpu.memory_space<hbm>>
          %dma_start3A_160 = arith.constant 0 : i32
          %dma_start3A_161 = tpu.memref_slice %arg5[%add3A_157, %dma_start3A_160] : memref<10240x32xf32, #tpu.memory_space<hbm>> -> memref<128x32xf32, #tpu.memory_space<hbm>>
          tpu.enqueue_dma source(%arg9 : memref<128x32xf32, #tpu.memory_space<vmem>>) target(%dma_start3A_161 : memref<128x32xf32, #tpu.memory_space<hbm>>) target_semaphore(%run_scoped3A : memref<!tpu.dma_semaphore, #tpu.memory_space<semaphore_mem>>)
          %dma_wait3A_162 = arith.constant 0 : i32
          %dma_wait3A_163 = tpu.memref_slice %arg5[%add3A_157, %dma_wait3A_162] : memref<10240x32xf32, #tpu.memory_space<hbm>> -> memref<128x32xf32, #tpu.memory_space<hbm>>
          %dma_wait3A_164 = arith.constant 0 : i32
          %dma_wait3A_165 = tpu.memref_slice %arg5[%add3A_157, %dma_wait3A_164] : memref<10240x32xf32, #tpu.memory_space<hbm>> -> memref<128x32xf32, #tpu.memory_space<hbm>>
          tpu.wait_dma2 semaphore(%run_scoped3A : memref<!tpu.dma_semaphore, #tpu.memory_space<semaphore_mem>>) src(%arg9 : memref<128x32xf32, #tpu.memory_space<vmem>>) dst(%dma_wait3A_165 : memref<128x32xf32, #tpu.memory_space<hbm>>)
          tpu.yield
        }) : () -> ()
      }
      %scan3A_146 = arith.constant 5 : i32
    } else {
    }
    %eq3A_136 = arith.constant 1 : i32
    %eq3A_137 = arith.cmpi eq, %arg0, %eq3A_136 : i32
    %convert_element_type3A_138 = arith.extui %eq3A_137 : i1 to i32
    %cond3A_139 = arith.constant 0 : i32
    %cond3A_140 = arith.cmpi ne, %convert_element_type3A_138, %cond3A_139 : i32
    scf.if %cond3A_140 {
      %scan3A_141 = arith.constant 0 : i32
      %scan3A_142 = arith.constant 0 : i32
      %scan3A_143 = arith.constant 5 : i32
      %scan3A_144 = arith.addi %scan3A_142, %scan3A_143 : i32
      %scan3A_145 = arith.constant 1 : i32
      scf.for %scan3A_147 = %scan3A_142 to %scan3A_144 step %scan3A_145  : i32 {
        %mul3A_148 = arith.constant 640 : i32
        %mul3A_149 = arith.muli %arg1, %mul3A_148 : i32
        %mul3A_150 = arith.constant 128 : i32
        %mul3A_151 = arith.muli %scan3A_147, %mul3A_150 : i32
        %add3A_152 = arith.addi %mul3A_149, %mul3A_151 : i32
        "tpu.region"() ({
          %run_scoped3A = tpu.sem_alloc : memref<!tpu.dma_semaphore, #tpu.memory_space<semaphore_mem>>
          %dma_start3A_158 = arith.constant 0 : i32
          %dma_start3A_159 = tpu.memref_slice %arg17[%add3A_152, %dma_start3A_158] : memref<10240x32xf32, #tpu.memory_space<vmem_shared>> -> memref<128x32xf32, #tpu.memory_space<vmem_shared>>
          %dma_start3A_160 = arith.constant 0 : i32
          %dma_start3A_161 = tpu.memref_slice %arg17[%add3A_152, %dma_start3A_160] : memref<10240x32xf32, #tpu.memory_space<vmem_shared>> -> memref<128x32xf32, #tpu.memory_space<vmem_shared>>
          tpu.enqueue_dma source(%dma_start3A_161 : memref<128x32xf32, #tpu.memory_space<vmem_shared>>) target(%arg9 : memref<128x32xf32, #tpu.memory_space<vmem>>) target_semaphore(%run_scoped3A : memref<!tpu.dma_semaphore, #tpu.memory_space<semaphore_mem>>)
          %dma_wait3A_162 = arith.constant 0 : i32
          %dma_wait3A_163 = tpu.memref_slice %arg17[%add3A_152, %dma_wait3A_162] : memref<10240x32xf32, #tpu.memory_space<vmem_shared>> -> memref<128x32xf32, #tpu.memory_space<vmem_shared>>
          %dma_wait3A_164 = arith.constant 0 : i32
          %dma_wait3A_165 = tpu.memref_slice %arg17[%add3A_152, %dma_wait3A_164] : memref<10240x32xf32, #tpu.memory_space<vmem_shared>> -> memref<128x32xf32, #tpu.memory_space<vmem_shared>>
          tpu.wait_dma2 semaphore(%run_scoped3A : memref<!tpu.dma_semaphore, #tpu.memory_space<semaphore_mem>>) src(%dma_wait3A_165 : memref<128x32xf32, #tpu.memory_space<vmem_shared>>) dst(%arg9 : memref<128x32xf32, #tpu.memory_space<vmem>>)
          tpu.yield
        }) : () -> ()
        %mul3A_153 = arith.constant 640 : i32
        %mul3A_154 = arith.muli %arg1, %mul3A_153 : i32
        %mul3A_155 = arith.constant 128 : i32
        %mul3A_156 = arith.muli %scan3A_147, %mul3A_155 : i32
        %add3A_157 = arith.addi %mul3A_154, %mul3A_156 : i32
        "tpu.region"() ({
          %run_scoped3A = tpu.sem_alloc : memref<!tpu.dma_semaphore, #tpu.memory_space<semaphore_mem>>
          %dma_start3A_158 = arith.constant 0 : i32
          %dma_start3A_159 = tpu.memref_slice %arg6[%add3A_157, %dma_start3A_158] : memref<10240x32xf32, #tpu.memory_space<hbm>> -> memref<128x32xf32, #tpu.memory_space<hbm>>
          %dma_start3A_160 = arith.constant 0 : i32
          %dma_start3A_161 = tpu.memref_slice %arg6[%add3A_157, %dma_start3A_160] : memref<10240x32xf32, #tpu.memory_space<hbm>> -> memref<128x32xf32, #tpu.memory_space<hbm>>
          tpu.enqueue_dma source(%arg9 : memref<128x32xf32, #tpu.memory_space<vmem>>) target(%dma_start3A_161 : memref<128x32xf32, #tpu.memory_space<hbm>>) target_semaphore(%run_scoped3A : memref<!tpu.dma_semaphore, #tpu.memory_space<semaphore_mem>>)
          %dma_wait3A_162 = arith.constant 0 : i32
          %dma_wait3A_163 = tpu.memref_slice %arg6[%add3A_157, %dma_wait3A_162] : memref<10240x32xf32, #tpu.memory_space<hbm>> -> memref<128x32xf32, #tpu.memory_space<hbm>>
          %dma_wait3A_164 = arith.constant 0 : i32
          %dma_wait3A_165 = tpu.memref_slice %arg6[%add3A_157, %dma_wait3A_164] : memref<10240x32xf32, #tpu.memory_space<hbm>> -> memref<128x32xf32, #tpu.memory_space<hbm>>
          tpu.wait_dma2 semaphore(%run_scoped3A : memref<!tpu.dma_semaphore, #tpu.memory_space<semaphore_mem>>) src(%arg9 : memref<128x32xf32, #tpu.memory_space<vmem>>) dst(%dma_wait3A_165 : memref<128x32xf32, #tpu.memory_space<hbm>>)
          tpu.yield
        }) : () -> ()
      }
      %scan3A_146 = arith.constant 5 : i32
    } else {
    }
    return
  }
}

#map = affine_map<(d0, d1) -> (0, 0, 0)>
#map1 = affine_map<(d0, d1) -> (0)>
module attributes {stable_mosaic.version = 14 : i64} {
  func.func @deg_kernel(%arg0: i32, %arg1: i32, %arg2: memref<32x80x128xi32, #tpu.memory_space<hbm>>, %arg3: memref<10240xf32, #tpu.memory_space<hbm>>, %arg4: memref<10240xf32, #tpu.memory_space<hbm>>, %arg5: memref<80x128xi32, #tpu.memory_space<vmem>>, %arg6: memref<128xf32, #tpu.memory_space<vmem>>, %arg7: memref<640xf32, #tpu.memory_space<vmem>>, %arg8: memref<10240xf32, #tpu.memory_space<vmem_shared>>, %arg9: memref<!tpu.dma_semaphore, #tpu.memory_space<semaphore_mem>>) attributes {dimension_semantics = [#tpu.dimension_semantics<core_parallel>, #tpu.dimension_semantics<subcore_parallel>], iteration_bounds = array<i64: 2, 16>, scalar_prefetch = 0 : i64, scratch_operands = 5 : i64, tpu.core_type = #tpu.core_type<sc_vector_subcore>, window_params = [{transform_indices = #map}, {transform_indices = #map1}, {transform_indices = #map1}]} {
    %mul3A = arith.constant 16 : i32
    %mul3A_0 = arith.muli %arg0, %mul3A : i32
    %add3A = arith.addi %mul3A_0, %arg1 : i32
    "tpu.region"() ({
      %run_scoped3A = tpu.sem_alloc : memref<!tpu.dma_semaphore, #tpu.memory_space<semaphore_mem>>
      %dma_start3A = arith.constant 0 : i32
      %dma_start3A_31 = arith.constant 0 : i32
      %dma_start3A_32 = tpu.memref_slice %arg2[%add3A, %dma_start3A, %dma_start3A_31] : memref<32x80x128xi32, #tpu.memory_space<hbm>> -> memref<1x80x128xi32, #tpu.memory_space<hbm>>
      %dma_start3A_33 = tpu.memref_squeeze %dma_start3A_32 : memref<1x80x128xi32, #tpu.memory_space<hbm>> -> memref<80x128xi32, #tpu.memory_space<hbm>>
      %dma_start3A_34 = arith.constant 0 : i32
      %dma_start3A_35 = arith.constant 0 : i32
      %dma_start3A_36 = tpu.memref_slice %arg2[%add3A, %dma_start3A_34, %dma_start3A_35] : memref<32x80x128xi32, #tpu.memory_space<hbm>> -> memref<1x80x128xi32, #tpu.memory_space<hbm>>
      %dma_start3A_37 = tpu.memref_squeeze %dma_start3A_36 : memref<1x80x128xi32, #tpu.memory_space<hbm>> -> memref<80x128xi32, #tpu.memory_space<hbm>>
      tpu.enqueue_dma source(%dma_start3A_37 : memref<80x128xi32, #tpu.memory_space<hbm>>) target(%arg5 : memref<80x128xi32, #tpu.memory_space<vmem>>) target_semaphore(%run_scoped3A : memref<!tpu.dma_semaphore, #tpu.memory_space<semaphore_mem>>)
      %dma_wait3A = arith.constant 0 : i32
      %dma_wait3A_38 = arith.constant 0 : i32
      %dma_wait3A_39 = tpu.memref_slice %arg2[%add3A, %dma_wait3A, %dma_wait3A_38] : memref<32x80x128xi32, #tpu.memory_space<hbm>> -> memref<1x80x128xi32, #tpu.memory_space<hbm>>
      %dma_wait3A_40 = tpu.memref_squeeze %dma_wait3A_39 : memref<1x80x128xi32, #tpu.memory_space<hbm>> -> memref<80x128xi32, #tpu.memory_space<hbm>>
      %dma_wait3A_41 = arith.constant 0 : i32
      %dma_wait3A_42 = arith.constant 0 : i32
      %dma_wait3A_43 = tpu.memref_slice %arg2[%add3A, %dma_wait3A_41, %dma_wait3A_42] : memref<32x80x128xi32, #tpu.memory_space<hbm>> -> memref<1x80x128xi32, #tpu.memory_space<hbm>>
      %dma_wait3A_44 = tpu.memref_squeeze %dma_wait3A_43 : memref<1x80x128xi32, #tpu.memory_space<hbm>> -> memref<80x128xi32, #tpu.memory_space<hbm>>
      tpu.wait_dma2 semaphore(%run_scoped3A : memref<!tpu.dma_semaphore, #tpu.memory_space<semaphore_mem>>) src(%dma_wait3A_44 : memref<80x128xi32, #tpu.memory_space<hbm>>) dst(%arg5 : memref<80x128xi32, #tpu.memory_space<vmem>>)
      tpu.yield
    }) : () -> ()
    %broadcast_in_dim3A = arith.constant 0.000000e+00 : f32
    %broadcast_in_dim3A_1 = vector.broadcast %broadcast_in_dim3A : f32 to vector<16xf32>
    %scan3A = arith.constant 0 : i32
    %scan3A_2 = arith.constant 0 : i32
    %scan3A_3 = arith.constant 40 : i32
    %scan3A_4 = arith.addi %scan3A_2, %scan3A_3 : i32
    %scan3A_5 = arith.constant 1 : i32
    scf.for %scan3A_31 = %scan3A_2 to %scan3A_4 step %scan3A_5  : i32 {
      %mul3A_32 = arith.constant 16 : i32
      %mul3A_33 = arith.muli %scan3A_31, %mul3A_32 : i32
      %swap3A = arith.index_cast %mul3A_33 : i32 to index
      %swap3A_34 = tpu.vector_load %arg7[%swap3A] {strides = array<i32>} : memref<640xf32, #tpu.memory_space<vmem>>, vector<16xf32>,
      %swap3A_35 = vector.shape_cast %swap3A_34 : vector<16xf32> to vector<16xf32>
      %swap3A_36 = vector.shape_cast %broadcast_in_dim3A_1 : vector<16xf32> to vector<16xf32>
      tpu.vector_store %arg7[%swap3A], %swap3A_36 {strides = array<i32>} : memref<640xf32, #tpu.memory_space<vmem>>, vector<16xf32>,
    }
    %scan3A_6 = arith.constant 40 : i32
    %scan3A_7 = arith.constant 0 : i32
    %scan3A_8 = arith.constant 0 : i32
    %scan3A_9 = arith.constant 8 : i32
    %scan3A_10 = arith.addi %scan3A_8, %scan3A_9 : i32
    %scan3A_11 = arith.constant 1 : i32
    scf.for %scan3A_31 = %scan3A_8 to %scan3A_10 step %scan3A_11  : i32 {
      %add3A_32 = arith.constant 1.000000e+00 : f32
      %add3A_33 = vector.broadcast %add3A_32 : f32 to vector<16xf32>
      %add3A_34 = arith.addf %broadcast_in_dim3A_1, %add3A_33 : vector<16xf32>
      %mul3A_35 = arith.constant 16 : i32
      %mul3A_36 = arith.muli %scan3A_31, %mul3A_35 : i32
      %swap3A = arith.index_cast %mul3A_36 : i32 to index
      %swap3A_37 = tpu.vector_load %arg6[%swap3A] {strides = array<i32>} : memref<128xf32, #tpu.memory_space<vmem>>, vector<16xf32>,
      %swap3A_38 = vector.shape_cast %swap3A_37 : vector<16xf32> to vector<16xf32>
      %swap3A_39 = vector.shape_cast %add3A_34 : vector<16xf32> to vector<16xf32>
      tpu.vector_store %arg6[%swap3A], %swap3A_39 {strides = array<i32>} : memref<128xf32, #tpu.memory_space<vmem>>, vector<16xf32>,
    }
    %scan3A_12 = arith.constant 8 : i32
    %mul3A_13 = arith.constant 640 : i32
    %mul3A_14 = arith.muli %arg1, %mul3A_13 : i32
    "tpu.region"() ({
      %run_scoped3A = tpu.sem_alloc : memref<!tpu.dma_semaphore, #tpu.memory_space<semaphore_mem>>
      %dma_start3A = tpu.memref_slice %arg8[%mul3A_14] : memref<10240xf32, #tpu.memory_space<vmem_shared>> -> memref<640xf32, #tpu.memory_space<vmem_shared>>
      %dma_start3A_31 = tpu.memref_slice %arg8[%mul3A_14] : memref<10240xf32, #tpu.memory_space<vmem_shared>> -> memref<640xf32, #tpu.memory_space<vmem_shared>>
      tpu.enqueue_dma source(%arg7 : memref<640xf32, #tpu.memory_space<vmem>>) target(%dma_start3A_31 : memref<640xf32, #tpu.memory_space<vmem_shared>>) target_semaphore(%run_scoped3A : memref<!tpu.dma_semaphore, #tpu.memory_space<semaphore_mem>>)
      %dma_wait3A = tpu.memref_slice %arg8[%mul3A_14] : memref<10240xf32, #tpu.memory_space<vmem_shared>> -> memref<640xf32, #tpu.memory_space<vmem_shared>>
      %dma_wait3A_32 = tpu.memref_slice %arg8[%mul3A_14] : memref<10240xf32, #tpu.memory_space<vmem_shared>> -> memref<640xf32, #tpu.memory_space<vmem_shared>>
      tpu.wait_dma2 semaphore(%run_scoped3A : memref<!tpu.dma_semaphore, #tpu.memory_space<semaphore_mem>>) src(%arg7 : memref<640xf32, #tpu.memory_space<vmem>>) dst(%dma_wait3A_32 : memref<640xf32, #tpu.memory_space<vmem_shared>>)
      tpu.yield
    }) : () -> ()
    %barrier3A = arith.constant 0 : index
    tpu.barrier barrier_id(%barrier3A)
    %scan3A_15 = arith.constant 0 : i32
    %scan3A_16 = arith.constant 0 : i32
    %scan3A_17 = arith.constant 80 : i32
    %scan3A_18 = arith.addi %scan3A_16, %scan3A_17 : i32
    %scan3A_19 = arith.constant 1 : i32
    scf.for %scan3A_31 = %scan3A_16 to %scan3A_18 step %scan3A_19  : i32 {
      "tpu.region"() ({
        %run_scoped3A = tpu.sem_alloc : memref<!tpu.dma_semaphore, #tpu.memory_space<semaphore_mem>>
        %dma_start3A = arith.constant 0 : i32
        %dma_start3A_32 = tpu.memref_slice %arg5[%scan3A_31, %dma_start3A] : memref<80x128xi32, #tpu.memory_space<vmem>> -> memref<1x128xi32, #tpu.memory_space<vmem>>
        %dma_start3A_33 = tpu.memref_squeeze %dma_start3A_32 : memref<1x128xi32, #tpu.memory_space<vmem>> -> memref<128xi32, #tpu.memory_space<vmem>>
        %dma_start3A_34 = arith.constant 0 : i32
        %dma_start3A_35 = tpu.memref_slice %arg8[%dma_start3A_34] : memref<10240xf32, #tpu.memory_space<vmem_shared>> -> memref<10240xf32, #tpu.memory_space<vmem_shared>>
        tpu.enqueue_indirect_dma source(%arg6 : memref<128xf32, #tpu.memory_space<vmem>>) target(%dma_start3A_35 : memref<10240xf32, #tpu.memory_space<vmem_shared>>) offsets(%dma_start3A_33 : memref<128xi32, #tpu.memory_space<vmem>>) semaphore(%run_scoped3A : memref<!tpu.dma_semaphore, #tpu.memory_space<semaphore_mem>>) {add = true}
        %dma_wait3A = arith.constant 0 : i32
        %dma_wait3A_36 = tpu.memref_slice %arg5[%scan3A_31, %dma_wait3A] : memref<80x128xi32, #tpu.memory_space<vmem>> -> memref<1x128xi32, #tpu.memory_space<vmem>>
        %dma_wait3A_37 = tpu.memref_squeeze %dma_wait3A_36 : memref<1x128xi32, #tpu.memory_space<vmem>> -> memref<128xi32, #tpu.memory_space<vmem>>
        %dma_wait3A_38 = arith.constant 0 : i32
        %dma_wait3A_39 = tpu.memref_slice %arg8[%dma_wait3A_38] : memref<10240xf32, #tpu.memory_space<vmem_shared>> -> memref<10240xf32, #tpu.memory_space<vmem_shared>>
        tpu.wait_indirect_dma semaphore(%run_scoped3A : memref<!tpu.dma_semaphore, #tpu.memory_space<semaphore_mem>>) src(%arg6 : memref<128xf32, #tpu.memory_space<vmem>>) dst(%dma_wait3A_39 : memref<10240xf32, #tpu.memory_space<vmem_shared>>)
        tpu.yield
      }) : () -> ()
    }
    %scan3A_20 = arith.constant 80 : i32
    %barrier3A_21 = arith.constant 0 : index
    tpu.barrier barrier_id(%barrier3A_21)
    %mul3A_22 = arith.constant 640 : i32
    %mul3A_23 = arith.muli %arg1, %mul3A_22 : i32
    "tpu.region"() ({
      %run_scoped3A = tpu.sem_alloc : memref<!tpu.dma_semaphore, #tpu.memory_space<semaphore_mem>>
      %dma_start3A = tpu.memref_slice %arg8[%mul3A_23] : memref<10240xf32, #tpu.memory_space<vmem_shared>> -> memref<640xf32, #tpu.memory_space<vmem_shared>>
      %dma_start3A_31 = tpu.memref_slice %arg8[%mul3A_23] : memref<10240xf32, #tpu.memory_space<vmem_shared>> -> memref<640xf32, #tpu.memory_space<vmem_shared>>
      tpu.enqueue_dma source(%dma_start3A_31 : memref<640xf32, #tpu.memory_space<vmem_shared>>) target(%arg7 : memref<640xf32, #tpu.memory_space<vmem>>) target_semaphore(%run_scoped3A : memref<!tpu.dma_semaphore, #tpu.memory_space<semaphore_mem>>)
      %dma_wait3A = tpu.memref_slice %arg8[%mul3A_23] : memref<10240xf32, #tpu.memory_space<vmem_shared>> -> memref<640xf32, #tpu.memory_space<vmem_shared>>
      %dma_wait3A_32 = tpu.memref_slice %arg8[%mul3A_23] : memref<10240xf32, #tpu.memory_space<vmem_shared>> -> memref<640xf32, #tpu.memory_space<vmem_shared>>
      tpu.wait_dma2 semaphore(%run_scoped3A : memref<!tpu.dma_semaphore, #tpu.memory_space<semaphore_mem>>) src(%dma_wait3A_32 : memref<640xf32, #tpu.memory_space<vmem_shared>>) dst(%arg7 : memref<640xf32, #tpu.memory_space<vmem>>)
      tpu.yield
    }) : () -> ()
    %eq3A = arith.constant 0 : i32
    %eq3A_24 = arith.cmpi eq, %arg0, %eq3A : i32
    %convert_element_type3A = arith.extui %eq3A_24 : i1 to i32
    %cond3A = arith.constant 0 : i32
    %cond3A_25 = arith.cmpi ne, %convert_element_type3A, %cond3A : i32
    scf.if %cond3A_25 {
      %mul3A_31 = arith.constant 640 : i32
      %mul3A_32 = arith.muli %arg1, %mul3A_31 : i32
      "tpu.region"() ({
        %run_scoped3A = tpu.sem_alloc : memref<!tpu.dma_semaphore, #tpu.memory_space<semaphore_mem>>
        %dma_start3A = tpu.memref_slice %arg3[%mul3A_32] : memref<10240xf32, #tpu.memory_space<hbm>> -> memref<640xf32, #tpu.memory_space<hbm>>
        %dma_start3A_33 = tpu.memref_slice %arg3[%mul3A_32] : memref<10240xf32, #tpu.memory_space<hbm>> -> memref<640xf32, #tpu.memory_space<hbm>>
        tpu.enqueue_dma source(%arg7 : memref<640xf32, #tpu.memory_space<vmem>>) target(%dma_start3A_33 : memref<640xf32, #tpu.memory_space<hbm>>) target_semaphore(%run_scoped3A : memref<!tpu.dma_semaphore, #tpu.memory_space<semaphore_mem>>)
        %dma_wait3A = tpu.memref_slice %arg3[%mul3A_32] : memref<10240xf32, #tpu.memory_space<hbm>> -> memref<640xf32, #tpu.memory_space<hbm>>
        %dma_wait3A_34 = tpu.memref_slice %arg3[%mul3A_32] : memref<10240xf32, #tpu.memory_space<hbm>> -> memref<640xf32, #tpu.memory_space<hbm>>
        tpu.wait_dma2 semaphore(%run_scoped3A : memref<!tpu.dma_semaphore, #tpu.memory_space<semaphore_mem>>) src(%arg7 : memref<640xf32, #tpu.memory_space<vmem>>) dst(%dma_wait3A_34 : memref<640xf32, #tpu.memory_space<hbm>>)
        tpu.yield
      }) : () -> ()
    } else {
    }
    %eq3A_26 = arith.constant 1 : i32
    %eq3A_27 = arith.cmpi eq, %arg0, %eq3A_26 : i32
    %convert_element_type3A_28 = arith.extui %eq3A_27 : i1 to i32
    %cond3A_29 = arith.constant 0 : i32
    %cond3A_30 = arith.cmpi ne, %convert_element_type3A_28, %cond3A_29 : i32
    scf.if %cond3A_30 {
      %mul3A_31 = arith.constant 640 : i32
      %mul3A_32 = arith.muli %arg1, %mul3A_31 : i32
      "tpu.region"() ({
        %run_scoped3A = tpu.sem_alloc : memref<!tpu.dma_semaphore, #tpu.memory_space<semaphore_mem>>
        %dma_start3A = tpu.memref_slice %arg4[%mul3A_32] : memref<10240xf32, #tpu.memory_space<hbm>> -> memref<640xf32, #tpu.memory_space<hbm>>
        %dma_start3A_33 = tpu.memref_slice %arg4[%mul3A_32] : memref<10240xf32, #tpu.memory_space<hbm>> -> memref<640xf32, #tpu.memory_space<hbm>>
        tpu.enqueue_dma source(%arg7 : memref<640xf32, #tpu.memory_space<vmem>>) target(%dma_start3A_33 : memref<640xf32, #tpu.memory_space<hbm>>) target_semaphore(%run_scoped3A : memref<!tpu.dma_semaphore, #tpu.memory_space<semaphore_mem>>)
        %dma_wait3A = tpu.memref_slice %arg4[%mul3A_32] : memref<10240xf32, #tpu.memory_space<hbm>> -> memref<640xf32, #tpu.memory_space<hbm>>
        %dma_wait3A_34 = tpu.memref_slice %arg4[%mul3A_32] : memref<10240xf32, #tpu.memory_space<hbm>> -> memref<640xf32, #tpu.memory_space<hbm>>
        tpu.wait_dma2 semaphore(%run_scoped3A : memref<!tpu.dma_semaphore, #tpu.memory_space<semaphore_mem>>) src(%arg7 : memref<640xf32, #tpu.memory_space<vmem>>) dst(%dma_wait3A_34 : memref<640xf32, #tpu.memory_space<hbm>>)
        tpu.yield
      }) : () -> ()
    } else {
    }
    return
  }
}

#map = affine_map<(d0, d1) -> (0, 0)>
#map1 = affine_map<(d0, d1) -> (0, 0, 0)>
module attributes {stable_mosaic.version = 14 : i64} {
  func.func @edges(%arg0: i32, %arg1: i32, %arg2: memref<10240x32xf32, #tpu.memory_space<hbm>>, %arg3: memref<32x80x128xi32, #tpu.memory_space<hbm>>, %arg4: memref<32x80x128xi32, #tpu.memory_space<hbm>>, %arg5: memref<10240x32xf32, #tpu.memory_space<hbm>>, %arg6: memref<10240x32xf32, #tpu.memory_space<hbm>>, %arg7: memref<80x128xi32, #tpu.memory_space<vmem>>, %arg8: memref<80x128xi32, #tpu.memory_space<vmem>>, %arg9: memref<128x32xf32, #tpu.memory_space<vmem>>, %arg10: memref<128x32xf32, #tpu.memory_space<vmem>>, %arg11: memref<128x32xf32, #tpu.memory_space<vmem>>, %arg12: memref<128x32xf32, #tpu.memory_space<vmem>>, %arg13: memref<128x32xf32, #tpu.memory_space<vmem>>, %arg14: memref<128x32xf32, #tpu.memory_space<vmem>>, %arg15: memref<128x32xf32, #tpu.memory_space<vmem>>, %arg16: memref<128x32xf32, #tpu.memory_space<vmem>>, %arg17: memref<10240x32xf32, #tpu.memory_space<vmem_shared>>, %arg18: memref<!tpu.dma_semaphore, #tpu.memory_space<semaphore_mem>>, %arg19: memref<!tpu.dma_semaphore, #tpu.memory_space<semaphore_mem>>, %arg20: memref<!tpu.dma_semaphore, #tpu.memory_space<semaphore_mem>>, %arg21: memref<!tpu.dma_semaphore, #tpu.memory_space<semaphore_mem>>, %arg22: memref<!tpu.dma_semaphore, #tpu.memory_space<semaphore_mem>>, %arg23: memref<!tpu.dma_semaphore, #tpu.memory_space<semaphore_mem>>, %arg24: memref<!tpu.dma_semaphore, #tpu.memory_space<semaphore_mem>>, %arg25: memref<!tpu.dma_semaphore, #tpu.memory_space<semaphore_mem>>, %arg26: memref<!tpu.dma_semaphore, #tpu.memory_space<semaphore_mem>>, %arg27: memref<!tpu.dma_semaphore, #tpu.memory_space<semaphore_mem>>, %arg28: memref<!tpu.dma_semaphore, #tpu.memory_space<semaphore_mem>>, %arg29: memref<!tpu.dma_semaphore, #tpu.memory_space<semaphore_mem>>, %arg30: memref<!tpu.dma_semaphore, #tpu.memory_space<semaphore_mem>>, %arg31: memref<!tpu.dma_semaphore, #tpu.memory_space<semaphore_mem>>, %arg32: memref<!tpu.dma_semaphore, #tpu.memory_space<semaphore_mem>>, %arg33: memref<!tpu.dma_semaphore, #tpu.memory_space<semaphore_mem>>) attributes {dimension_semantics = [#tpu.dimension_semantics<core_parallel>, #tpu.dimension_semantics<subcore_parallel>], iteration_bounds = array<i64: 2, 16>, scalar_prefetch = 0 : i64, scratch_operands = 27 : i64, tpu.core_type = #tpu.core_type<sc_vector_subcore>, window_params = [{transform_indices = #map}, {transform_indices = #map1}, {transform_indices = #map1}, {transform_indices = #map}, {transform_indices = #map}]} {
    %mul3A = arith.constant 16 : i32
    %mul3A_0 = arith.muli %arg0, %mul3A : i32
    %add3A = arith.addi %mul3A_0, %arg1 : i32
    %dma_start3A = arith.constant 0 : i32
    %dma_start3A_1 = arith.constant 0 : i32
    %dma_start3A_2 = tpu.memref_slice %arg3[%add3A, %dma_start3A, %dma_start3A_1] : memref<32x80x128xi32, #tpu.memory_space<hbm>> -> memref<1x80x128xi32, #tpu.memory_space<hbm>>
    %dma_start3A_3 = tpu.memref_squeeze %dma_start3A_2 : memref<1x80x128xi32, #tpu.memory_space<hbm>> -> memref<80x128xi32, #tpu.memory_space<hbm>>
    %dma_start3A_4 = arith.constant 0 : i32
    %dma_start3A_5 = arith.constant 0 : i32
    %dma_start3A_6 = tpu.memref_slice %arg3[%add3A, %dma_start3A_4, %dma_start3A_5] : memref<32x80x128xi32, #tpu.memory_space<hbm>> -> memref<1x80x128xi32, #tpu.memory_space<hbm>>
    %dma_start3A_7 = tpu.memref_squeeze %dma_start3A_6 : memref<1x80x128xi32, #tpu.memory_space<hbm>> -> memref<80x128xi32, #tpu.memory_space<hbm>>
    tpu.enqueue_dma source(%dma_start3A_7 : memref<80x128xi32, #tpu.memory_space<hbm>>) target(%arg7 : memref<80x128xi32, #tpu.memory_space<vmem>>) target_semaphore(%arg18 : memref<!tpu.dma_semaphore, #tpu.memory_space<semaphore_mem>>)
    %dma_start3A_8 = arith.constant 0 : i32
    %dma_start3A_9 = arith.constant 0 : i32
    %dma_start3A_10 = tpu.memref_slice %arg4[%add3A, %dma_start3A_8, %dma_start3A_9] : memref<32x80x128xi32, #tpu.memory_space<hbm>> -> memref<1x80x128xi32, #tpu.memory_space<hbm>>
    %dma_start3A_11 = tpu.memref_squeeze %dma_start3A_10 : memref<1x80x128xi32, #tpu.memory_space<hbm>> -> memref<80x128xi32, #tpu.memory_space<hbm>>
    %dma_start3A_12 = arith.constant 0 : i32
    %dma_start3A_13 = arith.constant 0 : i32
    %dma_start3A_14 = tpu.memref_slice %arg4[%add3A, %dma_start3A_12, %dma_start3A_13] : memref<32x80x128xi32, #tpu.memory_space<hbm>> -> memref<1x80x128xi32, #tpu.memory_space<hbm>>
    %dma_start3A_15 = tpu.memref_squeeze %dma_start3A_14 : memref<1x80x128xi32, #tpu.memory_space<hbm>> -> memref<80x128xi32, #tpu.memory_space<hbm>>
    tpu.enqueue_dma source(%dma_start3A_15 : memref<80x128xi32, #tpu.memory_space<hbm>>) target(%arg8 : memref<80x128xi32, #tpu.memory_space<vmem>>) target_semaphore(%arg19 : memref<!tpu.dma_semaphore, #tpu.memory_space<semaphore_mem>>)
    %broadcast_in_dim3A = arith.constant 0.000000e+00 : f32
    %broadcast_in_dim3A_16 = vector.broadcast %broadcast_in_dim3A : f32 to vector<16xf32>
    %scan3A = arith.constant 0 : i32
    %scan3A_17 = arith.constant 0 : i32
    %scan3A_18 = arith.constant 128 : i32
    %scan3A_19 = arith.addi %scan3A_17, %scan3A_18 : i32
    %scan3A_20 = arith.constant 1 : i32
    scf.for %scan3A_141 = %scan3A_17 to %scan3A_19 step %scan3A_20  : i32 {
      %swap3A = arith.index_cast %scan3A_141 : i32 to index
      %swap3A_142 = arith.constant 0 : index
      %swap3A_143 = tpu.vector_load %arg9[%swap3A, %swap3A_142] {strides = array<i32>} : memref<128x32xf32, #tpu.memory_space<vmem>>, vector<1x16xf32>,
      %swap3A_144 = vector.shape_cast %swap3A_143 : vector<1x16xf32> to vector<16xf32>
      %swap3A_145 = vector.shape_cast %broadcast_in_dim3A_16 : vector<16xf32> to vector<1x16xf32>
      tpu.vector_store %arg9[%swap3A, %swap3A_142], %swap3A_145 {strides = array<i32>} : memref<128x32xf32, #tpu.memory_space<vmem>>, vector<1x16xf32>,
      %swap3A_146 = arith.index_cast %scan3A_141 : i32 to index
      %swap3A_147 = arith.constant 16 : index
      %swap3A_148 = tpu.vector_load %arg9[%swap3A_146, %swap3A_147] {strides = array<i32>} : memref<128x32xf32, #tpu.memory_space<vmem>>, vector<1x16xf32>,
      %swap3A_149 = vector.shape_cast %swap3A_148 : vector<1x16xf32> to vector<16xf32>
      %swap3A_150 = vector.shape_cast %broadcast_in_dim3A_16 : vector<16xf32> to vector<1x16xf32>
      tpu.vector_store %arg9[%swap3A_146, %swap3A_147], %swap3A_150 {strides = array<i32>} : memref<128x32xf32, #tpu.memory_space<vmem>>, vector<1x16xf32>,
    }
    %scan3A_21 = arith.constant 128 : i32
    %scan3A_22 = arith.constant 0 : i32
    %scan3A_23 = arith.constant 0 : i32
    %scan3A_24 = arith.constant 5 : i32
    %scan3A_25 = arith.addi %scan3A_23, %scan3A_24 : i32
    %scan3A_26 = arith.constant 1 : i32
    scf.for %scan3A_141 = %scan3A_23 to %scan3A_25 step %scan3A_26  : i32 {
      %mul3A_142 = arith.constant 640 : i32
      %mul3A_143 = arith.muli %arg1, %mul3A_142 : i32
      %mul3A_144 = arith.constant 128 : i32
      %mul3A_145 = arith.muli %scan3A_141, %mul3A_144 : i32
      %add3A_146 = arith.addi %mul3A_143, %mul3A_145 : i32
      "tpu.region"() ({
        %run_scoped3A = tpu.sem_alloc : memref<!tpu.dma_semaphore, #tpu.memory_space<semaphore_mem>>
        %dma_start3A_147 = arith.constant 0 : i32
        %dma_start3A_148 = tpu.memref_slice %arg17[%add3A_146, %dma_start3A_147] : memref<10240x32xf32, #tpu.memory_space<vmem_shared>> -> memref<128x32xf32, #tpu.memory_space<vmem_shared>>
        %dma_start3A_149 = arith.constant 0 : i32
        %dma_start3A_150 = tpu.memref_slice %arg17[%add3A_146, %dma_start3A_149] : memref<10240x32xf32, #tpu.memory_space<vmem_shared>> -> memref<128x32xf32, #tpu.memory_space<vmem_shared>>
        tpu.enqueue_dma source(%arg9 : memref<128x32xf32, #tpu.memory_space<vmem>>) target(%dma_start3A_150 : memref<128x32xf32, #tpu.memory_space<vmem_shared>>) target_semaphore(%run_scoped3A : memref<!tpu.dma_semaphore, #tpu.memory_space<semaphore_mem>>)
        %dma_wait3A_151 = arith.constant 0 : i32
        %dma_wait3A_152 = tpu.memref_slice %arg17[%add3A_146, %dma_wait3A_151] : memref<10240x32xf32, #tpu.memory_space<vmem_shared>> -> memref<128x32xf32, #tpu.memory_space<vmem_shared>>
        %dma_wait3A_153 = arith.constant 0 : i32
        %dma_wait3A_154 = tpu.memref_slice %arg17[%add3A_146, %dma_wait3A_153] : memref<10240x32xf32, #tpu.memory_space<vmem_shared>> -> memref<128x32xf32, #tpu.memory_space<vmem_shared>>
        tpu.wait_dma2 semaphore(%run_scoped3A : memref<!tpu.dma_semaphore, #tpu.memory_space<semaphore_mem>>) src(%arg9 : memref<128x32xf32, #tpu.memory_space<vmem>>) dst(%dma_wait3A_154 : memref<128x32xf32, #tpu.memory_space<vmem_shared>>)
        tpu.yield
      }) : () -> ()
    }
    %scan3A_27 = arith.constant 5 : i32
    %dma_wait3A = arith.constant 0 : i32
    %dma_wait3A_28 = arith.constant 0 : i32
    %dma_wait3A_29 = tpu.memref_slice %arg3[%add3A, %dma_wait3A, %dma_wait3A_28] : memref<32x80x128xi32, #tpu.memory_space<hbm>> -> memref<1x80x128xi32, #tpu.memory_space<hbm>>
    %dma_wait3A_30 = tpu.memref_squeeze %dma_wait3A_29 : memref<1x80x128xi32, #tpu.memory_space<hbm>> -> memref<80x128xi32, #tpu.memory_space<hbm>>
    %dma_wait3A_31 = arith.constant 0 : i32
    %dma_wait3A_32 = arith.constant 0 : i32
    %dma_wait3A_33 = tpu.memref_slice %arg3[%add3A, %dma_wait3A_31, %dma_wait3A_32] : memref<32x80x128xi32, #tpu.memory_space<hbm>> -> memref<1x80x128xi32, #tpu.memory_space<hbm>>
    %dma_wait3A_34 = tpu.memref_squeeze %dma_wait3A_33 : memref<1x80x128xi32, #tpu.memory_space<hbm>> -> memref<80x128xi32, #tpu.memory_space<hbm>>
    tpu.wait_dma2 semaphore(%arg18 : memref<!tpu.dma_semaphore, #tpu.memory_space<semaphore_mem>>) src(%dma_wait3A_34 : memref<80x128xi32, #tpu.memory_space<hbm>>) dst(%arg7 : memref<80x128xi32, #tpu.memory_space<vmem>>)
    %dma_wait3A_35 = arith.constant 0 : i32
    %dma_wait3A_36 = arith.constant 0 : i32
    %dma_wait3A_37 = tpu.memref_slice %arg4[%add3A, %dma_wait3A_35, %dma_wait3A_36] : memref<32x80x128xi32, #tpu.memory_space<hbm>> -> memref<1x80x128xi32, #tpu.memory_space<hbm>>
    %dma_wait3A_38 = tpu.memref_squeeze %dma_wait3A_37 : memref<1x80x128xi32, #tpu.memory_space<hbm>> -> memref<80x128xi32, #tpu.memory_space<hbm>>
    %dma_wait3A_39 = arith.constant 0 : i32
    %dma_wait3A_40 = arith.constant 0 : i32
    %dma_wait3A_41 = tpu.memref_slice %arg4[%add3A, %dma_wait3A_39, %dma_wait3A_40] : memref<32x80x128xi32, #tpu.memory_space<hbm>> -> memref<1x80x128xi32, #tpu.memory_space<hbm>>
    %dma_wait3A_42 = tpu.memref_squeeze %dma_wait3A_41 : memref<1x80x128xi32, #tpu.memory_space<hbm>> -> memref<80x128xi32, #tpu.memory_space<hbm>>
    tpu.wait_dma2 semaphore(%arg19 : memref<!tpu.dma_semaphore, #tpu.memory_space<semaphore_mem>>) src(%dma_wait3A_42 : memref<80x128xi32, #tpu.memory_space<hbm>>) dst(%arg8 : memref<80x128xi32, #tpu.memory_space<vmem>>)
    %barrier3A = arith.constant 0 : index
    tpu.barrier barrier_id(%barrier3A)
    %dma_start3A_43 = arith.constant 0 : i32
    %dma_start3A_44 = arith.constant 0 : i32
    %dma_start3A_45 = tpu.memref_slice %arg7[%dma_start3A_43, %dma_start3A_44] : memref<80x128xi32, #tpu.memory_space<vmem>> -> memref<1x128xi32, #tpu.memory_space<vmem>>
    %dma_start3A_46 = tpu.memref_squeeze %dma_start3A_45 : memref<1x128xi32, #tpu.memory_space<vmem>> -> memref<128xi32, #tpu.memory_space<vmem>>
    %dma_start3A_47 = arith.constant 0 : i32
    %dma_start3A_48 = arith.constant 0 : i32
    %dma_start3A_49 = tpu.memref_slice %arg2[%dma_start3A_47, %dma_start3A_48] : memref<10240x32xf32, #tpu.memory_space<hbm>> -> memref<10240x32xf32, #tpu.memory_space<hbm>>
    tpu.enqueue_indirect_dma source(%dma_start3A_49 : memref<10240x32xf32, #tpu.memory_space<hbm>>) target(%arg9 : memref<128x32xf32, #tpu.memory_space<vmem>>) offsets(%dma_start3A_46 : memref<128xi32, #tpu.memory_space<vmem>>) semaphore(%arg18 : memref<!tpu.dma_semaphore, #tpu.memory_space<semaphore_mem>>)
    %dma_start3A_50 = arith.constant 1 : i32
    %dma_start3A_51 = arith.constant 0 : i32
    %dma_start3A_52 = tpu.memref_slice %arg7[%dma_start3A_50, %dma_start3A_51] : memref<80x128xi32, #tpu.memory_space<vmem>> -> memref<1x128xi32, #tpu.memory_space<vmem>>
    %dma_start3A_53 = tpu.memref_squeeze %dma_start3A_52 : memref<1x128xi32, #tpu.memory_space<vmem>> -> memref<128xi32, #tpu.memory_space<vmem>>
    %dma_start3A_54 = arith.constant 0 : i32
    %dma_start3A_55 = arith.constant 0 : i32
    %dma_start3A_56 = tpu.memref_slice %arg2[%dma_start3A_54, %dma_start3A_55] : memref<10240x32xf32, #tpu.memory_space<hbm>> -> memref<10240x32xf32, #tpu.memory_space<hbm>>
    tpu.enqueue_indirect_dma source(%dma_start3A_56 : memref<10240x32xf32, #tpu.memory_space<hbm>>) target(%arg10 : memref<128x32xf32, #tpu.memory_space<vmem>>) offsets(%dma_start3A_53 : memref<128xi32, #tpu.memory_space<vmem>>) semaphore(%arg19 : memref<!tpu.dma_semaphore, #tpu.memory_space<semaphore_mem>>)
    %dma_start3A_57 = arith.constant 2 : i32
    %dma_start3A_58 = arith.constant 0 : i32
    %dma_start3A_59 = tpu.memref_slice %arg7[%dma_start3A_57, %dma_start3A_58] : memref<80x128xi32, #tpu.memory_space<vmem>> -> memref<1x128xi32, #tpu.memory_space<vmem>>
    %dma_start3A_60 = tpu.memref_squeeze %dma_start3A_59 : memref<1x128xi32, #tpu.memory_space<vmem>> -> memref<128xi32, #tpu.memory_space<vmem>>
    %dma_start3A_61 = arith.constant 0 : i32
    %dma_start3A_62 = arith.constant 0 : i32
    %dma_start3A_63 = tpu.memref_slice %arg2[%dma_start3A_61, %dma_start3A_62] : memref<10240x32xf32, #tpu.memory_space<hbm>> -> memref<10240x32xf32, #tpu.memory_space<hbm>>
    tpu.enqueue_indirect_dma source(%dma_start3A_63 : memref<10240x32xf32, #tpu.memory_space<hbm>>) target(%arg11 : memref<128x32xf32, #tpu.memory_space<vmem>>) offsets(%dma_start3A_60 : memref<128xi32, #tpu.memory_space<vmem>>) semaphore(%arg20 : memref<!tpu.dma_semaphore, #tpu.memory_space<semaphore_mem>>)
    %dma_start3A_64 = arith.constant 3 : i32
    %dma_start3A_65 = arith.constant 0 : i32
    %dma_start3A_66 = tpu.memref_slice %arg7[%dma_start3A_64, %dma_start3A_65] : memref<80x128xi32, #tpu.memory_space<vmem>> -> memref<1x128xi32, #tpu.memory_space<vmem>>
    %dma_start3A_67 = tpu.memref_squeeze %dma_start3A_66 : memref<1x128xi32, #tpu.memory_space<vmem>> -> memref<128xi32, #tpu.memory_space<vmem>>
    %dma_start3A_68 = arith.constant 0 : i32
    %dma_start3A_69 = arith.constant 0 : i32
    %dma_start3A_70 = tpu.memref_slice %arg2[%dma_start3A_68, %dma_start3A_69] : memref<10240x32xf32, #tpu.memory_space<hbm>> -> memref<10240x32xf32, #tpu.memory_space<hbm>>
    tpu.enqueue_indirect_dma source(%dma_start3A_70 : memref<10240x32xf32, #tpu.memory_space<hbm>>) target(%arg12 : memref<128x32xf32, #tpu.memory_space<vmem>>) offsets(%dma_start3A_67 : memref<128xi32, #tpu.memory_space<vmem>>) semaphore(%arg21 : memref<!tpu.dma_semaphore, #tpu.memory_space<semaphore_mem>>)
    %scan3A_71 = arith.constant 0 : i32
    %scan3A_72 = arith.constant 0 : i32
    %scan3A_73 = arith.constant 10 : i32
    %scan3A_74 = arith.addi %scan3A_72, %scan3A_73 : i32
    %scan3A_75 = arith.constant 1 : i32
    scf.for %scan3A_141 = %scan3A_72 to %scan3A_74 step %scan3A_75  : i32 {
      %mul3A_142 = arith.constant 8 : i32
      %mul3A_143 = arith.muli %mul3A_142, %scan3A_141 : i32
      %add3A_144 = arith.constant 0 : i32
      %add3A_145 = arith.addi %mul3A_143, %add3A_144 : i32
      %add3A_146 = arith.constant 4 : i32
      %add3A_147 = arith.addi %add3A_145, %add3A_146 : i32
      %lt3A = arith.constant 80 : i32
      %lt3A_148 = arith.cmpi slt, %add3A_147, %lt3A : i32
      %convert_element_type3A_149 = arith.extui %lt3A_148 : i1 to i32
      %cond3A_150 = arith.constant 0 : i32
      %cond3A_151 = arith.cmpi ne, %convert_element_type3A_149, %cond3A_150 : i32
      scf.if %cond3A_151 {
        %ge3A = arith.constant 4 : i32
        %ge3A_311 = arith.cmpi sge, %add3A_145, %ge3A : i32
        %convert_element_type3A_312 = arith.extui %ge3A_311 : i1 to i32
        %cond3A_313 = arith.constant 0 : i32
        %cond3A_314 = arith.cmpi ne, %convert_element_type3A_312, %cond3A_313 : i32
        scf.if %cond3A_314 {
          %sub3A = arith.constant 8 : i32
          %sub3A_321 = arith.subi %add3A_147, %sub3A : i32
          %dma_wait3A_322 = arith.constant 0 : i32
          %dma_wait3A_323 = tpu.memref_slice %arg8[%sub3A_321, %dma_wait3A_322] : memref<80x128xi32, #tpu.memory_space<vmem>> -> memref<1x128xi32, #tpu.memory_space<vmem>>
          %dma_wait3A_324 = tpu.memref_squeeze %dma_wait3A_323 : memref<1x128xi32, #tpu.memory_space<vmem>> -> memref<128xi32, #tpu.memory_space<vmem>>
          %dma_wait3A_325 = arith.constant 0 : i32
          %dma_wait3A_326 = arith.constant 0 : i32
          %dma_wait3A_327 = tpu.memref_slice %arg17[%dma_wait3A_325, %dma_wait3A_326] : memref<10240x32xf32, #tpu.memory_space<vmem_shared>> -> memref<10240x32xf32, #tpu.memory_space<vmem_shared>>
          tpu.wait_indirect_dma semaphore(%arg30 : memref<!tpu.dma_semaphore, #tpu.memory_space<semaphore_mem>>) src(%arg13 : memref<128x32xf32, #tpu.memory_space<vmem>>) dst(%dma_wait3A_327 : memref<10240x32xf32, #tpu.memory_space<vmem_shared>>)
        } else {
        }
        %dma_start3A_315 = arith.constant 0 : i32
        %dma_start3A_316 = tpu.memref_slice %arg7[%add3A_147, %dma_start3A_315] : memref<80x128xi32, #tpu.memory_space<vmem>> -> memref<1x128xi32, #tpu.memory_space<vmem>>
        %dma_start3A_317 = tpu.memref_squeeze %dma_start3A_316 : memref<1x128xi32, #tpu.memory_space<vmem>> -> memref<128xi32, #tpu.memory_space<vmem>>
        %dma_start3A_318 = arith.constant 0 : i32
        %dma_start3A_319 = arith.constant 0 : i32
        %dma_start3A_320 = tpu.memref_slice %arg2[%dma_start3A_318, %dma_start3A_319] : memref<10240x32xf32, #tpu.memory_space<hbm>> -> memref<10240x32xf32, #tpu.memory_space<hbm>>
        tpu.enqueue_indirect_dma source(%dma_start3A_320 : memref<10240x32xf32, #tpu.memory_space<hbm>>) target(%arg13 : memref<128x32xf32, #tpu.memory_space<vmem>>) offsets(%dma_start3A_317 : memref<128xi32, #tpu.memory_space<vmem>>) semaphore(%arg22 : memref<!tpu.dma_semaphore, #tpu.memory_space<semaphore_mem>>)
      } else {
      }
      %dma_wait3A_152 = arith.constant 0 : i32
      %dma_wait3A_153 = tpu.memref_slice %arg7[%add3A_145, %dma_wait3A_152] : memref<80x128xi32, #tpu.memory_space<vmem>> -> memref<1x128xi32, #tpu.memory_space<vmem>>
      %dma_wait3A_154 = tpu.memref_squeeze %dma_wait3A_153 : memref<1x128xi32, #tpu.memory_space<vmem>> -> memref<128xi32, #tpu.memory_space<vmem>>
      %dma_wait3A_155 = arith.constant 0 : i32
      %dma_wait3A_156 = arith.constant 0 : i32
      %dma_wait3A_157 = tpu.memref_slice %arg2[%dma_wait3A_155, %dma_wait3A_156] : memref<10240x32xf32, #tpu.memory_space<hbm>> -> memref<10240x32xf32, #tpu.memory_space<hbm>>
      tpu.wait_indirect_dma semaphore(%arg18 : memref<!tpu.dma_semaphore, #tpu.memory_space<semaphore_mem>>) src(%dma_wait3A_157 : memref<10240x32xf32, #tpu.memory_space<hbm>>) dst(%arg9 : memref<128x32xf32, #tpu.memory_space<vmem>>)
      %dma_start3A_158 = arith.constant 0 : i32
      %dma_start3A_159 = tpu.memref_slice %arg8[%add3A_145, %dma_start3A_158] : memref<80x128xi32, #tpu.memory_space<vmem>> -> memref<1x128xi32, #tpu.memory_space<vmem>>
      %dma_start3A_160 = tpu.memref_squeeze %dma_start3A_159 : memref<1x128xi32, #tpu.memory_space<vmem>> -> memref<128xi32, #tpu.memory_space<vmem>>
      %dma_start3A_161 = arith.constant 0 : i32
      %dma_start3A_162 = arith.constant 0 : i32
      %dma_start3A_163 = tpu.memref_slice %arg17[%dma_start3A_161, %dma_start3A_162] : memref<10240x32xf32, #tpu.memory_space<vmem_shared>> -> memref<10240x32xf32, #tpu.memory_space<vmem_shared>>
      tpu.enqueue_indirect_dma source(%arg9 : memref<128x32xf32, #tpu.memory_space<vmem>>) target(%dma_start3A_163 : memref<10240x32xf32, #tpu.memory_space<vmem_shared>>) offsets(%dma_start3A_160 : memref<128xi32, #tpu.memory_space<vmem>>) semaphore(%arg26 : memref<!tpu.dma_semaphore, #tpu.memory_space<semaphore_mem>>) {add = true}
      %add3A_164 = arith.constant 1 : i32
      %add3A_165 = arith.addi %mul3A_143, %add3A_164 : i32
      %add3A_166 = arith.constant 4 : i32
      %add3A_167 = arith.addi %add3A_165, %add3A_166 : i32
      %lt3A_168 = arith.constant 80 : i32
      %lt3A_169 = arith.cmpi slt, %add3A_167, %lt3A_168 : i32
      %convert_element_type3A_170 = arith.extui %lt3A_169 : i1 to i32
      %cond3A_171 = arith.constant 0 : i32
      %cond3A_172 = arith.cmpi ne, %convert_element_type3A_170, %cond3A_171 : i32
      scf.if %cond3A_172 {
        %ge3A = arith.constant 4 : i32
        %ge3A_311 = arith.cmpi sge, %add3A_165, %ge3A : i32
        %convert_element_type3A_312 = arith.extui %ge3A_311 : i1 to i32
        %cond3A_313 = arith.constant 0 : i32
        %cond3A_314 = arith.cmpi ne, %convert_element_type3A_312, %cond3A_313 : i32
        scf.if %cond3A_314 {
          %sub3A = arith.constant 8 : i32
          %sub3A_321 = arith.subi %add3A_167, %sub3A : i32
          %dma_wait3A_322 = arith.constant 0 : i32
          %dma_wait3A_323 = tpu.memref_slice %arg8[%sub3A_321, %dma_wait3A_322] : memref<80x128xi32, #tpu.memory_space<vmem>> -> memref<1x128xi32, #tpu.memory_space<vmem>>
          %dma_wait3A_324 = tpu.memref_squeeze %dma_wait3A_323 : memref<1x128xi32, #tpu.memory_space<vmem>> -> memref<128xi32, #tpu.memory_space<vmem>>
          %dma_wait3A_325 = arith.constant 0 : i32
          %dma_wait3A_326 = arith.constant 0 : i32
          %dma_wait3A_327 = tpu.memref_slice %arg17[%dma_wait3A_325, %dma_wait3A_326] : memref<10240x32xf32, #tpu.memory_space<vmem_shared>> -> memref<10240x32xf32, #tpu.memory_space<vmem_shared>>
          tpu.wait_indirect_dma semaphore(%arg31 : memref<!tpu.dma_semaphore, #tpu.memory_space<semaphore_mem>>) src(%arg14 : memref<128x32xf32, #tpu.memory_space<vmem>>) dst(%dma_wait3A_327 : memref<10240x32xf32, #tpu.memory_space<vmem_shared>>)
        } else {
        }
        %dma_start3A_315 = arith.constant 0 : i32
        %dma_start3A_316 = tpu.memref_slice %arg7[%add3A_167, %dma_start3A_315] : memref<80x128xi32, #tpu.memory_space<vmem>> -> memref<1x128xi32, #tpu.memory_space<vmem>>
        %dma_start3A_317 = tpu.memref_squeeze %dma_start3A_316 : memref<1x128xi32, #tpu.memory_space<vmem>> -> memref<128xi32, #tpu.memory_space<vmem>>
        %dma_start3A_318 = arith.constant 0 : i32
        %dma_start3A_319 = arith.constant 0 : i32
        %dma_start3A_320 = tpu.memref_slice %arg2[%dma_start3A_318, %dma_start3A_319] : memref<10240x32xf32, #tpu.memory_space<hbm>> -> memref<10240x32xf32, #tpu.memory_space<hbm>>
        tpu.enqueue_indirect_dma source(%dma_start3A_320 : memref<10240x32xf32, #tpu.memory_space<hbm>>) target(%arg14 : memref<128x32xf32, #tpu.memory_space<vmem>>) offsets(%dma_start3A_317 : memref<128xi32, #tpu.memory_space<vmem>>) semaphore(%arg23 : memref<!tpu.dma_semaphore, #tpu.memory_space<semaphore_mem>>)
      } else {
      }
      %dma_wait3A_173 = arith.constant 0 : i32
      %dma_wait3A_174 = tpu.memref_slice %arg7[%add3A_165, %dma_wait3A_173] : memref<80x128xi32, #tpu.memory_space<vmem>> -> memref<1x128xi32, #tpu.memory_space<vmem>>
      %dma_wait3A_175 = tpu.memref_squeeze %dma_wait3A_174 : memref<1x128xi32, #tpu.memory_space<vmem>> -> memref<128xi32, #tpu.memory_space<vmem>>
      %dma_wait3A_176 = arith.constant 0 : i32
      %dma_wait3A_177 = arith.constant 0 : i32
      %dma_wait3A_178 = tpu.memref_slice %arg2[%dma_wait3A_176, %dma_wait3A_177] : memref<10240x32xf32, #tpu.memory_space<hbm>> -> memref<10240x32xf32, #tpu.memory_space<hbm>>
      tpu.wait_indirect_dma semaphore(%arg19 : memref<!tpu.dma_semaphore, #tpu.memory_space<semaphore_mem>>) src(%dma_wait3A_178 : memref<10240x32xf32, #tpu.memory_space<hbm>>) dst(%arg10 : memref<128x32xf32, #tpu.memory_space<vmem>>)
      %dma_start3A_179 = arith.constant 0 : i32
      %dma_start3A_180 = tpu.memref_slice %arg8[%add3A_165, %dma_start3A_179] : memref<80x128xi32, #tpu.memory_space<vmem>> -> memref<1x128xi32, #tpu.memory_space<vmem>>
      %dma_start3A_181 = tpu.memref_squeeze %dma_start3A_180 : memref<1x128xi32, #tpu.memory_space<vmem>> -> memref<128xi32, #tpu.memory_space<vmem>>
      %dma_start3A_182 = arith.constant 0 : i32
      %dma_start3A_183 = arith.constant 0 : i32
      %dma_start3A_184 = tpu.memref_slice %arg17[%dma_start3A_182, %dma_start3A_183] : memref<10240x32xf32, #tpu.memory_space<vmem_shared>> -> memref<10240x32xf32, #tpu.memory_space<vmem_shared>>
      tpu.enqueue_indirect_dma source(%arg10 : memref<128x32xf32, #tpu.memory_space<vmem>>) target(%dma_start3A_184 : memref<10240x32xf32, #tpu.memory_space<vmem_shared>>) offsets(%dma_start3A_181 : memref<128xi32, #tpu.memory_space<vmem>>) semaphore(%arg27 : memref<!tpu.dma_semaphore, #tpu.memory_space<semaphore_mem>>) {add = true}
      %add3A_185 = arith.constant 2 : i32
      %add3A_186 = arith.addi %mul3A_143, %add3A_185 : i32
      %add3A_187 = arith.constant 4 : i32
      %add3A_188 = arith.addi %add3A_186, %add3A_187 : i32
      %lt3A_189 = arith.constant 80 : i32
      %lt3A_190 = arith.cmpi slt, %add3A_188, %lt3A_189 : i32
      %convert_element_type3A_191 = arith.extui %lt3A_190 : i1 to i32
      %cond3A_192 = arith.constant 0 : i32
      %cond3A_193 = arith.cmpi ne, %convert_element_type3A_191, %cond3A_192 : i32
      scf.if %cond3A_193 {
        %ge3A = arith.constant 4 : i32
        %ge3A_311 = arith.cmpi sge, %add3A_186, %ge3A : i32
        %convert_element_type3A_312 = arith.extui %ge3A_311 : i1 to i32
        %cond3A_313 = arith.constant 0 : i32
        %cond3A_314 = arith.cmpi ne, %convert_element_type3A_312, %cond3A_313 : i32
        scf.if %cond3A_314 {
          %sub3A = arith.constant 8 : i32
          %sub3A_321 = arith.subi %add3A_188, %sub3A : i32
          %dma_wait3A_322 = arith.constant 0 : i32
          %dma_wait3A_323 = tpu.memref_slice %arg8[%sub3A_321, %dma_wait3A_322] : memref<80x128xi32, #tpu.memory_space<vmem>> -> memref<1x128xi32, #tpu.memory_space<vmem>>
          %dma_wait3A_324 = tpu.memref_squeeze %dma_wait3A_323 : memref<1x128xi32, #tpu.memory_space<vmem>> -> memref<128xi32, #tpu.memory_space<vmem>>
          %dma_wait3A_325 = arith.constant 0 : i32
          %dma_wait3A_326 = arith.constant 0 : i32
          %dma_wait3A_327 = tpu.memref_slice %arg17[%dma_wait3A_325, %dma_wait3A_326] : memref<10240x32xf32, #tpu.memory_space<vmem_shared>> -> memref<10240x32xf32, #tpu.memory_space<vmem_shared>>
          tpu.wait_indirect_dma semaphore(%arg32 : memref<!tpu.dma_semaphore, #tpu.memory_space<semaphore_mem>>) src(%arg15 : memref<128x32xf32, #tpu.memory_space<vmem>>) dst(%dma_wait3A_327 : memref<10240x32xf32, #tpu.memory_space<vmem_shared>>)
        } else {
        }
        %dma_start3A_315 = arith.constant 0 : i32
        %dma_start3A_316 = tpu.memref_slice %arg7[%add3A_188, %dma_start3A_315] : memref<80x128xi32, #tpu.memory_space<vmem>> -> memref<1x128xi32, #tpu.memory_space<vmem>>
        %dma_start3A_317 = tpu.memref_squeeze %dma_start3A_316 : memref<1x128xi32, #tpu.memory_space<vmem>> -> memref<128xi32, #tpu.memory_space<vmem>>
        %dma_start3A_318 = arith.constant 0 : i32
        %dma_start3A_319 = arith.constant 0 : i32
        %dma_start3A_320 = tpu.memref_slice %arg2[%dma_start3A_318, %dma_start3A_319] : memref<10240x32xf32, #tpu.memory_space<hbm>> -> memref<10240x32xf32, #tpu.memory_space<hbm>>
        tpu.enqueue_indirect_dma source(%dma_start3A_320 : memref<10240x32xf32, #tpu.memory_space<hbm>>) target(%arg15 : memref<128x32xf32, #tpu.memory_space<vmem>>) offsets(%dma_start3A_317 : memref<128xi32, #tpu.memory_space<vmem>>) semaphore(%arg24 : memref<!tpu.dma_semaphore, #tpu.memory_space<semaphore_mem>>)
      } else {
      }
      %dma_wait3A_194 = arith.constant 0 : i32
      %dma_wait3A_195 = tpu.memref_slice %arg7[%add3A_186, %dma_wait3A_194] : memref<80x128xi32, #tpu.memory_space<vmem>> -> memref<1x128xi32, #tpu.memory_space<vmem>>
      %dma_wait3A_196 = tpu.memref_squeeze %dma_wait3A_195 : memref<1x128xi32, #tpu.memory_space<vmem>> -> memref<128xi32, #tpu.memory_space<vmem>>
      %dma_wait3A_197 = arith.constant 0 : i32
      %dma_wait3A_198 = arith.constant 0 : i32
      %dma_wait3A_199 = tpu.memref_slice %arg2[%dma_wait3A_197, %dma_wait3A_198] : memref<10240x32xf32, #tpu.memory_space<hbm>> -> memref<10240x32xf32, #tpu.memory_space<hbm>>
      tpu.wait_indirect_dma semaphore(%arg20 : memref<!tpu.dma_semaphore, #tpu.memory_space<semaphore_mem>>) src(%dma_wait3A_199 : memref<10240x32xf32, #tpu.memory_space<hbm>>) dst(%arg11 : memref<128x32xf32, #tpu.memory_space<vmem>>)
      %dma_start3A_200 = arith.constant 0 : i32
      %dma_start3A_201 = tpu.memref_slice %arg8[%add3A_186, %dma_start3A_200] : memref<80x128xi32, #tpu.memory_space<vmem>> -> memref<1x128xi32, #tpu.memory_space<vmem>>
      %dma_start3A_202 = tpu.memref_squeeze %dma_start3A_201 : memref<1x128xi32, #tpu.memory_space<vmem>> -> memref<128xi32, #tpu.memory_space<vmem>>
      %dma_start3A_203 = arith.constant 0 : i32
      %dma_start3A_204 = arith.constant 0 : i32
      %dma_start3A_205 = tpu.memref_slice %arg17[%dma_start3A_203, %dma_start3A_204] : memref<10240x32xf32, #tpu.memory_space<vmem_shared>> -> memref<10240x32xf32, #tpu.memory_space<vmem_shared>>
      tpu.enqueue_indirect_dma source(%arg11 : memref<128x32xf32, #tpu.memory_space<vmem>>) target(%dma_start3A_205 : memref<10240x32xf32, #tpu.memory_space<vmem_shared>>) offsets(%dma_start3A_202 : memref<128xi32, #tpu.memory_space<vmem>>) semaphore(%arg28 : memref<!tpu.dma_semaphore, #tpu.memory_space<semaphore_mem>>) {add = true}
      %add3A_206 = arith.constant 3 : i32
      %add3A_207 = arith.addi %mul3A_143, %add3A_206 : i32
      %add3A_208 = arith.constant 4 : i32
      %add3A_209 = arith.addi %add3A_207, %add3A_208 : i32
      %lt3A_210 = arith.constant 80 : i32
      %lt3A_211 = arith.cmpi slt, %add3A_209, %lt3A_210 : i32
      %convert_element_type3A_212 = arith.extui %lt3A_211 : i1 to i32
      %cond3A_213 = arith.constant 0 : i32
      %cond3A_214 = arith.cmpi ne, %convert_element_type3A_212, %cond3A_213 : i32
      scf.if %cond3A_214 {
        %ge3A = arith.constant 4 : i32
        %ge3A_311 = arith.cmpi sge, %add3A_207, %ge3A : i32
        %convert_element_type3A_312 = arith.extui %ge3A_311 : i1 to i32
        %cond3A_313 = arith.constant 0 : i32
        %cond3A_314 = arith.cmpi ne, %convert_element_type3A_312, %cond3A_313 : i32
        scf.if %cond3A_314 {
          %sub3A = arith.constant 8 : i32
          %sub3A_321 = arith.subi %add3A_209, %sub3A : i32
          %dma_wait3A_322 = arith.constant 0 : i32
          %dma_wait3A_323 = tpu.memref_slice %arg8[%sub3A_321, %dma_wait3A_322] : memref<80x128xi32, #tpu.memory_space<vmem>> -> memref<1x128xi32, #tpu.memory_space<vmem>>
          %dma_wait3A_324 = tpu.memref_squeeze %dma_wait3A_323 : memref<1x128xi32, #tpu.memory_space<vmem>> -> memref<128xi32, #tpu.memory_space<vmem>>
          %dma_wait3A_325 = arith.constant 0 : i32
          %dma_wait3A_326 = arith.constant 0 : i32
          %dma_wait3A_327 = tpu.memref_slice %arg17[%dma_wait3A_325, %dma_wait3A_326] : memref<10240x32xf32, #tpu.memory_space<vmem_shared>> -> memref<10240x32xf32, #tpu.memory_space<vmem_shared>>
          tpu.wait_indirect_dma semaphore(%arg33 : memref<!tpu.dma_semaphore, #tpu.memory_space<semaphore_mem>>) src(%arg16 : memref<128x32xf32, #tpu.memory_space<vmem>>) dst(%dma_wait3A_327 : memref<10240x32xf32, #tpu.memory_space<vmem_shared>>)
        } else {
        }
        %dma_start3A_315 = arith.constant 0 : i32
        %dma_start3A_316 = tpu.memref_slice %arg7[%add3A_209, %dma_start3A_315] : memref<80x128xi32, #tpu.memory_space<vmem>> -> memref<1x128xi32, #tpu.memory_space<vmem>>
        %dma_start3A_317 = tpu.memref_squeeze %dma_start3A_316 : memref<1x128xi32, #tpu.memory_space<vmem>> -> memref<128xi32, #tpu.memory_space<vmem>>
        %dma_start3A_318 = arith.constant 0 : i32
        %dma_start3A_319 = arith.constant 0 : i32
        %dma_start3A_320 = tpu.memref_slice %arg2[%dma_start3A_318, %dma_start3A_319] : memref<10240x32xf32, #tpu.memory_space<hbm>> -> memref<10240x32xf32, #tpu.memory_space<hbm>>
        tpu.enqueue_indirect_dma source(%dma_start3A_320 : memref<10240x32xf32, #tpu.memory_space<hbm>>) target(%arg16 : memref<128x32xf32, #tpu.memory_space<vmem>>) offsets(%dma_start3A_317 : memref<128xi32, #tpu.memory_space<vmem>>) semaphore(%arg25 : memref<!tpu.dma_semaphore, #tpu.memory_space<semaphore_mem>>)
      } else {
      }
      %dma_wait3A_215 = arith.constant 0 : i32
      %dma_wait3A_216 = tpu.memref_slice %arg7[%add3A_207, %dma_wait3A_215] : memref<80x128xi32, #tpu.memory_space<vmem>> -> memref<1x128xi32, #tpu.memory_space<vmem>>
      %dma_wait3A_217 = tpu.memref_squeeze %dma_wait3A_216 : memref<1x128xi32, #tpu.memory_space<vmem>> -> memref<128xi32, #tpu.memory_space<vmem>>
      %dma_wait3A_218 = arith.constant 0 : i32
      %dma_wait3A_219 = arith.constant 0 : i32
      %dma_wait3A_220 = tpu.memref_slice %arg2[%dma_wait3A_218, %dma_wait3A_219] : memref<10240x32xf32, #tpu.memory_space<hbm>> -> memref<10240x32xf32, #tpu.memory_space<hbm>>
      tpu.wait_indirect_dma semaphore(%arg21 : memref<!tpu.dma_semaphore, #tpu.memory_space<semaphore_mem>>) src(%dma_wait3A_220 : memref<10240x32xf32, #tpu.memory_space<hbm>>) dst(%arg12 : memref<128x32xf32, #tpu.memory_space<vmem>>)
      %dma_start3A_221 = arith.constant 0 : i32
      %dma_start3A_222 = tpu.memref_slice %arg8[%add3A_207, %dma_start3A_221] : memref<80x128xi32, #tpu.memory_space<vmem>> -> memref<1x128xi32, #tpu.memory_space<vmem>>
      %dma_start3A_223 = tpu.memref_squeeze %dma_start3A_222 : memref<1x128xi32, #tpu.memory_space<vmem>> -> memref<128xi32, #tpu.memory_space<vmem>>
      %dma_start3A_224 = arith.constant 0 : i32
      %dma_start3A_225 = arith.constant 0 : i32
      %dma_start3A_226 = tpu.memref_slice %arg17[%dma_start3A_224, %dma_start3A_225] : memref<10240x32xf32, #tpu.memory_space<vmem_shared>> -> memref<10240x32xf32, #tpu.memory_space<vmem_shared>>
      tpu.enqueue_indirect_dma source(%arg12 : memref<128x32xf32, #tpu.memory_space<vmem>>) target(%dma_start3A_226 : memref<10240x32xf32, #tpu.memory_space<vmem_shared>>) offsets(%dma_start3A_223 : memref<128xi32, #tpu.memory_space<vmem>>) semaphore(%arg29 : memref<!tpu.dma_semaphore, #tpu.memory_space<semaphore_mem>>) {add = true}
      %add3A_227 = arith.constant 4 : i32
      %add3A_228 = arith.addi %mul3A_143, %add3A_227 : i32
      %add3A_229 = arith.constant 4 : i32
      %add3A_230 = arith.addi %add3A_228, %add3A_229 : i32
      %lt3A_231 = arith.constant 80 : i32
      %lt3A_232 = arith.cmpi slt, %add3A_230, %lt3A_231 : i32
      %convert_element_type3A_233 = arith.extui %lt3A_232 : i1 to i32
      %cond3A_234 = arith.constant 0 : i32
      %cond3A_235 = arith.cmpi ne, %convert_element_type3A_233, %cond3A_234 : i32
      scf.if %cond3A_235 {
        %ge3A = arith.constant 4 : i32
        %ge3A_311 = arith.cmpi sge, %add3A_228, %ge3A : i32
        %convert_element_type3A_312 = arith.extui %ge3A_311 : i1 to i32
        %cond3A_313 = arith.constant 0 : i32
        %cond3A_314 = arith.cmpi ne, %convert_element_type3A_312, %cond3A_313 : i32
        scf.if %cond3A_314 {
          %sub3A = arith.constant 8 : i32
          %sub3A_321 = arith.subi %add3A_230, %sub3A : i32
          %dma_wait3A_322 = arith.constant 0 : i32
          %dma_wait3A_323 = tpu.memref_slice %arg8[%sub3A_321, %dma_wait3A_322] : memref<80x128xi32, #tpu.memory_space<vmem>> -> memref<1x128xi32, #tpu.memory_space<vmem>>
          %dma_wait3A_324 = tpu.memref_squeeze %dma_wait3A_323 : memref<1x128xi32, #tpu.memory_space<vmem>> -> memref<128xi32, #tpu.memory_space<vmem>>
          %dma_wait3A_325 = arith.constant 0 : i32
          %dma_wait3A_326 = arith.constant 0 : i32
          %dma_wait3A_327 = tpu.memref_slice %arg17[%dma_wait3A_325, %dma_wait3A_326] : memref<10240x32xf32, #tpu.memory_space<vmem_shared>> -> memref<10240x32xf32, #tpu.memory_space<vmem_shared>>
          tpu.wait_indirect_dma semaphore(%arg26 : memref<!tpu.dma_semaphore, #tpu.memory_space<semaphore_mem>>) src(%arg9 : memref<128x32xf32, #tpu.memory_space<vmem>>) dst(%dma_wait3A_327 : memref<10240x32xf32, #tpu.memory_space<vmem_shared>>)
        } else {
        }
        %dma_start3A_315 = arith.constant 0 : i32
        %dma_start3A_316 = tpu.memref_slice %arg7[%add3A_230, %dma_start3A_315] : memref<80x128xi32, #tpu.memory_space<vmem>> -> memref<1x128xi32, #tpu.memory_space<vmem>>
        %dma_start3A_317 = tpu.memref_squeeze %dma_start3A_316 : memref<1x128xi32, #tpu.memory_space<vmem>> -> memref<128xi32, #tpu.memory_space<vmem>>
        %dma_start3A_318 = arith.constant 0 : i32
        %dma_start3A_319 = arith.constant 0 : i32
        %dma_start3A_320 = tpu.memref_slice %arg2[%dma_start3A_318, %dma_start3A_319] : memref<10240x32xf32, #tpu.memory_space<hbm>> -> memref<10240x32xf32, #tpu.memory_space<hbm>>
        tpu.enqueue_indirect_dma source(%dma_start3A_320 : memref<10240x32xf32, #tpu.memory_space<hbm>>) target(%arg9 : memref<128x32xf32, #tpu.memory_space<vmem>>) offsets(%dma_start3A_317 : memref<128xi32, #tpu.memory_space<vmem>>) semaphore(%arg18 : memref<!tpu.dma_semaphore, #tpu.memory_space<semaphore_mem>>)
      } else {
      }
      %dma_wait3A_236 = arith.constant 0 : i32
      %dma_wait3A_237 = tpu.memref_slice %arg7[%add3A_228, %dma_wait3A_236] : memref<80x128xi32, #tpu.memory_space<vmem>> -> memref<1x128xi32, #tpu.memory_space<vmem>>
      %dma_wait3A_238 = tpu.memref_squeeze %dma_wait3A_237 : memref<1x128xi32, #tpu.memory_space<vmem>> -> memref<128xi32, #tpu.memory_space<vmem>>
      %dma_wait3A_239 = arith.constant 0 : i32
      %dma_wait3A_240 = arith.constant 0 : i32
      %dma_wait3A_241 = tpu.memref_slice %arg2[%dma_wait3A_239, %dma_wait3A_240] : memref<10240x32xf32, #tpu.memory_space<hbm>> -> memref<10240x32xf32, #tpu.memory_space<hbm>>
      tpu.wait_indirect_dma semaphore(%arg22 : memref<!tpu.dma_semaphore, #tpu.memory_space<semaphore_mem>>) src(%dma_wait3A_241 : memref<10240x32xf32, #tpu.memory_space<hbm>>) dst(%arg13 : memref<128x32xf32, #tpu.memory_space<vmem>>)
      %dma_start3A_242 = arith.constant 0 : i32
      %dma_start3A_243 = tpu.memref_slice %arg8[%add3A_228, %dma_start3A_242] : memref<80x128xi32, #tpu.memory_space<vmem>> -> memref<1x128xi32, #tpu.memory_space<vmem>>
      %dma_start3A_244 = tpu.memref_squeeze %dma_start3A_243 : memref<1x128xi32, #tpu.memory_space<vmem>> -> memref<128xi32, #tpu.memory_space<vmem>>
      %dma_start3A_245 = arith.constant 0 : i32
      %dma_start3A_246 = arith.constant 0 : i32
      %dma_start3A_247 = tpu.memref_slice %arg17[%dma_start3A_245, %dma_start3A_246] : memref<10240x32xf32, #tpu.memory_space<vmem_shared>> -> memref<10240x32xf32, #tpu.memory_space<vmem_shared>>
      tpu.enqueue_indirect_dma source(%arg13 : memref<128x32xf32, #tpu.memory_space<vmem>>) target(%dma_start3A_247 : memref<10240x32xf32, #tpu.memory_space<vmem_shared>>) offsets(%dma_start3A_244 : memref<128xi32, #tpu.memory_space<vmem>>) semaphore(%arg30 : memref<!tpu.dma_semaphore, #tpu.memory_space<semaphore_mem>>) {add = true}
      %add3A_248 = arith.constant 5 : i32
      %add3A_249 = arith.addi %mul3A_143, %add3A_248 : i32
      %add3A_250 = arith.constant 4 : i32
      %add3A_251 = arith.addi %add3A_249, %add3A_250 : i32
      %lt3A_252 = arith.constant 80 : i32
      %lt3A_253 = arith.cmpi slt, %add3A_251, %lt3A_252 : i32
      %convert_element_type3A_254 = arith.extui %lt3A_253 : i1 to i32
      %cond3A_255 = arith.constant 0 : i32
      %cond3A_256 = arith.cmpi ne, %convert_element_type3A_254, %cond3A_255 : i32
      scf.if %cond3A_256 {
        %ge3A = arith.constant 4 : i32
        %ge3A_311 = arith.cmpi sge, %add3A_249, %ge3A : i32
        %convert_element_type3A_312 = arith.extui %ge3A_311 : i1 to i32
        %cond3A_313 = arith.constant 0 : i32
        %cond3A_314 = arith.cmpi ne, %convert_element_type3A_312, %cond3A_313 : i32
        scf.if %cond3A_314 {
          %sub3A = arith.constant 8 : i32
          %sub3A_321 = arith.subi %add3A_251, %sub3A : i32
          %dma_wait3A_322 = arith.constant 0 : i32
          %dma_wait3A_323 = tpu.memref_slice %arg8[%sub3A_321, %dma_wait3A_322] : memref<80x128xi32, #tpu.memory_space<vmem>> -> memref<1x128xi32, #tpu.memory_space<vmem>>
          %dma_wait3A_324 = tpu.memref_squeeze %dma_wait3A_323 : memref<1x128xi32, #tpu.memory_space<vmem>> -> memref<128xi32, #tpu.memory_space<vmem>>
          %dma_wait3A_325 = arith.constant 0 : i32
          %dma_wait3A_326 = arith.constant 0 : i32
          %dma_wait3A_327 = tpu.memref_slice %arg17[%dma_wait3A_325, %dma_wait3A_326] : memref<10240x32xf32, #tpu.memory_space<vmem_shared>> -> memref<10240x32xf32, #tpu.memory_space<vmem_shared>>
          tpu.wait_indirect_dma semaphore(%arg27 : memref<!tpu.dma_semaphore, #tpu.memory_space<semaphore_mem>>) src(%arg10 : memref<128x32xf32, #tpu.memory_space<vmem>>) dst(%dma_wait3A_327 : memref<10240x32xf32, #tpu.memory_space<vmem_shared>>)
        } else {
        }
        %dma_start3A_315 = arith.constant 0 : i32
        %dma_start3A_316 = tpu.memref_slice %arg7[%add3A_251, %dma_start3A_315] : memref<80x128xi32, #tpu.memory_space<vmem>> -> memref<1x128xi32, #tpu.memory_space<vmem>>
        %dma_start3A_317 = tpu.memref_squeeze %dma_start3A_316 : memref<1x128xi32, #tpu.memory_space<vmem>> -> memref<128xi32, #tpu.memory_space<vmem>>
        %dma_start3A_318 = arith.constant 0 : i32
        %dma_start3A_319 = arith.constant 0 : i32
        %dma_start3A_320 = tpu.memref_slice %arg2[%dma_start3A_318, %dma_start3A_319] : memref<10240x32xf32, #tpu.memory_space<hbm>> -> memref<10240x32xf32, #tpu.memory_space<hbm>>
        tpu.enqueue_indirect_dma source(%dma_start3A_320 : memref<10240x32xf32, #tpu.memory_space<hbm>>) target(%arg10 : memref<128x32xf32, #tpu.memory_space<vmem>>) offsets(%dma_start3A_317 : memref<128xi32, #tpu.memory_space<vmem>>) semaphore(%arg19 : memref<!tpu.dma_semaphore, #tpu.memory_space<semaphore_mem>>)
      } else {
      }
      %dma_wait3A_257 = arith.constant 0 : i32
      %dma_wait3A_258 = tpu.memref_slice %arg7[%add3A_249, %dma_wait3A_257] : memref<80x128xi32, #tpu.memory_space<vmem>> -> memref<1x128xi32, #tpu.memory_space<vmem>>
      %dma_wait3A_259 = tpu.memref_squeeze %dma_wait3A_258 : memref<1x128xi32, #tpu.memory_space<vmem>> -> memref<128xi32, #tpu.memory_space<vmem>>
      %dma_wait3A_260 = arith.constant 0 : i32
      %dma_wait3A_261 = arith.constant 0 : i32
      %dma_wait3A_262 = tpu.memref_slice %arg2[%dma_wait3A_260, %dma_wait3A_261] : memref<10240x32xf32, #tpu.memory_space<hbm>> -> memref<10240x32xf32, #tpu.memory_space<hbm>>
      tpu.wait_indirect_dma semaphore(%arg23 : memref<!tpu.dma_semaphore, #tpu.memory_space<semaphore_mem>>) src(%dma_wait3A_262 : memref<10240x32xf32, #tpu.memory_space<hbm>>) dst(%arg14 : memref<128x32xf32, #tpu.memory_space<vmem>>)
      %dma_start3A_263 = arith.constant 0 : i32
      %dma_start3A_264 = tpu.memref_slice %arg8[%add3A_249, %dma_start3A_263] : memref<80x128xi32, #tpu.memory_space<vmem>> -> memref<1x128xi32, #tpu.memory_space<vmem>>
      %dma_start3A_265 = tpu.memref_squeeze %dma_start3A_264 : memref<1x128xi32, #tpu.memory_space<vmem>> -> memref<128xi32, #tpu.memory_space<vmem>>
      %dma_start3A_266 = arith.constant 0 : i32
      %dma_start3A_267 = arith.constant 0 : i32
      %dma_start3A_268 = tpu.memref_slice %arg17[%dma_start3A_266, %dma_start3A_267] : memref<10240x32xf32, #tpu.memory_space<vmem_shared>> -> memref<10240x32xf32, #tpu.memory_space<vmem_shared>>
      tpu.enqueue_indirect_dma source(%arg14 : memref<128x32xf32, #tpu.memory_space<vmem>>) target(%dma_start3A_268 : memref<10240x32xf32, #tpu.memory_space<vmem_shared>>) offsets(%dma_start3A_265 : memref<128xi32, #tpu.memory_space<vmem>>) semaphore(%arg31 : memref<!tpu.dma_semaphore, #tpu.memory_space<semaphore_mem>>) {add = true}
      %add3A_269 = arith.constant 6 : i32
      %add3A_270 = arith.addi %mul3A_143, %add3A_269 : i32
      %add3A_271 = arith.constant 4 : i32
      %add3A_272 = arith.addi %add3A_270, %add3A_271 : i32
      %lt3A_273 = arith.constant 80 : i32
      %lt3A_274 = arith.cmpi slt, %add3A_272, %lt3A_273 : i32
      %convert_element_type3A_275 = arith.extui %lt3A_274 : i1 to i32
      %cond3A_276 = arith.constant 0 : i32
      %cond3A_277 = arith.cmpi ne, %convert_element_type3A_275, %cond3A_276 : i32
      scf.if %cond3A_277 {
        %ge3A = arith.constant 4 : i32
        %ge3A_311 = arith.cmpi sge, %add3A_270, %ge3A : i32
        %convert_element_type3A_312 = arith.extui %ge3A_311 : i1 to i32
        %cond3A_313 = arith.constant 0 : i32
        %cond3A_314 = arith.cmpi ne, %convert_element_type3A_312, %cond3A_313 : i32
        scf.if %cond3A_314 {
          %sub3A = arith.constant 8 : i32
          %sub3A_321 = arith.subi %add3A_272, %sub3A : i32
          %dma_wait3A_322 = arith.constant 0 : i32
          %dma_wait3A_323 = tpu.memref_slice %arg8[%sub3A_321, %dma_wait3A_322] : memref<80x128xi32, #tpu.memory_space<vmem>> -> memref<1x128xi32, #tpu.memory_space<vmem>>
          %dma_wait3A_324 = tpu.memref_squeeze %dma_wait3A_323 : memref<1x128xi32, #tpu.memory_space<vmem>> -> memref<128xi32, #tpu.memory_space<vmem>>
          %dma_wait3A_325 = arith.constant 0 : i32
          %dma_wait3A_326 = arith.constant 0 : i32
          %dma_wait3A_327 = tpu.memref_slice %arg17[%dma_wait3A_325, %dma_wait3A_326] : memref<10240x32xf32, #tpu.memory_space<vmem_shared>> -> memref<10240x32xf32, #tpu.memory_space<vmem_shared>>
          tpu.wait_indirect_dma semaphore(%arg28 : memref<!tpu.dma_semaphore, #tpu.memory_space<semaphore_mem>>) src(%arg11 : memref<128x32xf32, #tpu.memory_space<vmem>>) dst(%dma_wait3A_327 : memref<10240x32xf32, #tpu.memory_space<vmem_shared>>)
        } else {
        }
        %dma_start3A_315 = arith.constant 0 : i32
        %dma_start3A_316 = tpu.memref_slice %arg7[%add3A_272, %dma_start3A_315] : memref<80x128xi32, #tpu.memory_space<vmem>> -> memref<1x128xi32, #tpu.memory_space<vmem>>
        %dma_start3A_317 = tpu.memref_squeeze %dma_start3A_316 : memref<1x128xi32, #tpu.memory_space<vmem>> -> memref<128xi32, #tpu.memory_space<vmem>>
        %dma_start3A_318 = arith.constant 0 : i32
        %dma_start3A_319 = arith.constant 0 : i32
        %dma_start3A_320 = tpu.memref_slice %arg2[%dma_start3A_318, %dma_start3A_319] : memref<10240x32xf32, #tpu.memory_space<hbm>> -> memref<10240x32xf32, #tpu.memory_space<hbm>>
        tpu.enqueue_indirect_dma source(%dma_start3A_320 : memref<10240x32xf32, #tpu.memory_space<hbm>>) target(%arg11 : memref<128x32xf32, #tpu.memory_space<vmem>>) offsets(%dma_start3A_317 : memref<128xi32, #tpu.memory_space<vmem>>) semaphore(%arg20 : memref<!tpu.dma_semaphore, #tpu.memory_space<semaphore_mem>>)
      } else {
      }
      %dma_wait3A_278 = arith.constant 0 : i32
      %dma_wait3A_279 = tpu.memref_slice %arg7[%add3A_270, %dma_wait3A_278] : memref<80x128xi32, #tpu.memory_space<vmem>> -> memref<1x128xi32, #tpu.memory_space<vmem>>
      %dma_wait3A_280 = tpu.memref_squeeze %dma_wait3A_279 : memref<1x128xi32, #tpu.memory_space<vmem>> -> memref<128xi32, #tpu.memory_space<vmem>>
      %dma_wait3A_281 = arith.constant 0 : i32
      %dma_wait3A_282 = arith.constant 0 : i32
      %dma_wait3A_283 = tpu.memref_slice %arg2[%dma_wait3A_281, %dma_wait3A_282] : memref<10240x32xf32, #tpu.memory_space<hbm>> -> memref<10240x32xf32, #tpu.memory_space<hbm>>
      tpu.wait_indirect_dma semaphore(%arg24 : memref<!tpu.dma_semaphore, #tpu.memory_space<semaphore_mem>>) src(%dma_wait3A_283 : memref<10240x32xf32, #tpu.memory_space<hbm>>) dst(%arg15 : memref<128x32xf32, #tpu.memory_space<vmem>>)
      %dma_start3A_284 = arith.constant 0 : i32
      %dma_start3A_285 = tpu.memref_slice %arg8[%add3A_270, %dma_start3A_284] : memref<80x128xi32, #tpu.memory_space<vmem>> -> memref<1x128xi32, #tpu.memory_space<vmem>>
      %dma_start3A_286 = tpu.memref_squeeze %dma_start3A_285 : memref<1x128xi32, #tpu.memory_space<vmem>> -> memref<128xi32, #tpu.memory_space<vmem>>
      %dma_start3A_287 = arith.constant 0 : i32
      %dma_start3A_288 = arith.constant 0 : i32
      %dma_start3A_289 = tpu.memref_slice %arg17[%dma_start3A_287, %dma_start3A_288] : memref<10240x32xf32, #tpu.memory_space<vmem_shared>> -> memref<10240x32xf32, #tpu.memory_space<vmem_shared>>
      tpu.enqueue_indirect_dma source(%arg15 : memref<128x32xf32, #tpu.memory_space<vmem>>) target(%dma_start3A_289 : memref<10240x32xf32, #tpu.memory_space<vmem_shared>>) offsets(%dma_start3A_286 : memref<128xi32, #tpu.memory_space<vmem>>) semaphore(%arg32 : memref<!tpu.dma_semaphore, #tpu.memory_space<semaphore_mem>>) {add = true}
      %add3A_290 = arith.constant 7 : i32
      %add3A_291 = arith.addi %mul3A_143, %add3A_290 : i32
      %add3A_292 = arith.constant 4 : i32
      %add3A_293 = arith.addi %add3A_291, %add3A_292 : i32
      %lt3A_294 = arith.constant 80 : i32
      %lt3A_295 = arith.cmpi slt, %add3A_293, %lt3A_294 : i32
      %convert_element_type3A_296 = arith.extui %lt3A_295 : i1 to i32
      %cond3A_297 = arith.constant 0 : i32
      %cond3A_298 = arith.cmpi ne, %convert_element_type3A_296, %cond3A_297 : i32
      scf.if %cond3A_298 {
        %ge3A = arith.constant 4 : i32
        %ge3A_311 = arith.cmpi sge, %add3A_291, %ge3A : i32
        %convert_element_type3A_312 = arith.extui %ge3A_311 : i1 to i32
        %cond3A_313 = arith.constant 0 : i32
        %cond3A_314 = arith.cmpi ne, %convert_element_type3A_312, %cond3A_313 : i32
        scf.if %cond3A_314 {
          %sub3A = arith.constant 8 : i32
          %sub3A_321 = arith.subi %add3A_293, %sub3A : i32
          %dma_wait3A_322 = arith.constant 0 : i32
          %dma_wait3A_323 = tpu.memref_slice %arg8[%sub3A_321, %dma_wait3A_322] : memref<80x128xi32, #tpu.memory_space<vmem>> -> memref<1x128xi32, #tpu.memory_space<vmem>>
          %dma_wait3A_324 = tpu.memref_squeeze %dma_wait3A_323 : memref<1x128xi32, #tpu.memory_space<vmem>> -> memref<128xi32, #tpu.memory_space<vmem>>
          %dma_wait3A_325 = arith.constant 0 : i32
          %dma_wait3A_326 = arith.constant 0 : i32
          %dma_wait3A_327 = tpu.memref_slice %arg17[%dma_wait3A_325, %dma_wait3A_326] : memref<10240x32xf32, #tpu.memory_space<vmem_shared>> -> memref<10240x32xf32, #tpu.memory_space<vmem_shared>>
          tpu.wait_indirect_dma semaphore(%arg29 : memref<!tpu.dma_semaphore, #tpu.memory_space<semaphore_mem>>) src(%arg12 : memref<128x32xf32, #tpu.memory_space<vmem>>) dst(%dma_wait3A_327 : memref<10240x32xf32, #tpu.memory_space<vmem_shared>>)
        } else {
        }
        %dma_start3A_315 = arith.constant 0 : i32
        %dma_start3A_316 = tpu.memref_slice %arg7[%add3A_293, %dma_start3A_315] : memref<80x128xi32, #tpu.memory_space<vmem>> -> memref<1x128xi32, #tpu.memory_space<vmem>>
        %dma_start3A_317 = tpu.memref_squeeze %dma_start3A_316 : memref<1x128xi32, #tpu.memory_space<vmem>> -> memref<128xi32, #tpu.memory_space<vmem>>
        %dma_start3A_318 = arith.constant 0 : i32
        %dma_start3A_319 = arith.constant 0 : i32
        %dma_start3A_320 = tpu.memref_slice %arg2[%dma_start3A_318, %dma_start3A_319] : memref<10240x32xf32, #tpu.memory_space<hbm>> -> memref<10240x32xf32, #tpu.memory_space<hbm>>
        tpu.enqueue_indirect_dma source(%dma_start3A_320 : memref<10240x32xf32, #tpu.memory_space<hbm>>) target(%arg12 : memref<128x32xf32, #tpu.memory_space<vmem>>) offsets(%dma_start3A_317 : memref<128xi32, #tpu.memory_space<vmem>>) semaphore(%arg21 : memref<!tpu.dma_semaphore, #tpu.memory_space<semaphore_mem>>)
      } else {
      }
      %dma_wait3A_299 = arith.constant 0 : i32
      %dma_wait3A_300 = tpu.memref_slice %arg7[%add3A_291, %dma_wait3A_299] : memref<80x128xi32, #tpu.memory_space<vmem>> -> memref<1x128xi32, #tpu.memory_space<vmem>>
      %dma_wait3A_301 = tpu.memref_squeeze %dma_wait3A_300 : memref<1x128xi32, #tpu.memory_space<vmem>> -> memref<128xi32, #tpu.memory_space<vmem>>
      %dma_wait3A_302 = arith.constant 0 : i32
      %dma_wait3A_303 = arith.constant 0 : i32
      %dma_wait3A_304 = tpu.memref_slice %arg2[%dma_wait3A_302, %dma_wait3A_303] : memref<10240x32xf32, #tpu.memory_space<hbm>> -> memref<10240x32xf32, #tpu.memory_space<hbm>>
      tpu.wait_indirect_dma semaphore(%arg25 : memref<!tpu.dma_semaphore, #tpu.memory_space<semaphore_mem>>) src(%dma_wait3A_304 : memref<10240x32xf32, #tpu.memory_space<hbm>>) dst(%arg16 : memref<128x32xf32, #tpu.memory_space<vmem>>)
      %dma_start3A_305 = arith.constant 0 : i32
      %dma_start3A_306 = tpu.memref_slice %arg8[%add3A_291, %dma_start3A_305] : memref<80x128xi32, #tpu.memory_space<vmem>> -> memref<1x128xi32, #tpu.memory_space<vmem>>
      %dma_start3A_307 = tpu.memref_squeeze %dma_start3A_306 : memref<1x128xi32, #tpu.memory_space<vmem>> -> memref<128xi32, #tpu.memory_space<vmem>>
      %dma_start3A_308 = arith.constant 0 : i32
      %dma_start3A_309 = arith.constant 0 : i32
      %dma_start3A_310 = tpu.memref_slice %arg17[%dma_start3A_308, %dma_start3A_309] : memref<10240x32xf32, #tpu.memory_space<vmem_shared>> -> memref<10240x32xf32, #tpu.memory_space<vmem_shared>>
      tpu.enqueue_indirect_dma source(%arg16 : memref<128x32xf32, #tpu.memory_space<vmem>>) target(%dma_start3A_310 : memref<10240x32xf32, #tpu.memory_space<vmem_shared>>) offsets(%dma_start3A_307 : memref<128xi32, #tpu.memory_space<vmem>>) semaphore(%arg33 : memref<!tpu.dma_semaphore, #tpu.memory_space<semaphore_mem>>) {add = true}
    }
    %scan3A_76 = arith.constant 10 : i32
    %dma_wait3A_77 = arith.constant 72 : i32
    %dma_wait3A_78 = arith.constant 0 : i32
    %dma_wait3A_79 = tpu.memref_slice %arg8[%dma_wait3A_77, %dma_wait3A_78] : memref<80x128xi32, #tpu.memory_space<vmem>> -> memref<1x128xi32, #tpu.memory_space<vmem>>
    %dma_wait3A_80 = tpu.memref_squeeze %dma_wait3A_79 : memref<1x128xi32, #tpu.memory_space<vmem>> -> memref<128xi32, #tpu.memory_space<vmem>>
    %dma_wait3A_81 = arith.constant 0 : i32
    %dma_wait3A_82 = arith.constant 0 : i32
    %dma_wait3A_83 = tpu.memref_slice %arg17[%dma_wait3A_81, %dma_wait3A_82] : memref<10240x32xf32, #tpu.memory_space<vmem_shared>> -> memref<10240x32xf32, #tpu.memory_space<vmem_shared>>
    tpu.wait_indirect_dma semaphore(%arg26 : memref<!tpu.dma_semaphore, #tpu.memory_space<semaphore_mem>>) src(%arg9 : memref<128x32xf32, #tpu.memory_space<vmem>>) dst(%dma_wait3A_83 : memref<10240x32xf32, #tpu.memory_space<vmem_shared>>)
    %dma_wait3A_84 = arith.constant 73 : i32
    %dma_wait3A_85 = arith.constant 0 : i32
    %dma_wait3A_86 = tpu.memref_slice %arg8[%dma_wait3A_84, %dma_wait3A_85] : memref<80x128xi32, #tpu.memory_space<vmem>> -> memref<1x128xi32, #tpu.memory_space<vmem>>
    %dma_wait3A_87 = tpu.memref_squeeze %dma_wait3A_86 : memref<1x128xi32, #tpu.memory_space<vmem>> -> memref<128xi32, #tpu.memory_space<vmem>>
    %dma_wait3A_88 = arith.constant 0 : i32
    %dma_wait3A_89 = arith.constant 0 : i32
    %dma_wait3A_90 = tpu.memref_slice %arg17[%dma_wait3A_88, %dma_wait3A_89] : memref<10240x32xf32, #tpu.memory_space<vmem_shared>> -> memref<10240x32xf32, #tpu.memory_space<vmem_shared>>
    tpu.wait_indirect_dma semaphore(%arg27 : memref<!tpu.dma_semaphore, #tpu.memory_space<semaphore_mem>>) src(%arg10 : memref<128x32xf32, #tpu.memory_space<vmem>>) dst(%dma_wait3A_90 : memref<10240x32xf32, #tpu.memory_space<vmem_shared>>)
    %dma_wait3A_91 = arith.constant 74 : i32
    %dma_wait3A_92 = arith.constant 0 : i32
    %dma_wait3A_93 = tpu.memref_slice %arg8[%dma_wait3A_91, %dma_wait3A_92] : memref<80x128xi32, #tpu.memory_space<vmem>> -> memref<1x128xi32, #tpu.memory_space<vmem>>
    %dma_wait3A_94 = tpu.memref_squeeze %dma_wait3A_93 : memref<1x128xi32, #tpu.memory_space<vmem>> -> memref<128xi32, #tpu.memory_space<vmem>>
    %dma_wait3A_95 = arith.constant 0 : i32
    %dma_wait3A_96 = arith.constant 0 : i32
    %dma_wait3A_97 = tpu.memref_slice %arg17[%dma_wait3A_95, %dma_wait3A_96] : memref<10240x32xf32, #tpu.memory_space<vmem_shared>> -> memref<10240x32xf32, #tpu.memory_space<vmem_shared>>
    tpu.wait_indirect_dma semaphore(%arg28 : memref<!tpu.dma_semaphore, #tpu.memory_space<semaphore_mem>>) src(%arg11 : memref<128x32xf32, #tpu.memory_space<vmem>>) dst(%dma_wait3A_97 : memref<10240x32xf32, #tpu.memory_space<vmem_shared>>)
    %dma_wait3A_98 = arith.constant 75 : i32
    %dma_wait3A_99 = arith.constant 0 : i32
    %dma_wait3A_100 = tpu.memref_slice %arg8[%dma_wait3A_98, %dma_wait3A_99] : memref<80x128xi32, #tpu.memory_space<vmem>> -> memref<1x128xi32, #tpu.memory_space<vmem>>
    %dma_wait3A_101 = tpu.memref_squeeze %dma_wait3A_100 : memref<1x128xi32, #tpu.memory_space<vmem>> -> memref<128xi32, #tpu.memory_space<vmem>>
    %dma_wait3A_102 = arith.constant 0 : i32
    %dma_wait3A_103 = arith.constant 0 : i32
    %dma_wait3A_104 = tpu.memref_slice %arg17[%dma_wait3A_102, %dma_wait3A_103] : memref<10240x32xf32, #tpu.memory_space<vmem_shared>> -> memref<10240x32xf32, #tpu.memory_space<vmem_shared>>
    tpu.wait_indirect_dma semaphore(%arg29 : memref<!tpu.dma_semaphore, #tpu.memory_space<semaphore_mem>>) src(%arg12 : memref<128x32xf32, #tpu.memory_space<vmem>>) dst(%dma_wait3A_104 : memref<10240x32xf32, #tpu.memory_space<vmem_shared>>)
    %dma_wait3A_105 = arith.constant 76 : i32
    %dma_wait3A_106 = arith.constant 0 : i32
    %dma_wait3A_107 = tpu.memref_slice %arg8[%dma_wait3A_105, %dma_wait3A_106] : memref<80x128xi32, #tpu.memory_space<vmem>> -> memref<1x128xi32, #tpu.memory_space<vmem>>
    %dma_wait3A_108 = tpu.memref_squeeze %dma_wait3A_107 : memref<1x128xi32, #tpu.memory_space<vmem>> -> memref<128xi32, #tpu.memory_space<vmem>>
    %dma_wait3A_109 = arith.constant 0 : i32
    %dma_wait3A_110 = arith.constant 0 : i32
    %dma_wait3A_111 = tpu.memref_slice %arg17[%dma_wait3A_109, %dma_wait3A_110] : memref<10240x32xf32, #tpu.memory_space<vmem_shared>> -> memref<10240x32xf32, #tpu.memory_space<vmem_shared>>
    tpu.wait_indirect_dma semaphore(%arg30 : memref<!tpu.dma_semaphore, #tpu.memory_space<semaphore_mem>>) src(%arg13 : memref<128x32xf32, #tpu.memory_space<vmem>>) dst(%dma_wait3A_111 : memref<10240x32xf32, #tpu.memory_space<vmem_shared>>)
    %dma_wait3A_112 = arith.constant 77 : i32
    %dma_wait3A_113 = arith.constant 0 : i32
    %dma_wait3A_114 = tpu.memref_slice %arg8[%dma_wait3A_112, %dma_wait3A_113] : memref<80x128xi32, #tpu.memory_space<vmem>> -> memref<1x128xi32, #tpu.memory_space<vmem>>
    %dma_wait3A_115 = tpu.memref_squeeze %dma_wait3A_114 : memref<1x128xi32, #tpu.memory_space<vmem>> -> memref<128xi32, #tpu.memory_space<vmem>>
    %dma_wait3A_116 = arith.constant 0 : i32
    %dma_wait3A_117 = arith.constant 0 : i32
    %dma_wait3A_118 = tpu.memref_slice %arg17[%dma_wait3A_116, %dma_wait3A_117] : memref<10240x32xf32, #tpu.memory_space<vmem_shared>> -> memref<10240x32xf32, #tpu.memory_space<vmem_shared>>
    tpu.wait_indirect_dma semaphore(%arg31 : memref<!tpu.dma_semaphore, #tpu.memory_space<semaphore_mem>>) src(%arg14 : memref<128x32xf32, #tpu.memory_space<vmem>>) dst(%dma_wait3A_118 : memref<10240x32xf32, #tpu.memory_space<vmem_shared>>)
    %dma_wait3A_119 = arith.constant 78 : i32
    %dma_wait3A_120 = arith.constant 0 : i32
    %dma_wait3A_121 = tpu.memref_slice %arg8[%dma_wait3A_119, %dma_wait3A_120] : memref<80x128xi32, #tpu.memory_space<vmem>> -> memref<1x128xi32, #tpu.memory_space<vmem>>
    %dma_wait3A_122 = tpu.memref_squeeze %dma_wait3A_121 : memref<1x128xi32, #tpu.memory_space<vmem>> -> memref<128xi32, #tpu.memory_space<vmem>>
    %dma_wait3A_123 = arith.constant 0 : i32
    %dma_wait3A_124 = arith.constant 0 : i32
    %dma_wait3A_125 = tpu.memref_slice %arg17[%dma_wait3A_123, %dma_wait3A_124] : memref<10240x32xf32, #tpu.memory_space<vmem_shared>> -> memref<10240x32xf32, #tpu.memory_space<vmem_shared>>
    tpu.wait_indirect_dma semaphore(%arg32 : memref<!tpu.dma_semaphore, #tpu.memory_space<semaphore_mem>>) src(%arg15 : memref<128x32xf32, #tpu.memory_space<vmem>>) dst(%dma_wait3A_125 : memref<10240x32xf32, #tpu.memory_space<vmem_shared>>)
    %dma_wait3A_126 = arith.constant 79 : i32
    %dma_wait3A_127 = arith.constant 0 : i32
    %dma_wait3A_128 = tpu.memref_slice %arg8[%dma_wait3A_126, %dma_wait3A_127] : memref<80x128xi32, #tpu.memory_space<vmem>> -> memref<1x128xi32, #tpu.memory_space<vmem>>
    %dma_wait3A_129 = tpu.memref_squeeze %dma_wait3A_128 : memref<1x128xi32, #tpu.memory_space<vmem>> -> memref<128xi32, #tpu.memory_space<vmem>>
    %dma_wait3A_130 = arith.constant 0 : i32
    %dma_wait3A_131 = arith.constant 0 : i32
    %dma_wait3A_132 = tpu.memref_slice %arg17[%dma_wait3A_130, %dma_wait3A_131] : memref<10240x32xf32, #tpu.memory_space<vmem_shared>> -> memref<10240x32xf32, #tpu.memory_space<vmem_shared>>
    tpu.wait_indirect_dma semaphore(%arg33 : memref<!tpu.dma_semaphore, #tpu.memory_space<semaphore_mem>>) src(%arg16 : memref<128x32xf32, #tpu.memory_space<vmem>>) dst(%dma_wait3A_132 : memref<10240x32xf32, #tpu.memory_space<vmem_shared>>)
    %barrier3A_133 = arith.constant 0 : index
    tpu.barrier barrier_id(%barrier3A_133)
    %eq3A = arith.constant 0 : i32
    %eq3A_134 = arith.cmpi eq, %arg0, %eq3A : i32
    %convert_element_type3A = arith.extui %eq3A_134 : i1 to i32
    %cond3A = arith.constant 0 : i32
    %cond3A_135 = arith.cmpi ne, %convert_element_type3A, %cond3A : i32
    scf.if %cond3A_135 {
      %scan3A_141 = arith.constant 0 : i32
      %scan3A_142 = arith.constant 0 : i32
      %scan3A_143 = arith.constant 5 : i32
      %scan3A_144 = arith.addi %scan3A_142, %scan3A_143 : i32
      %scan3A_145 = arith.constant 1 : i32
      scf.for %scan3A_147 = %scan3A_142 to %scan3A_144 step %scan3A_145  : i32 {
        %mul3A_148 = arith.constant 640 : i32
        %mul3A_149 = arith.muli %arg1, %mul3A_148 : i32
        %mul3A_150 = arith.constant 128 : i32
        %mul3A_151 = arith.muli %scan3A_147, %mul3A_150 : i32
        %add3A_152 = arith.addi %mul3A_149, %mul3A_151 : i32
        "tpu.region"() ({
          %run_scoped3A = tpu.sem_alloc : memref<!tpu.dma_semaphore, #tpu.memory_space<semaphore_mem>>
          %dma_start3A_158 = arith.constant 0 : i32
          %dma_start3A_159 = tpu.memref_slice %arg17[%add3A_152, %dma_start3A_158] : memref<10240x32xf32, #tpu.memory_space<vmem_shared>> -> memref<128x32xf32, #tpu.memory_space<vmem_shared>>
          %dma_start3A_160 = arith.constant 0 : i32
          %dma_start3A_161 = tpu.memref_slice %arg17[%add3A_152, %dma_start3A_160] : memref<10240x32xf32, #tpu.memory_space<vmem_shared>> -> memref<128x32xf32, #tpu.memory_space<vmem_shared>>
          tpu.enqueue_dma source(%dma_start3A_161 : memref<128x32xf32, #tpu.memory_space<vmem_shared>>) target(%arg9 : memref<128x32xf32, #tpu.memory_space<vmem>>) target_semaphore(%run_scoped3A : memref<!tpu.dma_semaphore, #tpu.memory_space<semaphore_mem>>)
          %dma_wait3A_162 = arith.constant 0 : i32
          %dma_wait3A_163 = tpu.memref_slice %arg17[%add3A_152, %dma_wait3A_162] : memref<10240x32xf32, #tpu.memory_space<vmem_shared>> -> memref<128x32xf32, #tpu.memory_space<vmem_shared>>
          %dma_wait3A_164 = arith.constant 0 : i32
          %dma_wait3A_165 = tpu.memref_slice %arg17[%add3A_152, %dma_wait3A_164] : memref<10240x32xf32, #tpu.memory_space<vmem_shared>> -> memref<128x32xf32, #tpu.memory_space<vmem_shared>>
          tpu.wait_dma2 semaphore(%run_scoped3A : memref<!tpu.dma_semaphore, #tpu.memory_space<semaphore_mem>>) src(%dma_wait3A_165 : memref<128x32xf32, #tpu.memory_space<vmem_shared>>) dst(%arg9 : memref<128x32xf32, #tpu.memory_space<vmem>>)
          tpu.yield
        }) : () -> ()
        %mul3A_153 = arith.constant 640 : i32
        %mul3A_154 = arith.muli %arg1, %mul3A_153 : i32
        %mul3A_155 = arith.constant 128 : i32
        %mul3A_156 = arith.muli %scan3A_147, %mul3A_155 : i32
        %add3A_157 = arith.addi %mul3A_154, %mul3A_156 : i32
        "tpu.region"() ({
          %run_scoped3A = tpu.sem_alloc : memref<!tpu.dma_semaphore, #tpu.memory_space<semaphore_mem>>
          %dma_start3A_158 = arith.constant 0 : i32
          %dma_start3A_159 = tpu.memref_slice %arg5[%add3A_157, %dma_start3A_158] : memref<10240x32xf32, #tpu.memory_space<hbm>> -> memref<128x32xf32, #tpu.memory_space<hbm>>
          %dma_start3A_160 = arith.constant 0 : i32
          %dma_start3A_161 = tpu.memref_slice %arg5[%add3A_157, %dma_start3A_160] : memref<10240x32xf32, #tpu.memory_space<hbm>> -> memref<128x32xf32, #tpu.memory_space<hbm>>
          tpu.enqueue_dma source(%arg9 : memref<128x32xf32, #tpu.memory_space<vmem>>) target(%dma_start3A_161 : memref<128x32xf32, #tpu.memory_space<hbm>>) target_semaphore(%run_scoped3A : memref<!tpu.dma_semaphore, #tpu.memory_space<semaphore_mem>>)
          %dma_wait3A_162 = arith.constant 0 : i32
          %dma_wait3A_163 = tpu.memref_slice %arg5[%add3A_157, %dma_wait3A_162] : memref<10240x32xf32, #tpu.memory_space<hbm>> -> memref<128x32xf32, #tpu.memory_space<hbm>>
          %dma_wait3A_164 = arith.constant 0 : i32
          %dma_wait3A_165 = tpu.memref_slice %arg5[%add3A_157, %dma_wait3A_164] : memref<10240x32xf32, #tpu.memory_space<hbm>> -> memref<128x32xf32, #tpu.memory_space<hbm>>
          tpu.wait_dma2 semaphore(%run_scoped3A : memref<!tpu.dma_semaphore, #tpu.memory_space<semaphore_mem>>) src(%arg9 : memref<128x32xf32, #tpu.memory_space<vmem>>) dst(%dma_wait3A_165 : memref<128x32xf32, #tpu.memory_space<hbm>>)
          tpu.yield
        }) : () -> ()
      }
      %scan3A_146 = arith.constant 5 : i32
    } else {
    }
    %eq3A_136 = arith.constant 1 : i32
    %eq3A_137 = arith.cmpi eq, %arg0, %eq3A_136 : i32
    %convert_element_type3A_138 = arith.extui %eq3A_137 : i1 to i32
    %cond3A_139 = arith.constant 0 : i32
    %cond3A_140 = arith.cmpi ne, %convert_element_type3A_138, %cond3A_139 : i32
    scf.if %cond3A_140 {
      %scan3A_141 = arith.constant 0 : i32
      %scan3A_142 = arith.constant 0 : i32
      %scan3A_143 = arith.constant 5 : i32
      %scan3A_144 = arith.addi %scan3A_142, %scan3A_143 : i32
      %scan3A_145 = arith.constant 1 : i32
      scf.for %scan3A_147 = %scan3A_142 to %scan3A_144 step %scan3A_145  : i32 {
        %mul3A_148 = arith.constant 640 : i32
        %mul3A_149 = arith.muli %arg1, %mul3A_148 : i32
        %mul3A_150 = arith.constant 128 : i32
        %mul3A_151 = arith.muli %scan3A_147, %mul3A_150 : i32
        %add3A_152 = arith.addi %mul3A_149, %mul3A_151 : i32
        "tpu.region"() ({
          %run_scoped3A = tpu.sem_alloc : memref<!tpu.dma_semaphore, #tpu.memory_space<semaphore_mem>>
          %dma_start3A_158 = arith.constant 0 : i32
          %dma_start3A_159 = tpu.memref_slice %arg17[%add3A_152, %dma_start3A_158] : memref<10240x32xf32, #tpu.memory_space<vmem_shared>> -> memref<128x32xf32, #tpu.memory_space<vmem_shared>>
          %dma_start3A_160 = arith.constant 0 : i32
          %dma_start3A_161 = tpu.memref_slice %arg17[%add3A_152, %dma_start3A_160] : memref<10240x32xf32, #tpu.memory_space<vmem_shared>> -> memref<128x32xf32, #tpu.memory_space<vmem_shared>>
          tpu.enqueue_dma source(%dma_start3A_161 : memref<128x32xf32, #tpu.memory_space<vmem_shared>>) target(%arg9 : memref<128x32xf32, #tpu.memory_space<vmem>>) target_semaphore(%run_scoped3A : memref<!tpu.dma_semaphore, #tpu.memory_space<semaphore_mem>>)
          %dma_wait3A_162 = arith.constant 0 : i32
          %dma_wait3A_163 = tpu.memref_slice %arg17[%add3A_152, %dma_wait3A_162] : memref<10240x32xf32, #tpu.memory_space<vmem_shared>> -> memref<128x32xf32, #tpu.memory_space<vmem_shared>>
          %dma_wait3A_164 = arith.constant 0 : i32
          %dma_wait3A_165 = tpu.memref_slice %arg17[%add3A_152, %dma_wait3A_164] : memref<10240x32xf32, #tpu.memory_space<vmem_shared>> -> memref<128x32xf32, #tpu.memory_space<vmem_shared>>
          tpu.wait_dma2 semaphore(%run_scoped3A : memref<!tpu.dma_semaphore, #tpu.memory_space<semaphore_mem>>) src(%dma_wait3A_165 : memref<128x32xf32, #tpu.memory_space<vmem_shared>>) dst(%arg9 : memref<128x32xf32, #tpu.memory_space<vmem>>)
          tpu.yield
        }) : () -> ()
        %mul3A_153 = arith.constant 640 : i32
        %mul3A_154 = arith.muli %arg1, %mul3A_153 : i32
        %mul3A_155 = arith.constant 128 : i32
        %mul3A_156 = arith.muli %scan3A_147, %mul3A_155 : i32
        %add3A_157 = arith.addi %mul3A_154, %mul3A_156 : i32
        "tpu.region"() ({
          %run_scoped3A = tpu.sem_alloc : memref<!tpu.dma_semaphore, #tpu.memory_space<semaphore_mem>>
          %dma_start3A_158 = arith.constant 0 : i32
          %dma_start3A_159 = tpu.memref_slice %arg6[%add3A_157, %dma_start3A_158] : memref<10240x32xf32, #tpu.memory_space<hbm>> -> memref<128x32xf32, #tpu.memory_space<hbm>>
          %dma_start3A_160 = arith.constant 0 : i32
          %dma_start3A_161 = tpu.memref_slice %arg6[%add3A_157, %dma_start3A_160] : memref<10240x32xf32, #tpu.memory_space<hbm>> -> memref<128x32xf32, #tpu.memory_space<hbm>>
          tpu.enqueue_dma source(%arg9 : memref<128x32xf32, #tpu.memory_space<vmem>>) target(%dma_start3A_161 : memref<128x32xf32, #tpu.memory_space<hbm>>) target_semaphore(%run_scoped3A : memref<!tpu.dma_semaphore, #tpu.memory_space<semaphore_mem>>)
          %dma_wait3A_162 = arith.constant 0 : i32
          %dma_wait3A_163 = tpu.memref_slice %arg6[%add3A_157, %dma_wait3A_162] : memref<10240x32xf32, #tpu.memory_space<hbm>> -> memref<128x32xf32, #tpu.memory_space<hbm>>
          %dma_wait3A_164 = arith.constant 0 : i32
          %dma_wait3A_165 = tpu.memref_slice %arg6[%add3A_157, %dma_wait3A_164] : memref<10240x32xf32, #tpu.memory_space<hbm>> -> memref<128x32xf32, #tpu.memory_space<hbm>>
          tpu.wait_dma2 semaphore(%run_scoped3A : memref<!tpu.dma_semaphore, #tpu.memory_space<semaphore_mem>>) src(%arg9 : memref<128x32xf32, #tpu.memory_space<vmem>>) dst(%dma_wait3A_165 : memref<128x32xf32, #tpu.memory_space<hbm>>)
          tpu.yield
        }) : () -> ()
      }
      %scan3A_146 = arith.constant 5 : i32
    } else {
    }
    return
  }
}

module attributes {stable_mosaic.version = 14 : i64} {
  func.func @body(%arg0: i32, %arg1: memref<2048x128xf32, #tpu.memory_space<vmem>>, %arg2: memref<128x32xf32, #tpu.memory_space<vmem>>, %arg3: memref<1x32xf32, #tpu.memory_space<vmem>>, %arg4: memref<32x32xf32, #tpu.memory_space<vmem>>, %arg5: memref<1x32xf32, #tpu.memory_space<vmem>>, %arg6: memref<2048x32xf32, #tpu.memory_space<vmem>>) attributes {dimension_semantics = [#tpu.dimension_semantics<arbitrary>], iteration_bounds = array<i64: 5>, scalar_prefetch = 0 : i64, scratch_operands = 0 : i64, tpu.core_type = #tpu.core_type<tc>, window_params = [{transform_indices = @transform_0, window_bounds = array<i64: 2048, 128>}, {pipeline_mode = #tpu.pipeline_mode<synchronous>, transform_indices = @transform_1, window_bounds = array<i64: 128, 32>}, {pipeline_mode = #tpu.pipeline_mode<synchronous>, transform_indices = @transform_2, window_bounds = array<i64: 1, 32>}, {pipeline_mode = #tpu.pipeline_mode<synchronous>, transform_indices = @transform_3, window_bounds = array<i64: 32, 32>}, {pipeline_mode = #tpu.pipeline_mode<synchronous>, transform_indices = @transform_4, window_bounds = array<i64: 1, 32>}, {transform_indices = @transform_5, window_bounds = array<i64: 2048, 32>}]} {
    %get3A = arith.constant 0 : index
    %get3A_0 = arith.constant 0 : index
    %get3A_1 = vector.load %arg1[%get3A, %get3A_0] : memref<2048x128xf32, #tpu.memory_space<vmem>>, vector<2048x128xf32>
    %get3A_2 = arith.constant 0 : index
    %get3A_3 = arith.constant 0 : index
    %get3A_4 = vector.load %arg2[%get3A_2, %get3A_3] : memref<128x32xf32, #tpu.memory_space<vmem>>, vector<128x32xf32>
    %dot_general3A = arith.constant dense<0.000000e+00> : vector<2048x32xf32>
    %dot_general3A_5 = tpu.matmul %get3A_1, %get3A_4, %dot_general3A {dimension_numbers = #tpu.dot_dimension_numbers<[1], [0], [0], [1], [0, 0, 1, 1], [], []>, transpose_lhs_hint = false} : vector<2048x128xf32>, vector<128x32xf32>, vector<2048x32xf32> -> vector<2048x32xf32>
    %get3A_6 = arith.constant 0 : index
    %get3A_7 = arith.constant 0 : index
    %get3A_8 = vector.load %arg3[%get3A_6, %get3A_7] : memref<1x32xf32, #tpu.memory_space<vmem>>, vector<1x32xf32>
    %add3A = vector.broadcast %get3A_8 : vector<1x32xf32> to vector<2048x32xf32>
    %add3A_9 = arith.addf %dot_general3A_5, %add3A : vector<2048x32xf32>
    %max3A = arith.constant 0.000000e+00 : f32
    %max3A_10 = vector.broadcast %max3A : f32 to vector<2048x32xf32>
    %max3A_11 = arith.maximumf %add3A_9, %max3A_10 : vector<2048x32xf32>
    %get3A_12 = arith.constant 0 : index
    %get3A_13 = arith.constant 0 : index
    %get3A_14 = vector.load %arg4[%get3A_12, %get3A_13] : memref<32x32xf32, #tpu.memory_space<vmem>>, vector<32x32xf32>
    %dot_general3A_15 = arith.constant dense<0.000000e+00> : vector<2048x32xf32>
    %dot_general3A_16 = tpu.matmul %max3A_11, %get3A_14, %dot_general3A_15 {dimension_numbers = #tpu.dot_dimension_numbers<[1], [0], [0], [1], [0, 0, 1, 1], [], []>, transpose_lhs_hint = false} : vector<2048x32xf32>, vector<32x32xf32>, vector<2048x32xf32> -> vector<2048x32xf32>
    %get3A_17 = arith.constant 0 : index
    %get3A_18 = arith.constant 0 : index
    %get3A_19 = vector.load %arg5[%get3A_17, %get3A_18] : memref<1x32xf32, #tpu.memory_space<vmem>>, vector<1x32xf32>
    %add3A_20 = vector.broadcast %get3A_19 : vector<1x32xf32> to vector<2048x32xf32>
    %add3A_21 = arith.addf %dot_general3A_16, %add3A_20 : vector<2048x32xf32>
    %max3A_22 = arith.constant 0.000000e+00 : f32
    %max3A_23 = vector.broadcast %max3A_22 : f32 to vector<2048x32xf32>
    %max3A_24 = arith.maximumf %add3A_21, %max3A_23 : vector<2048x32xf32>
    %swap3A = arith.constant 0 : index
    %swap3A_25 = arith.constant 0 : index
    %swap3A_26 = vector.load %arg6[%swap3A, %swap3A_25] : memref<2048x32xf32, #tpu.memory_space<vmem>>, vector<2048x32xf32>
    tpu.vector_store %arg6[%swap3A, %swap3A_25], %max3A_24 {strides = array<i32>} : memref<2048x32xf32, #tpu.memory_space<vmem>>, vector<2048x32xf32>,
    return
  }
  func.func @transform_0(%arg0: i32) -> (i32, i32) {
    %c0_i32 = arith.constant 0 : i32
    %c0_i32_0 = arith.constant 0 : i32
    return %arg0, %c0_i32 : i32, i32
  }
  func.func @transform_1(%arg0: i32) -> (i32, i32) {
    %c0_i32 = arith.constant 0 : i32
    %c0_i32_0 = arith.constant 0 : i32
    %c0_i32_1 = arith.constant 0 : i32
    return %c0_i32, %c0_i32_0 : i32, i32
  }
  func.func @transform_2(%arg0: i32) -> (i32, i32) {
    %c0_i32 = arith.constant 0 : i32
    %c0_i32_0 = arith.constant 0 : i32
    %c0_i32_1 = arith.constant 0 : i32
    return %c0_i32, %c0_i32_0 : i32, i32
  }
  func.func @transform_3(%arg0: i32) -> (i32, i32) {
    %c0_i32 = arith.constant 0 : i32
    %c0_i32_0 = arith.constant 0 : i32
    %c0_i32_1 = arith.constant 0 : i32
    return %c0_i32, %c0_i32_0 : i32, i32
  }
  func.func @transform_4(%arg0: i32) -> (i32, i32) {
    %c0_i32 = arith.constant 0 : i32
    %c0_i32_0 = arith.constant 0 : i32
    %c0_i32_1 = arith.constant 0 : i32
    return %c0_i32, %c0_i32_0 : i32, i32
  }
  func.func @transform_5(%arg0: i32) -> (i32, i32) {
    %c0_i32 = arith.constant 0 : i32
    %c0_i32_0 = arith.constant 0 : i32
    return %arg0, %c0_i32 : i32, i32
  }
}

module attributes {stable_mosaic.version = 14 : i64} {
  func.func @body(%arg0: i32, %arg1: memref<2048x32xf32, #tpu.memory_space<vmem>>, %arg2: memref<2048x1xf32, #tpu.memory_space<vmem>>, %arg3: memref<2048x1xf32, #tpu.memory_space<vmem>>, %arg4: memref<2048x32xf32, #tpu.memory_space<vmem>>, %arg5: memref<2048x1xf32, #tpu.memory_space<vmem>>) attributes {dimension_semantics = [#tpu.dimension_semantics<arbitrary>], iteration_bounds = array<i64: 5>, scalar_prefetch = 0 : i64, scratch_operands = 0 : i64, tpu.core_type = #tpu.core_type<tc>, window_params = [{transform_indices = @transform_0, window_bounds = array<i64: 2048, 32>}, {transform_indices = @transform_1, window_bounds = array<i64: 2048, 1>}, {transform_indices = @transform_2, window_bounds = array<i64: 2048, 1>}, {transform_indices = @transform_3, window_bounds = array<i64: 2048, 32>}, {transform_indices = @transform_4, window_bounds = array<i64: 2048, 1>}]} {
    %get3A = arith.constant 0 : index
    %get3A_0 = arith.constant 0 : index
    %get3A_1 = vector.load %arg2[%get3A, %get3A_0] : memref<2048x1xf32, #tpu.memory_space<vmem>>, vector<2048x1xf32>
    %get3A_2 = arith.constant 0 : index
    %get3A_3 = arith.constant 0 : index
    %get3A_4 = vector.load %arg3[%get3A_2, %get3A_3] : memref<2048x1xf32, #tpu.memory_space<vmem>>, vector<2048x1xf32>
    %add3A = arith.addf %get3A_1, %get3A_4 : vector<2048x1xf32>
    %max3A = arith.constant 1.000000e+00 : f32
    %max3A_5 = vector.broadcast %max3A : f32 to vector<2048x1xf32>
    %max3A_6 = arith.maximumf %add3A, %max3A_5 : vector<2048x1xf32>
    %pow3A = arith.constant -5.000000e-01 : f32
    %pow3A_7 = vector.broadcast %pow3A : f32 to vector<2048x1xf32>
    %pow3A_8 = math.powf %max3A_6, %pow3A_7 : vector<2048x1xf32>
    %swap3A = arith.constant 0 : index
    %swap3A_9 = arith.constant 0 : index
    %swap3A_10 = vector.load %arg5[%swap3A, %swap3A_9] : memref<2048x1xf32, #tpu.memory_space<vmem>>, vector<2048x1xf32>
    tpu.vector_store %arg5[%swap3A, %swap3A_9], %pow3A_8 {strides = array<i32>} : memref<2048x1xf32, #tpu.memory_space<vmem>>, vector<2048x1xf32>,
    %get3A_11 = arith.constant 0 : index
    %get3A_12 = arith.constant 0 : index
    %get3A_13 = vector.load %arg1[%get3A_11, %get3A_12] : memref<2048x32xf32, #tpu.memory_space<vmem>>, vector<2048x32xf32>
    %mul3A = vector.broadcast %pow3A_8 : vector<2048x1xf32> to vector<2048x32xf32>
    %mul3A_14 = arith.mulf %get3A_13, %mul3A : vector<2048x32xf32>
    %swap3A_15 = arith.constant 0 : index
    %swap3A_16 = arith.constant 0 : index
    %swap3A_17 = vector.load %arg4[%swap3A_15, %swap3A_16] : memref<2048x32xf32, #tpu.memory_space<vmem>>, vector<2048x32xf32>
    tpu.vector_store %arg4[%swap3A_15, %swap3A_16], %mul3A_14 {strides = array<i32>} : memref<2048x32xf32, #tpu.memory_space<vmem>>, vector<2048x32xf32>,
    return
  }
  func.func @transform_0(%arg0: i32) -> (i32, i32) {
    %c0_i32 = arith.constant 0 : i32
    %c0_i32_0 = arith.constant 0 : i32
    return %arg0, %c0_i32 : i32, i32
  }
  func.func @transform_1(%arg0: i32) -> (i32, i32) {
    %c0_i32 = arith.constant 0 : i32
    %c0_i32_0 = arith.constant 0 : i32
    return %arg0, %c0_i32 : i32, i32
  }
  func.func @transform_2(%arg0: i32) -> (i32, i32) {
    %c0_i32 = arith.constant 0 : i32
    %c0_i32_0 = arith.constant 0 : i32
    return %arg0, %c0_i32 : i32, i32
  }
  func.func @transform_3(%arg0: i32) -> (i32, i32) {
    %c0_i32 = arith.constant 0 : i32
    %c0_i32_0 = arith.constant 0 : i32
    return %arg0, %c0_i32 : i32, i32
  }
  func.func @transform_4(%arg0: i32) -> (i32, i32) {
    %c0_i32 = arith.constant 0 : i32
    %c0_i32_0 = arith.constant 0 : i32
    return %arg0, %c0_i32 : i32, i32
  }
}

module attributes {stable_mosaic.version = 14 : i64} {
  func.func @body(%arg0: i32, %arg1: memref<2048x32xf32, #tpu.memory_space<vmem>>, %arg2: memref<2048x32xf32, #tpu.memory_space<vmem>>, %arg3: memref<2048x32xf32, #tpu.memory_space<vmem>>, %arg4: memref<2048x1xf32, #tpu.memory_space<vmem>>, %arg5: memref<2048x32xf32, #tpu.memory_space<vmem>>, %arg6: memref<2048x32xf32, #tpu.memory_space<vmem>>) attributes {dimension_semantics = [#tpu.dimension_semantics<arbitrary>], iteration_bounds = array<i64: 5>, scalar_prefetch = 0 : i64, scratch_operands = 0 : i64, tpu.core_type = #tpu.core_type<tc>, window_params = [{transform_indices = @transform_0, window_bounds = array<i64: 2048, 32>}, {transform_indices = @transform_1, window_bounds = array<i64: 2048, 32>}, {transform_indices = @transform_2, window_bounds = array<i64: 2048, 32>}, {transform_indices = @transform_3, window_bounds = array<i64: 2048, 1>}, {transform_indices = @transform_4, window_bounds = array<i64: 2048, 32>}, {transform_indices = @transform_5, window_bounds = array<i64: 2048, 32>}]} {
    %get3A = arith.constant 0 : index
    %get3A_0 = arith.constant 0 : index
    %get3A_1 = vector.load %arg4[%get3A, %get3A_0] : memref<2048x1xf32, #tpu.memory_space<vmem>>, vector<2048x1xf32>
    %get3A_2 = arith.constant 0 : index
    %get3A_3 = arith.constant 0 : index
    %get3A_4 = vector.load %arg1[%get3A_2, %get3A_3] : memref<2048x32xf32, #tpu.memory_space<vmem>>, vector<2048x32xf32>
    %get3A_5 = arith.constant 0 : index
    %get3A_6 = arith.constant 0 : index
    %get3A_7 = vector.load %arg2[%get3A_5, %get3A_6] : memref<2048x32xf32, #tpu.memory_space<vmem>>, vector<2048x32xf32>
    %get3A_8 = arith.constant 0 : index
    %get3A_9 = arith.constant 0 : index
    %get3A_10 = vector.load %arg3[%get3A_8, %get3A_9] : memref<2048x32xf32, #tpu.memory_space<vmem>>, vector<2048x32xf32>
    %add3A = arith.addf %get3A_7, %get3A_10 : vector<2048x32xf32>
    %mul3A = vector.broadcast %get3A_1 : vector<2048x1xf32> to vector<2048x32xf32>
    %mul3A_11 = arith.mulf %mul3A, %add3A : vector<2048x32xf32>
    %sub3A = arith.subf %get3A_4, %mul3A_11 : vector<2048x32xf32>
    %swap3A = arith.constant 0 : index
    %swap3A_12 = arith.constant 0 : index
    %swap3A_13 = vector.load %arg5[%swap3A, %swap3A_12] : memref<2048x32xf32, #tpu.memory_space<vmem>>, vector<2048x32xf32>
    tpu.vector_store %arg5[%swap3A, %swap3A_12], %sub3A {strides = array<i32>} : memref<2048x32xf32, #tpu.memory_space<vmem>>, vector<2048x32xf32>,
    %mul3A_14 = vector.broadcast %get3A_1 : vector<2048x1xf32> to vector<2048x32xf32>
    %mul3A_15 = arith.mulf %sub3A, %mul3A_14 : vector<2048x32xf32>
    %swap3A_16 = arith.constant 0 : index
    %swap3A_17 = arith.constant 0 : index
    %swap3A_18 = vector.load %arg6[%swap3A_16, %swap3A_17] : memref<2048x32xf32, #tpu.memory_space<vmem>>, vector<2048x32xf32>
    tpu.vector_store %arg6[%swap3A_16, %swap3A_17], %mul3A_15 {strides = array<i32>} : memref<2048x32xf32, #tpu.memory_space<vmem>>, vector<2048x32xf32>,
    return
  }
  func.func @transform_0(%arg0: i32) -> (i32, i32) {
    %c0_i32 = arith.constant 0 : i32
    %c0_i32_0 = arith.constant 0 : i32
    return %arg0, %c0_i32 : i32, i32
  }
  func.func @transform_1(%arg0: i32) -> (i32, i32) {
    %c0_i32 = arith.constant 0 : i32
    %c0_i32_0 = arith.constant 0 : i32
    return %arg0, %c0_i32 : i32, i32
  }
  func.func @transform_2(%arg0: i32) -> (i32, i32) {
    %c0_i32 = arith.constant 0 : i32
    %c0_i32_0 = arith.constant 0 : i32
    return %arg0, %c0_i32 : i32, i32
  }
  func.func @transform_3(%arg0: i32) -> (i32, i32) {
    %c0_i32 = arith.constant 0 : i32
    %c0_i32_0 = arith.constant 0 : i32
    return %arg0, %c0_i32 : i32, i32
  }
  func.func @transform_4(%arg0: i32) -> (i32, i32) {
    %c0_i32 = arith.constant 0 : i32
    %c0_i32_0 = arith.constant 0 : i32
    return %arg0, %c0_i32 : i32, i32
  }
  func.func @transform_5(%arg0: i32) -> (i32, i32) {
    %c0_i32 = arith.constant 0 : i32
    %c0_i32_0 = arith.constant 0 : i32
    return %arg0, %c0_i32 : i32, i32
  }
}

module attributes {stable_mosaic.version = 14 : i64} {
  func.func @body(%arg0: i32, %arg1: memref<2048x32xf32, #tpu.memory_space<vmem>>, %arg2: memref<2048x32xf32, #tpu.memory_space<vmem>>, %arg3: memref<2048x32xf32, #tpu.memory_space<vmem>>, %arg4: memref<2048x32xf32, #tpu.memory_space<vmem>>, %arg5: memref<2048x1xf32, #tpu.memory_space<vmem>>, %arg6: memref<96x32xf32, #tpu.memory_space<vmem>>, %arg7: memref<1x32xf32, #tpu.memory_space<vmem>>, %arg8: memref<32x2xf32, #tpu.memory_space<vmem>>, %arg9: memref<1x2xf32, #tpu.memory_space<vmem>>, %arg10: memref<2048x2xf32, #tpu.memory_space<vmem>>) attributes {dimension_semantics = [#tpu.dimension_semantics<arbitrary>], iteration_bounds = array<i64: 5>, scalar_prefetch = 0 : i64, scratch_operands = 0 : i64, tpu.core_type = #tpu.core_type<tc>, window_params = [{transform_indices = @transform_0, window_bounds = array<i64: 2048, 32>}, {transform_indices = @transform_1, window_bounds = array<i64: 2048, 32>}, {transform_indices = @transform_2, window_bounds = array<i64: 2048, 32>}, {transform_indices = @transform_3, window_bounds = array<i64: 2048, 32>}, {transform_indices = @transform_4, window_bounds = array<i64: 2048, 1>}, {pipeline_mode = #tpu.pipeline_mode<synchronous>, transform_indices = @transform_5, window_bounds = array<i64: 96, 32>}, {pipeline_mode = #tpu.pipeline_mode<synchronous>, transform_indices = @transform_6, window_bounds = array<i64: 1, 32>}, {pipeline_mode = #tpu.pipeline_mode<synchronous>, transform_indices = @transform_7, window_bounds = array<i64: 32, 2>}, {pipeline_mode = #tpu.pipeline_mode<synchronous>, transform_indices = @transform_8, window_bounds = array<i64: 1, 2>}, {transform_indices = @transform_9, window_bounds = array<i64: 2048, 2>}]} {
    %get3A = arith.constant 0 : index
    %get3A_0 = arith.constant 0 : index
    %get3A_1 = vector.load %arg1[%get3A, %get3A_0] : memref<2048x32xf32, #tpu.memory_space<vmem>>, vector<2048x32xf32>
    %get3A_2 = arith.constant 0 : index
    %get3A_3 = arith.constant 0 : index
    %get3A_4 = vector.load %arg2[%get3A_2, %get3A_3] : memref<2048x32xf32, #tpu.memory_space<vmem>>, vector<2048x32xf32>
    %get3A_5 = arith.constant 0 : index
    %get3A_6 = arith.constant 0 : index
    %get3A_7 = vector.load %arg5[%get3A_5, %get3A_6] : memref<2048x1xf32, #tpu.memory_space<vmem>>, vector<2048x1xf32>
    %get3A_8 = arith.constant 0 : index
    %get3A_9 = arith.constant 0 : index
    %get3A_10 = vector.load %arg3[%get3A_8, %get3A_9] : memref<2048x32xf32, #tpu.memory_space<vmem>>, vector<2048x32xf32>
    %get3A_11 = arith.constant 0 : index
    %get3A_12 = arith.constant 0 : index
    %get3A_13 = vector.load %arg4[%get3A_11, %get3A_12] : memref<2048x32xf32, #tpu.memory_space<vmem>>, vector<2048x32xf32>
    %add3A = arith.addf %get3A_10, %get3A_13 : vector<2048x32xf32>
    %mul3A = vector.broadcast %get3A_7 : vector<2048x1xf32> to vector<2048x32xf32>
    %mul3A_14 = arith.mulf %mul3A, %add3A : vector<2048x32xf32>
    %sub3A = arith.subf %get3A_4, %mul3A_14 : vector<2048x32xf32>
    %mul3A_15 = arith.constant 3.000000e+00 : f32
    %mul3A_16 = vector.broadcast %mul3A_15 : f32 to vector<2048x32xf32>
    %mul3A_17 = arith.mulf %mul3A_16, %get3A_1 : vector<2048x32xf32>
    %mul3A_18 = arith.constant -3.000000e+00 : f32
    %mul3A_19 = vector.broadcast %mul3A_18 : f32 to vector<2048x32xf32>
    %mul3A_20 = arith.mulf %mul3A_19, %get3A_4 : vector<2048x32xf32>
    %add3A_21 = arith.addf %mul3A_17, %mul3A_20 : vector<2048x32xf32>
    %mul3A_22 = arith.constant 7.500000e-01 : f32
    %mul3A_23 = vector.broadcast %mul3A_22 : f32 to vector<2048x32xf32>
    %mul3A_24 = arith.mulf %mul3A_23, %sub3A : vector<2048x32xf32>
    %add3A_25 = arith.addf %add3A_21, %mul3A_24 : vector<2048x32xf32>
    %mul3A_26 = arith.constant 0.000000e+00 : f32
    %mul3A_27 = vector.broadcast %mul3A_26 : f32 to vector<2048x32xf32>
    %mul3A_28 = arith.mulf %mul3A_27, %get3A_1 : vector<2048x32xf32>
    %mul3A_29 = arith.constant 3.000000e+00 : f32
    %mul3A_30 = vector.broadcast %mul3A_29 : f32 to vector<2048x32xf32>
    %mul3A_31 = arith.mulf %mul3A_30, %get3A_4 : vector<2048x32xf32>
    %add3A_32 = arith.addf %mul3A_28, %mul3A_31 : vector<2048x32xf32>
    %mul3A_33 = arith.constant -1.500000e+00 : f32
    %mul3A_34 = vector.broadcast %mul3A_33 : f32 to vector<2048x32xf32>
    %mul3A_35 = arith.mulf %mul3A_34, %sub3A : vector<2048x32xf32>
    %add3A_36 = arith.addf %add3A_32, %mul3A_35 : vector<2048x32xf32>
    %mul3A_37 = arith.constant 0.000000e+00 : f32
    %mul3A_38 = vector.broadcast %mul3A_37 : f32 to vector<2048x32xf32>
    %mul3A_39 = arith.mulf %mul3A_38, %get3A_1 : vector<2048x32xf32>
    %mul3A_40 = arith.constant 0.000000e+00 : f32
    %mul3A_41 = vector.broadcast %mul3A_40 : f32 to vector<2048x32xf32>
    %mul3A_42 = arith.mulf %mul3A_41, %get3A_4 : vector<2048x32xf32>
    %add3A_43 = arith.addf %mul3A_39, %mul3A_42 : vector<2048x32xf32>
    %mul3A_44 = arith.constant 7.500000e-01 : f32
    %mul3A_45 = vector.broadcast %mul3A_44 : f32 to vector<2048x32xf32>
    %mul3A_46 = arith.mulf %mul3A_45, %sub3A : vector<2048x32xf32>
    %add3A_47 = arith.addf %add3A_43, %mul3A_46 : vector<2048x32xf32>
    %concatenate3A = tpu.concatenate %add3A_25, %add3A_36, %add3A_47 in 1 : vector<2048x32xf32>, vector<2048x32xf32>, vector<2048x32xf32> -> vector<2048x96xf32>
    %get3A_48 = arith.constant 0 : index
    %get3A_49 = arith.constant 0 : index
    %get3A_50 = vector.load %arg6[%get3A_48, %get3A_49] : memref<96x32xf32, #tpu.memory_space<vmem>>, vector<96x32xf32>
    %dot_general3A = arith.constant dense<0.000000e+00> : vector<2048x32xf32>
    %dot_general3A_51 = tpu.matmul %concatenate3A, %get3A_50, %dot_general3A {dimension_numbers = #tpu.dot_dimension_numbers<[1], [0], [0], [1], [0, 0, 1, 1], [], []>, transpose_lhs_hint = false} : vector<2048x96xf32>, vector<96x32xf32>, vector<2048x32xf32> -> vector<2048x32xf32>
    %get3A_52 = arith.constant 0 : index
    %get3A_53 = arith.constant 0 : index
    %get3A_54 = vector.load %arg7[%get3A_52, %get3A_53] : memref<1x32xf32, #tpu.memory_space<vmem>>, vector<1x32xf32>
    %add3A_55 = vector.broadcast %get3A_54 : vector<1x32xf32> to vector<2048x32xf32>
    %add3A_56 = arith.addf %dot_general3A_51, %add3A_55 : vector<2048x32xf32>
    %max3A = arith.constant 0.000000e+00 : f32
    %max3A_57 = vector.broadcast %max3A : f32 to vector<2048x32xf32>
    %max3A_58 = arith.maximumf %add3A_56, %max3A_57 : vector<2048x32xf32>
    %get3A_59 = arith.constant 0 : index
    %get3A_60 = arith.constant 0 : index
    %get3A_61 = vector.load %arg8[%get3A_59, %get3A_60] : memref<32x2xf32, #tpu.memory_space<vmem>>, vector<32x2xf32>
    %dot_general3A_62 = arith.constant dense<0.000000e+00> : vector<2048x2xf32>
    %dot_general3A_63 = tpu.matmul %max3A_58, %get3A_61, %dot_general3A_62 {dimension_numbers = #tpu.dot_dimension_numbers<[1], [0], [0], [1], [0, 0, 1, 1], [], []>, transpose_lhs_hint = false} : vector<2048x32xf32>, vector<32x2xf32>, vector<2048x2xf32> -> vector<2048x2xf32>
    %get3A_64 = arith.constant 0 : index
    %get3A_65 = arith.constant 0 : index
    %get3A_66 = vector.load %arg9[%get3A_64, %get3A_65] : memref<1x2xf32, #tpu.memory_space<vmem>>, vector<1x2xf32>
    %add3A_67 = vector.broadcast %get3A_66 : vector<1x2xf32> to vector<2048x2xf32>
    %add3A_68 = arith.addf %dot_general3A_63, %add3A_67 : vector<2048x2xf32>
    %swap3A = arith.constant 0 : index
    %swap3A_69 = arith.constant 0 : index
    %swap3A_70 = vector.load %arg10[%swap3A, %swap3A_69] : memref<2048x2xf32, #tpu.memory_space<vmem>>, vector<2048x2xf32>
    tpu.vector_store %arg10[%swap3A, %swap3A_69], %add3A_68 {strides = array<i32>} : memref<2048x2xf32, #tpu.memory_space<vmem>>, vector<2048x2xf32>,
    return
  }
  func.func @transform_0(%arg0: i32) -> (i32, i32) {
    %c0_i32 = arith.constant 0 : i32
    %c0_i32_0 = arith.constant 0 : i32
    return %arg0, %c0_i32 : i32, i32
  }
  func.func @transform_1(%arg0: i32) -> (i32, i32) {
    %c0_i32 = arith.constant 0 : i32
    %c0_i32_0 = arith.constant 0 : i32
    return %arg0, %c0_i32 : i32, i32
  }
  func.func @transform_2(%arg0: i32) -> (i32, i32) {
    %c0_i32 = arith.constant 0 : i32
    %c0_i32_0 = arith.constant 0 : i32
    return %arg0, %c0_i32 : i32, i32
  }
  func.func @transform_3(%arg0: i32) -> (i32, i32) {
    %c0_i32 = arith.constant 0 : i32
    %c0_i32_0 = arith.constant 0 : i32
    return %arg0, %c0_i32 : i32, i32
  }
  func.func @transform_4(%arg0: i32) -> (i32, i32) {
    %c0_i32 = arith.constant 0 : i32
    %c0_i32_0 = arith.constant 0 : i32
    return %arg0, %c0_i32 : i32, i32
  }
  func.func @transform_5(%arg0: i32) -> (i32, i32) {
    %c0_i32 = arith.constant 0 : i32
    %c0_i32_0 = arith.constant 0 : i32
    %c0_i32_1 = arith.constant 0 : i32
    return %c0_i32, %c0_i32_0 : i32, i32
  }
  func.func @transform_6(%arg0: i32) -> (i32, i32) {
    %c0_i32 = arith.constant 0 : i32
    %c0_i32_0 = arith.constant 0 : i32
    %c0_i32_1 = arith.constant 0 : i32
    return %c0_i32, %c0_i32_0 : i32, i32
  }
  func.func @transform_7(%arg0: i32) -> (i32, i32) {
    %c0_i32 = arith.constant 0 : i32
    %c0_i32_0 = arith.constant 0 : i32
    %c0_i32_1 = arith.constant 0 : i32
    return %c0_i32, %c0_i32_0 : i32, i32
  }
  func.func @transform_8(%arg0: i32) -> (i32, i32) {
    %c0_i32 = arith.constant 0 : i32
    %c0_i32_0 = arith.constant 0 : i32
    %c0_i32_1 = arith.constant 0 : i32
    return %c0_i32, %c0_i32_0 : i32, i32
  }
  func.func @transform_9(%arg0: i32) -> (i32, i32) {
    %c0_i32 = arith.constant 0 : i32
    %c0_i32_0 = arith.constant 0 : i32
    return %arg0, %c0_i32 : i32, i32
  }
}

</mosaic_0001>

<sc_bundles>
// kernel: kernel.12.cloned.1.call-start
scs
__scs_entry_jumppad:
0x0: {  	(pc) =	sbr.rel $0x88, $3  }
0x1: {  	(tag) =	ssettag $0x0;
	lr =	simm.s32 $0x1  }
0x2: {  	[smem:$0x3F97] =	sst lr;
	_ =	strace $0xD0000000  }
0x3: {  	_ = 	snop  }
0x4: {  	_ = 	snop  }
0x5: {  	_ = 	snop  }
0x6: {  	_ = 	snop  }
0x7: {  	_ = 	snop  }
__scs_overlays_trampoline_lowered:
0x8: {  	[smem:$0x3FA6] =	sst s0  }
0x9: {  	[smem:$0x3FA7] =	sst s1  }
0xa: {  	[smem:$0x3FA8] =	sst s2  }
0xb: {  	[smem:$0x3FA9] =	sst s3  }
0xc: {  	[smem:$0x3FAA] =	sst s4  }
0xd: {  	[smem:$0x3FAB] =	sst s5  }
0xe: {  	[smem:$0x3FAC] =	sst s6  }
0xf: {  	[smem:$0x3FAD] =	sst s7  }
0x10: {  	[smem:$0x3FAE] =	sst s8  }
0x11: {  	[smem:$0x3FAF] =	sst s9;
	s0 =	simm.s32 @!p0 $0x0  }
0x12: {  	s1 =	sld [smem:$0x3F95];
	s0 =	simm.s32 @p0 $0x1  }
0x13: {  	[smem:$0x3FB0] =	sst s0;
	s0 =	simm.s32 @!p1 $0x0  }
0x14: {  	s2 =	sld [smem:$0x3F94];
	s0 =	simm.s32 @p1 $0x1  }
0x15: {  	[smem:$0x3FB1] =	sst s0;
	s0 =	simm.s32 @!p2 $0x0  }
0x16: {  	s3 =	sld [smem:$0x3FDB];
	s0 =	simm.s32 @p2 $0x1  }
0x17: {  	s4 =	simm.s32 $0x1BF5;
	[smem:$0x3FB3] =	sst s0  }
0x18: {  	s0 =	sld [smem:$0x3F96];
	_ =	swait.ge [sflag:s4], $0x0  }
0x19: {  	s7 =	sld [smem:$0x3F97]  }
0x1a: {  	s8 =	sadd.s32 $0xFFFFE003, lr  }
0x1b: {  	s9 =	sadd.s32 $0xFFFFFEF7, lr;
	s5 =	simm.s32 $0xFFFFFFFF;
	p2 =	slt.u32 s8, $0xFFFFF086  }
0x1c: {  	p1 =	slt.u32 s9, $0xF7A;
	s5 =	simm.s32 @!p2 $0x0  }
0x1d: {  	s5 =	simm.s32 @p1 $0x1;
	p0 =	seq.s32 s7, s2  }
0x1e: {  	s7 =	smul.u32 @!p0 $0xF7A, s2;
	p2 =	seq.s32 @!p0 s5, $0x0  }
0x1f: {  	s9 =	smul.u32 $0xF7A, s1;
	s8 =	simm.s32 @!p0 $0x1BF5;
	p2 =	por !p2, p0  }
0x20: {  	[sflag:s8] =	ssyncset.s32 @!p0 $0xFFFFF086;
	s6 =	sadd.s32 @!p0 s3, s7;
	s7 =	simm.s32 @!p0 $0x108  }
0x21: {  	s3 =	sadd.s32 s3, s9;
	s6 =	sadd.s32 @!p0 $0x88, s6;
	s7 =	simm.s32 @p2 $0x1082  }
0x22: {  	[simem:s7], [sflag:s8] =	dma.local @!p0 [hbm:s6], $0xF7A  }
0x23: {  	s9 =	sor.u32 $0xD0000000, s2;
	s6 =	simm.s32 $0x108;
	_ =	swait.ge @!p0 [sflag:s8], $0x0  }
0x24: {  	s3 =	sadd.s32 $0x88, s3;
	s6 =	simm.s32 @!p1 $0x1082;
	[sflag:s4] =	ssyncset.s32 $0xFFFFF086  }
0x25: {  	[simem:s6], [sflag:s4] =	dma.local [hbm:s3], $0xF7A  }
0x26: {  	[smem:$0x3F97] =	sst s1;
	(tag) =	ssettag s2;
	_ =	strace s9  }
0x27: {  	s1 =	sld [smem:$0x3FA7]  }
0x28: {  	s2 =	sld [smem:$0x3FA8]  }
0x29: {  	s4 =	sld [smem:$0x3FAA]  }
0x2a: {  	p0 =	seq.s32 s5, $0x0;
	s5 =	sld [smem:$0x3FAB]  }
0x2b: {  	s6 =	sld [smem:$0x3FAC]  }
0x2c: {  	s7 =	sld [smem:$0x3FAD]  }
0x2d: {  	s3 =	simm.s32 $0x108;
	s8 =	sld [smem:$0x3FAE]  }
0x2e: {  	s3 =	simm.s32 @!p0 $0x1082;
	s9 =	sld [smem:$0x3FAF]  }
0x2f: {  	lr =	sadd.s32 s0, s3;
	s0 =	sld [smem:$0x3FA6]  }
0x30: {  	s3 =	sld [smem:$0x3FA9]  }
0x31: {  	[smem:$0x3FB2] =	sst s10  }
0x32: {  	s10 =	sld [smem:$0x3FB0];
	_ =	sdelay $0x3  }
0x33: {  	p0 =	seq.s32 s10, $0x1;
	s10 =	sld [smem:$0x3FB2];
	_ =	sdelay $0x3  }
0x34: {  	[smem:$0x3FB2] =	sst s10  }
0x35: {  	s10 =	sld [smem:$0x3FB1];
	_ =	sdelay $0x3  }
0x36: {  	p1 =	seq.s32 s10, $0x1;
	s10 =	sld [smem:$0x3FB2];
	_ =	sdelay $0x3  }
0x37: {  	[smem:$0x3FB2] =	sst s10  }
0x38: {  	s10 =	sld [smem:$0x3FB3]  }
0x39: {  	_ = 	snop;
	(pc) =	sbr.ind lr, $3  }
0x3a: {  	_ = 	snop  }
0x3b: {  	_ = 	snop  }
0x3c: {  	p2 =	seq.s32 s10, $0x1;
	s10 =	sld [smem:$0x3FB2]  }
0x3d: {  	_ =	shalt  }
0x3e: {  	_ =	shalt  }
0x3f: {  	_ =	shalt  }
0x40: {  	_ =	shalt  }
0x41: {  	_ =	shalt  }
0x42: {  	_ =	shalt  }
0x43: {  	_ =	shalt  }
0x44: {  	_ =	shalt  }
0x45: {  	_ =	shalt  }
0x46: {  	_ =	shalt  }
0x47: {  	_ =	shalt  }
0x48: {  	_ =	shalt  }
0x49: {  	_ =	shalt  }
0x4a: {  	_ =	shalt  }
0x4b: {  	_ =	shalt  }
0x4c: {  	_ =	shalt  }
0x4d: {  	_ =	shalt  }
0x4e: {  	_ =	shalt  }
0x4f: {  	_ =	shalt  }
0x50: {  	_ =	shalt  }
0x51: {  	_ =	shalt  }
0x52: {  	_ =	shalt  }
0x53: {  	_ =	shalt  }
0x54: {  	_ =	shalt  }
0x55: {  	_ =	shalt  }
0x56: {  	_ =	shalt  }
0x57: {  	_ =	shalt  }
0x58: {  	_ =	shalt  }
0x59: {  	_ =	shalt  }
0x5a: {  	_ =	shalt  }
0x5b: {  	_ =	shalt  }
0x5c: {  	_ =	shalt  }
0x5d: {  	_ =	shalt  }
0x5e: {  	_ =	shalt  }
0x5f: {  	_ =	shalt  }
0x60: {  	_ =	shalt  }
0x61: {  	_ =	shalt  }
0x62: {  	_ =	shalt  }
0x63: {  	_ =	shalt  }
0x64: {  	_ =	shalt  }
0x65: {  	_ =	shalt  }
0x66: {  	_ =	shalt  }
0x67: {  	_ =	shalt  }
0x68: {  	_ =	shalt  }
0x69: {  	_ =	shalt  }
0x6a: {  	_ =	shalt  }
0x6b: {  	_ =	shalt  }
0x6c: {  	_ =	shalt  }
0x6d: {  	_ =	shalt  }
0x6e: {  	_ =	shalt  }
0x6f: {  	_ =	shalt  }
0x70: {  	_ =	shalt  }
0x71: {  	_ =	shalt  }
0x72: {  	_ =	shalt  }
0x73: {  	_ =	shalt  }
0x74: {  	_ =	shalt  }
0x75: {  	_ =	shalt  }
0x76: {  	_ =	shalt  }
0x77: {  	_ =	shalt  }
0x78: {  	_ =	shalt  }
0x79: {  	_ =	shalt  }
0x7a: {  	_ =	shalt  }
0x7b: {  	_ =	shalt  }
0x7c: {  	_ =	shalt  }
0x7d: {  	_ =	shalt  }
0x7e: {  	_ =	shalt  }
0x7f: {  	_ =	shalt  }
0x80: {  	_ =	shalt  }
0x81: {  	_ =	shalt  }
0x82: {  	_ =	shalt  }
0x83: {  	_ =	shalt  }
0x84: {  	_ =	shalt  }
0x85: {  	_ =	shalt  }
0x86: {  	_ =	shalt  }
0x87: {  	_ =	shalt  }
.Lfunc_end0:
.L_simem_size_0:
called_computation.1_lowered:
.L_overlay_start_0:
0x88: {  	s2 =	sld [smem:$0x3FD9]  }
0x89: {  	s3 =	sld [smem:$0x3FFE];
	_ =	sdelay $0x1  }
0x8a: {  	s1 =	srdreg.scid  }
0x8b: {  	s0 =	sand.u32 $0x1, s1  }
0x8c: {  	s16 =	sshll.u32 s0, $0xA;
	s2 =	sadd.s32 s3, s2  }
0x8d: {  	s2 =	sadd.s32 s2, s16  }
0x8e: {  	[smem:$0x3FBE] =	sst s2  }
0x8f: {  	_ = 	snop  }
0x90: {  	(tm) =	ssettm $0x1  }
0x91: {  	s17 =	sld [smem:$0x3FFB];
	_ =	sdelay $0x3  }
0x92: {  	_ =	strace s17  }
0x93: {  	s2 =	sld [smem:$0x3FFC];
	_ =	sdelay $0x3  }
0x94: {  	_ =	strace s2  }
0x95: {  	s2 =	sld [smem:$0x3FFD];
	_ =	sdelay $0x3  }
0x96: {  	_ =	strace s2  }
0x97: {  	_ =	strace $0x8FFFFFFF  }
0x98: {  	s18 =	sld [smem:$0x3FDB];
	_ =	sdelay $0x1  }
0x99: {  	s19 =	simm.s32 $_scs_section_size  }
0x9a: {  	s4 =	simm.s32 $_size__tile_overlayer_lowered;
	s5 =	simm.s32 $_tile_overlayer_lowered  }
0x9b: {  	s22 =	simm.s32 $0x1BFF;
	s21 =	sshll.u32 s5, $0x1;
	s2 =	sadd.s32 s19, s18  }
0x9c: {  	s6 =	simm.s32 $0x0;
	s20 =	sshll.u32 s4, $0x1;
	s4 =	sadd.s32 s21, s2  }
0x9d: {  	[timem:s6], [sflag:s22] =	dma.local [hbm:s4], s20  }
0x9e: {  	_ =	swait.ge [sflag:s22], s20  }
0x9f: {  	s3 =	ssub.s32 $0x0, s20;
	[sflag:s22] =	ssyncset.done $0x0  }
0xa0: {  	[sflag:s22] =	ssyncadd.s32 s3;
	_ =	sdelay $0x1  }
0xa1: {  	s23 =	simm.s32 $0x1B8B  }
0xa2: {  	_ =	swait.ge [sflag:s23], $0x1  }
0xa3: {  	[sflag:s23] =	ssyncset.done $0x0  }
0xa4: {  	s25 =	simm.s32 $0x1B8E;
	s24 =	sld [smem:$0x3FFE];
	[sflag:s23] =	ssyncadd.s32 $0xFFFFFFFF  }
0xa5: {  	s26 =	simm.s32 $execute0_lowered;
	[smem:$0x3FD2] =	sst s25  }
0xa6: {  	s4 =	sshll.u32 s26, $0x1;
	_ =	strace $0x80000049;
	[dreg:$0x1] =	wrdreg $0xFFFFFFFF  }
0xa7: {  	s28 =	simm.s32 $_size_execute0_lowered;
	s2 =	sadd.s32 s2, s4;
	[dreg:$0x0] =	wrdreg $0x0  }
0xa8: {  	s4 =	sshll.u32 s28, $0x1;
	[dreg:$0x2] =	wrdreg s2  }
0xa9: {  	[dreg:$0x3] =	wrdreg s4  }
0xaa: {  	[dreg:$0x4] =	wrdreg $0xC0  }
0xab: {  	_ =	task [dreg:s6], $0x5FFFF  }
0xac: {  	[dreg:$0x1] =	wrdreg $0xFFFFFFFF  }
0xad: {  	[dreg:$0x0] =	wrdreg $0x60  }
0xae: {  	[dreg:$0x2] =	wrdreg s24  }
0xaf: {  	[dreg:$0x3] =	wrdreg $0xD0000  }
0xb0: {  	[dreg:$0x4] =	wrdreg $0x9  }
0xb1: {  	_ =	task.clear_ibuf [dreg:s6], $0x5FFFF;
	_ =	strace $0x90000049  }
0xb2: {  	s29 =	simm.s32 $0x9;
	_ =	strace $0x8000004B  }
0xb3: {  	_ =	swait.ge [sflag:s29], $0x1  }
0xb4: {  	[sflag:s29] =	ssyncadd.s32 $0xFFFFFFFF  }
0xb5: {  	_ =	strace $0x9000004B  }
0xb6: {  	_ =	sfence  }
0xb7: {  	s30 =	sld [smem:$0x0];
	_ =	sdelay $0x2  }
0xb8: {  	s31 =	sshll.u32 s1, $0xD;
	s1 =	sshrl.u32 s1, $0x2  }
0xb9: {  	s3 =	sand.u32 $0x4000, s31;
	s1 =	sadd.s32 s1, s30  }
0xba: {  	s0 =	sor.u32 s3, s0;
	s1 =	sshll.u32 s1, $0x11  }
0xbb: {  	s0 =	sor.u32 s1, s0  }
0xbc: {  	s0 =	sadd.s32 $0x8F2B, s0  }
0xbd: {  	[sflag:s0] =	ssyncadd.remote.s32 $0x1  }
0xbe: {  	_ =	sfence.sel $0xFFFF  }
0xbf: {  	[dreg:$0x0] =	wrdreg $0xFFFFFFFF;
	(pc) =	sbr.abs _section_cstart, $3  }
0xc0: {  	[dreg:$0x1] =	wrdreg $0xFFFFFFFF  }
0xc1: {  	_ =	task.clear_ibuf [dreg:s6], $0x2FFFF;
	_ =	strace $0x9FFFFFFF  }
0xc2: {  	(tm) =	ssettm $0x7FFFFFFF  }
0xc3: {  	_ =	shalt  }
tec
execute0_lowered:
.L_overlay_start_1:
0x0: {  	(tag) =	ssettag $0x1  }
0x1: {  	s0 =	srdreg.scid;
	s1 =	rddreg [dreg:$0x0]  }
0x2: {  	s2 =	rddreg [dreg:$0x1];
	s3 =	stileid.u32  }
0x3: {  	s15 =	simm.s32 $0x0;
	s11 =	simm.s32 $0x49C00;
	s8 =	smul.u32 $0x14000, s3  }
0x4: {  	s0 =	sand.u32 $0x1, s0;
	[smem:$0x7FF] =	sst s15;
	s21 =	smul.u32 $0x5000, s3  }
0x5: {  	s4 =	sshll.u32 s0, $0x4;
	s6 =	ssub.s32 $0x2, s0;
	_ =	strace $0x8000004A  }
0x6: {  	p0 =	seq.s32 s0, $0x1;
	s4 =	sor.u32 s3, s4;
	s7 =	sshrl.u32 s6, $0x1  }
0x7: {  	s3 =	sadd.s32 $0x1000, s21;
	s16 =	sadd.s32 $0x2000, s21;
	s10 =	sadd.s32 $0x3000, s21  }
0x8: {  	s13 =	sadd.s32 $0x4000, s21;
	s11 =	simm.s32 @!p0 $0x53C00;
	s0 =	sadd.s32 s21, s2  }
0x9: {  	s5 =	smul.u32 $0x500, s4;
	s6 =	ssub.s32 s6, s7;
	s7 =	sshrl.u32 s21, $0x3  }
0xa: {  	s9 =	sshrl.u32 s16, $0x3;
	[dreg:$0xd] =	wrdreg s0;
	s18 =	sadd.s32 s3, s2  }
0xb: {  	s17 =	sadd.s32 s11, s1;
	s22 =	smax.u32 s6, $0x1;
	[dreg:$0xf] =	wrdreg s18  }
0xc: {  	s14 =	sshrl.u32 s13, $0x3;
	s21 =	sadd.s32 s17, s9;
	[dreg:$0x8] =	wrdreg s22  }
0xd: {  	s4 =	sadd.s32 $0x3FC00, s1;
	s0 =	sadd.s32 s17, s14;
	[dreg:$0x12] =	wrdreg s21  }
0xe: {  	s5 =	sadd.s32 s5, s1;
	s1 =	sadd.s32 s17, s7;
	[dreg:$0x16] =	wrdreg s0  }
0xf: {  	s22 =	sadd.s32 s10, s2;
	[dreg:$0xe] =	wrdreg s1  }
0x10: {  	s28 =	simm.s32 $0x2;
	s19 =	sadd.s32 $0xDC00, s5;
	[dreg:$0x13] =	wrdreg s22  }
0x11: {  	s20 =	sshrl.u32 s8, $0x2;
	s5 =	sadd.s32 $0x3600, s5;
	[dreg:$0x5] =	wrdreg s19  }
0x12: {  	s8 =	sshrl.u32 s3, $0x3;
	[dreg:$0x6] =	wrdreg s5;
	s5 =	sadd.s32 s20, s2  }
0x13: {  	s29 =	simm.s32 $0x80;
	s19 =	sadd.s32 s17, s8;
	[dreg:$0x7] =	wrdreg s5  }
0x14: {  	s30 =	simm.s32 $0x6000;
	s20 =	sadd.s32 s16, s2;
	[dreg:$0x10] =	wrdreg s19  }
0x15: {  	s31 =	simm.s32 $0xA000;
	s23 =	sadd.s32 $0x1000, s5;
	[dreg:$0x11] =	wrdreg s20  }
0x16: {  	s12 =	sshrl.u32 s10, $0x3;
	s24 =	sadd.s32 $0x2000, s5;
	[dreg:$0x9] =	wrdreg s23  }
0x17: {  	s6 =	simm.s32 $0x4;
	s25 =	sadd.s32 $0x3000, s5;
	[dreg:$0xa] =	wrdreg s24  }
0x18: {  	s9 =	simm.s32 $0x8;
	s26 =	sadd.s32 $0x4000, s5;
	[dreg:$0xb] =	wrdreg s25  }
0x19: {  	s0 =	simm.s32 $0x7000;
	[dreg:$0xc] =	wrdreg s26;
	s23 =	sadd.s32 s17, s12  }
0x1a: {  	s7 =	simm.s32 $0x0;
	s24 =	sadd.s32 s13, s2;
	[dreg:$0x14] =	wrdreg s23  }
0x1b: {  	s1 =	simm.s32 $0x3;
	s25 =	simm.s32 $0x9000;
	[dreg:$0x15] =	wrdreg s24  }
0x1c: {  	s8 =	simm.s32 $0x6;
	s26 =	simm.s32 $0xB000;
	[dreg:$0x3] =	wrdreg s25  }
0x1d: {  	s5 =	simm.s32 $0xC000;
	s24 =	simm.s32 $0x5000;
	[dreg:$0x4] =	wrdreg s26  }
0x1e: {  	v0 =	vimm.f32 $0.0e+00;
	s25 =	simm.s32 $0x11;
	s26 =	simm.s32 $0x1;
	s23 =	simm.s32 $0x8000  }
.LBB2_1:
0x1f: {  	[dreg:$0x17] =	wrdreg s7  }
0x20: {  	s3 =	rddreg [dreg:$0x5]  }
0x21: {  	s21 =	rddreg [dreg:$0x6]  }
0x22: {  	[tilespmem:s15], [sflag:$0x1] =	stream.linear.gather [hbm4b:s3+s15], $0x2800, $0x38;
	[tilespmem:$0x12000] =	vst v63  }
0x23: {  	s22 =	simm.s32 $0x2800;
	s7 =	simm.s32 $0x80;
	s10 =	simm.s32 $0x0  }
0x24: {  	[tilespmem:s22], [sflag:$0x2] =	stream.linear.gather [hbm4b:s21+s15], $0x2800, $0x38;
	[tilespmem:$0x12000] =	vst v63  }
.LBB2_2:
0x25: {  	p0 =	sne.s32 s7, $0x3F80;
	[tilespmem:s10+$0x5000] =	vst v0;
	s11 =	smov.u32 s7;
	s7 =	sadd.s32 $0x80, s7  }
.Ltmp0:
0x26: {  	[tilespmem:s10+$0x5010] =	vst v0;
	(pc) =	sbr.rel @p0 .LBB2_2-.Ltmp0, $2  }
0x27: {  	_ =	sdelay $0x2  }
0x28: {  	s10 =	sshra.s32 s11, $0x2  }
0x29: {  	[tilespmem:s10+$0x5000] =	vst v0  }
0x2a: {  	[tilespmem:s10+$0x5010] =	vst v0;
	s3 =	rddreg [dreg:$0x7]  }
0x2b: {  	[spmem:s3] =	stream.linear.scatter [tilespmem:s24], [sflag:$0x11], $0x1000, $0x38;
	[tilespmem:$0x12000] =	vst v63  }
0x2c: {  	_ =	swait.ge [sflag:s25], $0x1000  }
0x2d: {  	[sflag:s25] =	ssyncset.done $0x0  }
0x2e: {  	s20 =	rddreg [dreg:$0x9];
	[sflag:s25] =	ssyncadd.s32 $0xFFFFF000  }
0x2f: {  	[spmem:s20] =	stream.linear.scatter [tilespmem:s24], [sflag:$0x11], $0x1000, $0x38;
	[tilespmem:$0x12000] =	vst v63  }
0x30: {  	_ =	swait.ge [sflag:s25], $0x1000  }
0x31: {  	[sflag:s25] =	ssyncset.done $0x0  }
0x32: {  	s21 =	rddreg [dreg:$0xa];
	[sflag:s25] =	ssyncadd.s32 $0xFFFFF000  }
0x33: {  	[spmem:s21] =	stream.linear.scatter [tilespmem:s24], [sflag:$0x11], $0x1000, $0x38;
	[tilespmem:$0x12000] =	vst v63  }
0x34: {  	_ =	swait.ge [sflag:s25], $0x1000  }
0x35: {  	[sflag:s25] =	ssyncset.done $0x0  }
0x36: {  	s22 =	rddreg [dreg:$0xb];
	[sflag:s25] =	ssyncadd.s32 $0xFFFFF000  }
0x37: {  	[spmem:s22] =	stream.linear.scatter [tilespmem:s24], [sflag:$0x11], $0x1000, $0x38;
	[tilespmem:$0x12000] =	vst v63  }
0x38: {  	_ =	swait.ge [sflag:s25], $0x1000  }
0x39: {  	[sflag:s25] =	ssyncset.done $0x0  }
0x3a: {  	s7 =	rddreg [dreg:$0xc];
	[sflag:s25] =	ssyncadd.s32 $0xFFFFF000  }
0x3b: {  	[spmem:s7] =	stream.linear.scatter [tilespmem:s24], [sflag:$0x11], $0x1000, $0x38;
	[tilespmem:$0x12000] =	vst v63  }
0x3c: {  	_ =	swait.ge [sflag:s25], $0x1000  }
0x3d: {  	[sflag:s25] =	ssyncset.done $0x0  }
0x3e: {  	[sflag:s25] =	ssyncadd.s32 $0xFFFFF000  }
0x3f: {  	_ =	swait.ge [sflag:s26], $0x2800  }
0x40: {  	[sflag:s26] =	ssyncset.done $0x0  }
0x41: {  	[sflag:s26] =	ssyncadd.s32 $0xFFFFD800  }
0x42: {  	_ =	swait.ge [sflag:s28], $0x2800  }
0x43: {  	[sflag:s28] =	ssyncset.done $0x0  }
0x44: {  	[sflag:s28] =	ssyncadd.s32 $0xFFFFD800  }
0x45: {  	s7 =	simm.s32 $0x0;
	[bflag:$0x0] =	sbarrier.arrive $0xFFFF  }
0x46: {  	[tilespmem:s24], [sflag:$0x1] =	stream.indirect.gather [hbm4b:s4+s29], $0x20, s7, s29, $0xb8;
	[tilespmem:$0x12000] =	vst v63  }
0x47: {  	_ = 	snop  }
0x48: {  	[tilespmem:s30], [sflag:$0x2] =	stream.indirect.gather [hbm4b:s4+s29], $0x20, s29, s29, $0xb8;
	[tilespmem:$0x12000] =	vst v63  }
0x49: {  	s10 =	simm.s32 $0x100;
	p0 =	por $0x1, $0x1  }
0x4a: {  	[tilespmem:s0], [sflag:$0x3] =	stream.indirect.gather [hbm4b:s4+s29], $0x20, s10, s29, $0xb8;
	[tilespmem:$0x12000] =	vst v63  }
0x4b: {  	s11 =	simm.s32 $0x180;
	s7 =	simm.s32 @!p0 $0xD  }
0x4c: {  	[tilespmem:s23], [sflag:$0x4] =	stream.indirect.gather [hbm4b:s4+s29], $0x20, s11, s29, $0xb8;
	[tilespmem:$0x12000] =	vst v63  }
0x4d: {  	_ =	swait.ge @!p0 [sflag:s7], $0x1000  }
0x4e: {  	[sflag:s7] =	ssyncset.done @!p0 $0x0  }
0x4f: {  	s13 =	simm.s32 $0x200;
	s12 =	rddreg [dreg:$0x3];
	[sflag:s7] =	ssyncadd.s32 @!p0 $0xFFFFF000  }
0x50: {  	[tilespmem:s12], [sflag:$0x5] =	stream.indirect.gather [hbm4b:s4+s29], $0x20, s13, s29, $0xb8;
	[tilespmem:$0x12000] =	vst v63  }
0x51: {  	_ =	swait.ge [sflag:s26], $0x1000  }
0x52: {  	[sflag:s26] =	ssyncset.done $0x0  }
0x53: {  	s14 =	simm.s32 $0x2800;
	s10 =	simm.s32 @!p0 $0xE;
	[sflag:s26] =	ssyncadd.s32 $0xFFFFF000  }
0x54: {  	[spmem:s2] =	stream.indirect.scatter.add.f32 [tilespmem:s24], [sflag:$0x9], $0x20, s14, s29, $0xb8;
	[tilespmem:$0x12000] =	vst v63  }
0x55: {  	_ =	swait.ge @!p0 [sflag:s10], $0x1000  }
0x56: {  	[sflag:s10] =	ssyncset.done @!p0 $0x0  }
0x57: {  	s15 =	simm.s32 $0x280;
	[sflag:s10] =	ssyncadd.s32 @!p0 $0xFFFFF000  }
0x58: {  	[tilespmem:s31], [sflag:$0x6] =	stream.indirect.gather [hbm4b:s4+s29], $0x20, s15, s29, $0xb8;
	[tilespmem:$0x12000] =	vst v63  }
0x59: {  	_ =	swait.ge [sflag:s28], $0x1000  }
0x5a: {  	[sflag:s28] =	ssyncset.done $0x0  }
0x5b: {  	s16 =	simm.s32 $0x2880;
	s10 =	simm.s32 @!p0 $0xF;
	[sflag:s28] =	ssyncadd.s32 $0xFFFFF000  }
0x5c: {  	[spmem:s2] =	stream.indirect.scatter.add.f32 [tilespmem:s30], [sflag:$0xA], $0x20, s16, s29, $0xb8;
	[tilespmem:$0x12000] =	vst v63  }
0x5d: {  	_ =	swait.ge @!p0 [sflag:s10], $0x1000  }
0x5e: {  	[sflag:s10] =	ssyncset.done @!p0 $0x0  }
0x5f: {  	s18 =	simm.s32 $0x300;
	s17 =	rddreg [dreg:$0x4];
	[sflag:s10] =	ssyncadd.s32 @!p0 $0xFFFFF000  }
0x60: {  	[tilespmem:s17], [sflag:$0x7] =	stream.indirect.gather [hbm4b:s4+s29], $0x20, s18, s29, $0xb8;
	[tilespmem:$0x12000] =	vst v63  }
0x61: {  	_ =	swait.ge [sflag:s1], $0x1000  }
0x62: {  	[sflag:s1] =	ssyncset.done $0x0  }
0x63: {  	s19 =	simm.s32 $0x2900;
	s10 =	simm.s32 @!p0 $0x10;
	[sflag:s1] =	ssyncadd.s32 $0xFFFFF000  }
0x64: {  	[spmem:s2] =	stream.indirect.scatter.add.f32 [tilespmem:s0], [sflag:$0xB], $0x20, s19, s29, $0xb8;
	[tilespmem:$0x12000] =	vst v63  }
0x65: {  	_ =	swait.ge @!p0 [sflag:s10], $0x1000  }
0x66: {  	[sflag:s10] =	ssyncset.done @!p0 $0x0  }
0x67: {  	s20 =	simm.s32 $0x380;
	[sflag:s10] =	ssyncadd.s32 @!p0 $0xFFFFF000  }
0x68: {  	[tilespmem:s5], [sflag:$0x8] =	stream.indirect.gather [hbm4b:s4+s29], $0x20, s20, s29, $0xb8;
	[tilespmem:$0x12000] =	vst v63  }
0x69: {  	_ =	swait.ge [sflag:s6], $0x1000  }
0x6a: {  	p0 =	por $0x0, $0x0;
	[sflag:s6] =	ssyncset.done $0x0  }
0x6b: {  	s21 =	simm.s32 $0x2980;
	s10 =	simm.s32 @p0 $0x5;
	[sflag:s6] =	ssyncadd.s32 $0xFFFFF000  }
0x6c: {  	[spmem:s2] =	stream.indirect.scatter.add.f32 [tilespmem:s23], [sflag:$0xC], $0x20, s21, s29, $0xb8;
	[tilespmem:$0x12000] =	vst v63  }
0x6d: {  	_ =	swait.ge @p0 [sflag:s10], $0x1000  }
0x6e: {  	s7 =	simm.s32 @p0 $0x2A00;
	s11 =	simm.s32 @p0 $0x80;
	[sflag:s10] =	ssyncset.done @p0 $0x0  }
0x6f: {  	s12 =	simm.s32 @p0 $0x9000;
	[sflag:s10] =	ssyncadd.s32 @p0 $0xFFFFF000;
	s10 =	simm.s32 @!p0 $0x9  }
0x70: {  	[spmem:s2] =	stream.indirect.scatter.add.f32 @p0 [tilespmem:s12], [sflag:$0xD], $0x20, s7, s11, $0xb8;
	[tilespmem:$0x12000] =	vst v63  }
0x71: {  	_ =	swait.ge @!p0 [sflag:s10], $0x1000  }
0x72: {  	s7 =	simm.s32 @!p0 $0x400;
	[sflag:s10] =	ssyncset.done @!p0 $0x0  }
0x73: {  	s12 =	simm.s32 @!p0 $0x80;
	[sflag:s10] =	ssyncadd.s32 @!p0 $0xFFFFF000;
	s10 =	simm.s32 @!p0 $0x5000  }
0x74: {  	[tilespmem:s10], [sflag:$0x1] =	stream.indirect.gather @!p0 [hbm4b:s4+s12], $0x20, s7, s12, $0xb8;
	[tilespmem:$0x12000] =	vst v63  }
0x75: {  	s7 =	simm.s32 @!p0 $0x5  }
0x76: {  	_ =	swait.ge @!p0 [sflag:s7], $0x1000  }
0x77: {  	[sflag:s7] =	ssyncset.done @!p0 $0x0  }
0x78: {  	s10 =	simm.s32 @!p0 $0x2A00;
	[sflag:s7] =	ssyncadd.s32 @!p0 $0xFFFFF000;
	s7 =	simm.s32 @!p0 $0x9000  }
0x79: {  	[spmem:s2] =	stream.indirect.scatter.add.f32 @!p0 [tilespmem:s7], [sflag:$0xD], $0x20, s10, s12, $0xb8;
	[tilespmem:$0x12000] =	vst v63  }
0x7a: {  	s7 =	simm.s32 @!p0 $0xA  }
0x7b: {  	_ =	swait.ge @!p0 [sflag:s7], $0x1000  }
0x7c: {  	[sflag:s7] =	ssyncset.done @!p0 $0x0  }
0x7d: {  	s10 =	simm.s32 @!p0 $0x480;
	[sflag:s7] =	ssyncadd.s32 @!p0 $0xFFFFF000;
	s7 =	simm.s32 @!p0 $0x6000  }
0x7e: {  	[tilespmem:s7], [sflag:$0x2] =	stream.indirect.gather @!p0 [hbm4b:s4+s12], $0x20, s10, s12, $0xb8;
	[tilespmem:$0x12000] =	vst v63  }
0x7f: {  	_ =	swait.ge [sflag:s8], $0x1000  }
0x80: {  	[sflag:s8] =	ssyncset.done $0x0  }
0x81: {  	s22 =	simm.s32 $0x2A80;
	s10 =	simm.s32 @p0 $0x7;
	[sflag:s8] =	ssyncadd.s32 $0xFFFFF000  }
0x82: {  	[spmem:s2] =	stream.indirect.scatter.add.f32 [tilespmem:s31], [sflag:$0xE], $0x20, s22, s29, $0xb8;
	[tilespmem:$0x12000] =	vst v63  }
0x83: {  	_ =	swait.ge @p0 [sflag:s10], $0x1000  }
0x84: {  	[sflag:s10] =	ssyncset.done @p0 $0x0  }
0x85: {  	s7 =	simm.s32 @p0 $0x2B00;
	[sflag:s10] =	ssyncadd.s32 @p0 $0xFFFFF000;
	s10 =	simm.s32 @p0 $0xB000  }
0x86: {  	[spmem:s2] =	stream.indirect.scatter.add.f32 @p0 [tilespmem:s10], [sflag:$0xF], $0x20, s7, s11, $0xb8;
	[tilespmem:$0x12000] =	vst v63  }
0x87: {  	s7 =	simm.s32 @!p0 $0xB  }
0x88: {  	_ =	swait.ge @!p0 [sflag:s7], $0x1000  }
0x89: {  	[sflag:s7] =	ssyncset.done @!p0 $0x0  }
0x8a: {  	s10 =	simm.s32 @!p0 $0x500;
	[sflag:s7] =	ssyncadd.s32 @!p0 $0xFFFFF000;
	s7 =	simm.s32 @!p0 $0x7000  }
0x8b: {  	[tilespmem:s7], [sflag:$0x3] =	stream.indirect.gather @!p0 [hbm4b:s4+s12], $0x20, s10, s12, $0xb8;
	[tilespmem:$0x12000] =	vst v63  }
0x8c: {  	s7 =	simm.s32 @!p0 $0x7  }
0x8d: {  	_ =	swait.ge @!p0 [sflag:s7], $0x1000  }
0x8e: {  	[sflag:s7] =	ssyncset.done @!p0 $0x0  }
0x8f: {  	s10 =	simm.s32 @!p0 $0x2B00;
	[sflag:s7] =	ssyncadd.s32 @!p0 $0xFFFFF000;
	s7 =	simm.s32 @!p0 $0xB000  }
0x90: {  	[spmem:s2] =	stream.indirect.scatter.add.f32 @!p0 [tilespmem:s7], [sflag:$0xF], $0x20, s10, s12, $0xb8;
	[tilespmem:$0x12000] =	vst v63  }
0x91: {  	s7 =	simm.s32 @!p0 $0xC  }
0x92: {  	_ =	swait.ge @!p0 [sflag:s7], $0x1000  }
0x93: {  	p1 =	por $0x0, $0x0;
	s19 =	simm.s32 $0x1000;
	[sflag:s7] =	ssyncset.done @!p0 $0x0  }
0x94: {  	s10 =	simm.s32 @!p0 $0x580;
	[sflag:s7] =	ssyncadd.s32 @!p0 $0xFFFFF000;
	s7 =	simm.s32 @!p0 $0x8000  }
0x95: {  	[tilespmem:s7], [sflag:$0x4] =	stream.indirect.gather @!p0 [hbm4b:s4+s12], $0x20, s10, s12, $0xb8;
	[tilespmem:$0x12000] =	vst v63  }
0x96: {  	s20 =	simm.s32 $0x2000;
	s21 =	simm.s32 $0x2B80;
	_ =	swait.ge [sflag:s9], $0x1000  }
.LBB2_4:
0x97: {  	[sflag:s9] =	ssyncset.done $0x0  }
0x98: {  	s10 =	simm.s32 @!p1 $0xD;
	[sflag:s9] =	ssyncadd.s32 $0xFFFFF000  }
0x99: {  	[spmem:s2] =	stream.indirect.scatter.add.f32 [tilespmem:s5], [sflag:$0x10], $0x20, s21, s29, $0xb8;
	[tilespmem:$0x12000] =	vst v63  }
0x9a: {  	_ =	swait.ge @!p1 [sflag:s10], $0x1000  }
0x9b: {  	s22 =	sshra.s32 s19, $0x2;
	[sflag:s10] =	ssyncset.done @!p1 $0x0  }
0x9c: {  	s18 =	sadd.s32 $0x200, s22;
	s11 =	rddreg [dreg:$0x3];
	[sflag:s10] =	ssyncadd.s32 @!p1 $0xFFFFF000  }
0x9d: {  	[tilespmem:s11], [sflag:$0x5] =	stream.indirect.gather [hbm4b:s4+s29], $0x20, s18, s29, $0xb8;
	[tilespmem:$0x12000] =	vst v63  }
0x9e: {  	_ =	swait.ge [sflag:s26], $0x1000  }
0x9f: {  	[sflag:s26] =	ssyncset.done $0x0  }
0xa0: {  	s3 =	sadd.s32 $0x2800, s22;
	s11 =	simm.s32 @!p1 $0xE;
	[sflag:s26] =	ssyncadd.s32 $0xFFFFF000  }
0xa1: {  	[spmem:s2] =	stream.indirect.scatter.add.f32 [tilespmem:s24], [sflag:$0x9], $0x20, s3, s29, $0xb8;
	[tilespmem:$0x12000] =	vst v63  }
0xa2: {  	_ =	swait.ge @!p1 [sflag:s11], $0x1000  }
0xa3: {  	[sflag:s11] =	ssyncset.done @!p1 $0x0  }
0xa4: {  	s12 =	sadd.s32 $0x280, s22;
	[sflag:s11] =	ssyncadd.s32 @!p1 $0xFFFFF000  }
0xa5: {  	[tilespmem:s31], [sflag:$0x6] =	stream.indirect.gather [hbm4b:s4+s29], $0x20, s12, s29, $0xb8;
	[tilespmem:$0x12000] =	vst v63  }
0xa6: {  	_ =	swait.ge [sflag:s28], $0x1000  }
0xa7: {  	[sflag:s28] =	ssyncset.done $0x0  }
0xa8: {  	s13 =	sadd.s32 $0x2880, s22;
	s11 =	simm.s32 @!p1 $0xF;
	[sflag:s28] =	ssyncadd.s32 $0xFFFFF000  }
0xa9: {  	[spmem:s2] =	stream.indirect.scatter.add.f32 [tilespmem:s30], [sflag:$0xA], $0x20, s13, s29, $0xb8;
	[tilespmem:$0x12000] =	vst v63  }
0xaa: {  	_ =	swait.ge @!p1 [sflag:s11], $0x1000  }
0xab: {  	[sflag:s11] =	ssyncset.done @!p1 $0x0  }
0xac: {  	s15 =	sadd.s32 $0x300, s22;
	s14 =	rddreg [dreg:$0x4];
	[sflag:s11] =	ssyncadd.s32 @!p1 $0xFFFFF000  }
0xad: {  	[tilespmem:s14], [sflag:$0x7] =	stream.indirect.gather [hbm4b:s4+s29], $0x20, s15, s29, $0xb8;
	[tilespmem:$0x12000] =	vst v63  }
0xae: {  	_ =	swait.ge [sflag:s1], $0x1000  }
0xaf: {  	[sflag:s1] =	ssyncset.done $0x0  }
0xb0: {  	s16 =	sadd.s32 $0x2900, s22;
	s11 =	simm.s32 @!p1 $0x10;
	[sflag:s1] =	ssyncadd.s32 $0xFFFFF000  }
0xb1: {  	[spmem:s2] =	stream.indirect.scatter.add.f32 [tilespmem:s0], [sflag:$0xB], $0x20, s16, s29, $0xb8;
	[tilespmem:$0x12000] =	vst v63  }
0xb2: {  	_ =	swait.ge @!p1 [sflag:s11], $0x1000  }
0xb3: {  	[sflag:s11] =	ssyncset.done @!p1 $0x0  }
0xb4: {  	s17 =	sadd.s32 $0x380, s22;
	[sflag:s11] =	ssyncadd.s32 @!p1 $0xFFFFF000  }
0xb5: {  	[tilespmem:s5], [sflag:$0x8] =	stream.indirect.gather [hbm4b:s4+s29], $0x20, s17, s29, $0xb8;
	[tilespmem:$0x12000] =	vst v63  }
0xb6: {  	_ =	swait.ge [sflag:s6], $0x1000  }
0xb7: {  	p1 =	seq.s32 s19, $0x9000;
	[sflag:s6] =	ssyncset.done $0x0  }
0xb8: {  	s18 =	sadd.s32 $0x2980, s22;
	s12 =	simm.s32 @p1 $0x5;
	[sflag:s6] =	ssyncadd.s32 $0xFFFFF000  }
0xb9: {  	[spmem:s2] =	stream.indirect.scatter.add.f32 [tilespmem:s23], [sflag:$0xC], $0x20, s18, s29, $0xb8;
	[tilespmem:$0x12000] =	vst v63  }
0xba: {  	s13 =	sshra.s32 @p1 s19, $0x2;
	_ =	swait.ge @p1 [sflag:s12], $0x1000  }
0xbb: {  	s11 =	simm.s32 @p1 $0x80;
	s14 =	simm.s32 @p1 $0x9000;
	[sflag:s12] =	ssyncset.done @p1 $0x0  }
0xbc: {  	s10 =	sadd.s32 @p1 $0x2A00, s13;
	[sflag:s12] =	ssyncadd.s32 @p1 $0xFFFFF000;
	s12 =	simm.s32 @!p1 $0x9  }
0xbd: {  	[spmem:s2] =	stream.indirect.scatter.add.f32 @p1 [tilespmem:s14], [sflag:$0xD], $0x20, s10, s11, $0xb8;
	[tilespmem:$0x12000] =	vst v63  }
0xbe: {  	s19 =	sshra.s32 @!p1 s19, $0x2;
	_ =	swait.ge @!p1 [sflag:s12], $0x1000  }
0xbf: {  	s17 =	simm.s32 @!p1 $0x5000;
	s3 =	simm.s32 @!p1 $0x5;
	[sflag:s12] =	ssyncset.done @!p1 $0x0  }
0xc0: {  	s15 =	sadd.s32 @!p1 $0x400, s19;
	s10 =	simm.s32 @!p1 $0x80;
	[sflag:s12] =	ssyncadd.s32 @!p1 $0xFFFFF000  }
0xc1: {  	[tilespmem:s17], [sflag:$0x1] =	stream.indirect.gather @!p1 [hbm4b:s4+s10], $0x20, s15, s10, $0xb8;
	[tilespmem:$0x12000] =	vst v63  }
0xc2: {  	_ =	swait.ge @!p1 [sflag:s3], $0x1000  }
0xc3: {  	s7 =	smov.u32 s20;
	s18 =	simm.s32 @!p1 $0x9000;
	[sflag:s3] =	ssyncset.done @!p1 $0x0  }
0xc4: {  	s14 =	sadd.s32 @!p1 $0x2A00, s19;
	[sflag:s3] =	ssyncadd.s32 @!p1 $0xFFFFF000;
	s3 =	simm.s32 @!p1 $0xA  }
0xc5: {  	[spmem:s2] =	stream.indirect.scatter.add.f32 @!p1 [tilespmem:s18], [sflag:$0xD], $0x20, s14, s10, $0xb8;
	[tilespmem:$0x12000] =	vst v63  }
0xc6: {  	s16 =	sadd.s32 @!p1 $0x480, s19;
	s12 =	sadd.s32 @!p1 $0x580, s19;
	_ =	swait.ge @!p1 [sflag:s3], $0x1000  }
0xc7: {  	s15 =	sadd.s32 @!p1 $0x500, s19;
	s17 =	sadd.s32 @!p1 $0x2B00, s19;
	[sflag:s3] =	ssyncset.done @!p1 $0x0  }
0xc8: {  	s19 =	smov.u32 s7;
	s7 =	simm.s32 @!p1 $0x6000;
	[sflag:s3] =	ssyncadd.s32 @!p1 $0xFFFFF000  }
0xc9: {  	[tilespmem:s7], [sflag:$0x2] =	stream.indirect.gather @!p1 [hbm4b:s4+s10], $0x20, s16, s10, $0xb8;
	[tilespmem:$0x12000] =	vst v63  }
0xca: {  	_ =	swait.ge [sflag:s8], $0x1000  }
0xcb: {  	s21 =	sadd.s32 $0x2B80, s22;
	[sflag:s8] =	ssyncset.done $0x0  }
0xcc: {  	s22 =	sadd.s32 $0x2A80, s22;
	s7 =	simm.s32 @p1 $0x7;
	[sflag:s8] =	ssyncadd.s32 $0xFFFFF000  }
0xcd: {  	[spmem:s2] =	stream.indirect.scatter.add.f32 [tilespmem:s31], [sflag:$0xE], $0x20, s22, s29, $0xb8;
	[tilespmem:$0x12000] =	vst v63  }
0xce: {  	_ =	swait.ge @p1 [sflag:s7], $0x1000  }
0xcf: {  	s13 =	sadd.s32 @p1 $0x2B00, s13;
	[sflag:s7] =	ssyncset.done @p1 $0x0  }
0xd0: {  	s3 =	simm.s32 @p1 $0xB000;
	[sflag:s7] =	ssyncadd.s32 @p1 $0xFFFFF000;
	s7 =	simm.s32 @!p1 $0xB  }
0xd1: {  	[spmem:s2] =	stream.indirect.scatter.add.f32 @p1 [tilespmem:s3], [sflag:$0xF], $0x20, s13, s11, $0xb8;
	[tilespmem:$0x12000] =	vst v63  }
0xd2: {  	_ =	swait.ge @!p1 [sflag:s7], $0x1000  }
0xd3: {  	[sflag:s7] =	ssyncset.done @!p1 $0x0  }
0xd4: {  	s3 =	simm.s32 @!p1 $0x7000;
	[sflag:s7] =	ssyncadd.s32 @!p1 $0xFFFFF000;
	s7 =	simm.s32 @!p1 $0x7  }
0xd5: {  	[tilespmem:s3], [sflag:$0x3] =	stream.indirect.gather @!p1 [hbm4b:s4+s10], $0x20, s15, s10, $0xb8;
	[tilespmem:$0x12000] =	vst v63  }
0xd6: {  	s20 =	sadd.s32 $0x1000, s20;
	_ =	swait.ge @!p1 [sflag:s7], $0x1000  }
0xd7: {  	p0 =	sne.s32 s20, $0xA000;
	[sflag:s7] =	ssyncset.done @!p1 $0x0  }
0xd8: {  	s3 =	simm.s32 @!p1 $0xB000;
	[sflag:s7] =	ssyncadd.s32 @!p1 $0xFFFFF000;
	s7 =	simm.s32 @!p1 $0xC  }
0xd9: {  	[spmem:s2] =	stream.indirect.scatter.add.f32 @!p1 [tilespmem:s3], [sflag:$0xF], $0x20, s17, s10, $0xb8;
	[tilespmem:$0x12000] =	vst v63  }
.Ltmp1:
0xda: {  	_ =	swait.ge @!p1 [sflag:s7], $0x1000;
	(pc) =	sbr.rel @p0 .LBB2_4-.Ltmp1, $4  }
0xdb: {  	[sflag:s7] =	ssyncset.done @!p1 $0x0  }
0xdc: {  	s3 =	simm.s32 @!p1 $0x8000;
	[sflag:s7] =	ssyncadd.s32 @!p1 $0xFFFFF000  }
0xdd: {  	[tilespmem:s3], [sflag:$0x4] =	stream.indirect.gather @!p1 [hbm4b:s4+s10], $0x20, s12, s10, $0xb8;
	[tilespmem:$0x12000] =	vst v63  }
0xde: {  	p1 =	seq.s32 s19, $0x0;
	_ =	swait.ge [sflag:s9], $0x1000  }
0xdf: {  	[sflag:s9] =	ssyncset.done $0x0  }
0xe0: {  	s3 =	simm.s32 @!p1 $0xD;
	[sflag:s9] =	ssyncadd.s32 $0xFFFFF000  }
0xe1: {  	[spmem:s2] =	stream.indirect.scatter.add.f32 [tilespmem:s5], [sflag:$0x10], $0x20, s21, s29, $0xb8;
	[tilespmem:$0x12000] =	vst v63  }
0xe2: {  	_ =	swait.ge @!p1 [sflag:s3], $0x1000  }
0xe3: {  	s7 =	sshra.s32 s19, $0x2;
	[sflag:s3] =	ssyncset.done @!p1 $0x0  }
0xe4: {  	s15 =	sadd.s32 $0x200, s7;
	s10 =	rddreg [dreg:$0x3];
	[sflag:s3] =	ssyncadd.s32 @!p1 $0xFFFFF000  }
0xe5: {  	[tilespmem:s10], [sflag:$0x5] =	stream.indirect.gather [hbm4b:s4+s29], $0x20, s15, s29, $0xb8;
	[tilespmem:$0x12000] =	vst v63  }
0xe6: {  	_ =	swait.ge [sflag:s26], $0x1000  }
0xe7: {  	[sflag:s26] =	ssyncset.done $0x0  }
0xe8: {  	s16 =	sadd.s32 $0x2800, s7;
	s10 =	simm.s32 @!p1 $0xE;
	[sflag:s26] =	ssyncadd.s32 $0xFFFFF000  }
0xe9: {  	[spmem:s2] =	stream.indirect.scatter.add.f32 [tilespmem:s24], [sflag:$0x9], $0x20, s16, s29, $0xb8;
	[tilespmem:$0x12000] =	vst v63  }
0xea: {  	_ =	swait.ge @!p1 [sflag:s10], $0x1000  }
0xeb: {  	[sflag:s10] =	ssyncset.done @!p1 $0x0  }
0xec: {  	s17 =	sadd.s32 $0x280, s7;
	[sflag:s10] =	ssyncadd.s32 @!p1 $0xFFFFF000  }
0xed: {  	[tilespmem:s31], [sflag:$0x6] =	stream.indirect.gather [hbm4b:s4+s29], $0x20, s17, s29, $0xb8;
	[tilespmem:$0x12000] =	vst v63  }
0xee: {  	_ =	swait.ge [sflag:s28], $0x1000  }
0xef: {  	[sflag:s28] =	ssyncset.done $0x0  }
0xf0: {  	s18 =	sadd.s32 $0x2880, s7;
	s10 =	simm.s32 @!p1 $0xF;
	[sflag:s28] =	ssyncadd.s32 $0xFFFFF000  }
0xf1: {  	[spmem:s2] =	stream.indirect.scatter.add.f32 [tilespmem:s30], [sflag:$0xA], $0x20, s18, s29, $0xb8;
	[tilespmem:$0x12000] =	vst v63  }
0xf2: {  	_ =	swait.ge @!p1 [sflag:s10], $0x1000  }
0xf3: {  	[sflag:s10] =	ssyncset.done @!p1 $0x0  }
0xf4: {  	s21 =	sadd.s32 $0x300, s7;
	s20 =	rddreg [dreg:$0x4];
	[sflag:s10] =	ssyncadd.s32 @!p1 $0xFFFFF000  }
0xf5: {  	[tilespmem:s20], [sflag:$0x7] =	stream.indirect.gather [hbm4b:s4+s29], $0x20, s21, s29, $0xb8;
	[tilespmem:$0x12000] =	vst v63  }
0xf6: {  	_ =	swait.ge [sflag:s1], $0x1000  }
0xf7: {  	[sflag:s1] =	ssyncset.done $0x0  }
0xf8: {  	s22 =	sadd.s32 $0x2900, s7;
	s10 =	simm.s32 @!p1 $0x10;
	[sflag:s1] =	ssyncadd.s32 $0xFFFFF000  }
0xf9: {  	[spmem:s2] =	stream.indirect.scatter.add.f32 [tilespmem:s0], [sflag:$0xB], $0x20, s22, s29, $0xb8;
	[tilespmem:$0x12000] =	vst v63  }
0xfa: {  	_ =	swait.ge @!p1 [sflag:s10], $0x1000  }
0xfb: {  	[sflag:s10] =	ssyncset.done @!p1 $0x0  }
0xfc: {  	s11 =	sadd.s32 $0x380, s7;
	[sflag:s10] =	ssyncadd.s32 @!p1 $0xFFFFF000  }
0xfd: {  	[tilespmem:s5], [sflag:$0x8] =	stream.indirect.gather [hbm4b:s4+s29], $0x20, s11, s29, $0xb8;
	[tilespmem:$0x12000] =	vst v63  }
0xfe: {  	_ =	swait.ge [sflag:s6], $0x1000  }
0xff: {  	p0 =	seq.s32 s19, $0x9000;
	[sflag:s6] =	ssyncset.done $0x0  }
0x100: {  	s12 =	sadd.s32 $0x2980, s7;
	s10 =	simm.s32 @p0 $0x5;
	[sflag:s6] =	ssyncadd.s32 $0xFFFFF000  }
0x101: {  	[spmem:s2] =	stream.indirect.scatter.add.f32 [tilespmem:s23], [sflag:$0xC], $0x20, s12, s29, $0xb8;
	[tilespmem:$0x12000] =	vst v63  }
0x102: {  	s3 =	sshra.s32 @p0 s19, $0x2;
	_ =	swait.ge @p0 [sflag:s10], $0x1000  }
0x103: {  	s13 =	simm.s32 @p0 $0x9000;
	s11 =	sadd.s32 @p0 $0x2A00, s3;
	[sflag:s10] =	ssyncset.done @p0 $0x0  }
0x104: {  	s12 =	simm.s32 @p0 $0x80;
	[sflag:s10] =	ssyncadd.s32 @p0 $0xFFFFF000;
	s10 =	simm.s32 @!p0 $0x9  }
0x105: {  	[spmem:s2] =	stream.indirect.scatter.add.f32 @p0 [tilespmem:s13], [sflag:$0xD], $0x20, s11, s12, $0xb8;
	[tilespmem:$0x12000] =	vst v63  }
0x106: {  	_ =	swait.ge @!p0 [sflag:s10], $0x1000  }
0x107: {  	s14 =	simm.s32 @!p0 $0x80;
	s11 =	sshra.s32 @!p0 s19, $0x2;
	[sflag:s10] =	ssyncset.done @!p0 $0x0  }
0x108: {  	s13 =	sadd.s32 @!p0 $0x400, s11;
	[sflag:s10] =	ssyncadd.s32 @!p0 $0xFFFFF000;
	s10 =	simm.s32 @!p0 $0x5000  }
0x109: {  	[tilespmem:s10], [sflag:$0x1] =	stream.indirect.gather @!p0 [hbm4b:s4+s14], $0x20, s13, s14, $0xb8;
	[tilespmem:$0x12000] =	vst v63  }
0x10a: {  	s10 =	simm.s32 @!p0 $0x5  }
0x10b: {  	_ =	swait.ge @!p0 [sflag:s10], $0x1000  }
0x10c: {  	[sflag:s10] =	ssyncset.done @!p0 $0x0  }
0x10d: {  	s13 =	sadd.s32 @!p0 $0x2A00, s11;
	[sflag:s10] =	ssyncadd.s32 @!p0 $0xFFFFF000;
	s10 =	simm.s32 @!p0 $0x9000  }
0x10e: {  	[spmem:s2] =	stream.indirect.scatter.add.f32 @!p0 [tilespmem:s10], [sflag:$0xD], $0x20, s13, s14, $0xb8;
	[tilespmem:$0x12000] =	vst v63  }
0x10f: {  	s10 =	simm.s32 @!p0 $0xA  }
0x110: {  	_ =	swait.ge @!p0 [sflag:s10], $0x1000  }
0x111: {  	[sflag:s10] =	ssyncset.done @!p0 $0x0  }
0x112: {  	s13 =	sadd.s32 @!p0 $0x480, s11;
	[sflag:s10] =	ssyncadd.s32 @!p0 $0xFFFFF000;
	s10 =	simm.s32 @!p0 $0x6000  }
0x113: {  	[tilespmem:s10], [sflag:$0x2] =	stream.indirect.gather @!p0 [hbm4b:s4+s14], $0x20, s13, s14, $0xb8;
	[tilespmem:$0x12000] =	vst v63  }
0x114: {  	_ =	swait.ge [sflag:s8], $0x1000  }
0x115: {  	[sflag:s8] =	ssyncset.done $0x0  }
0x116: {  	s13 =	sadd.s32 $0x2A80, s7;
	s10 =	simm.s32 @p0 $0x7;
	[sflag:s8] =	ssyncadd.s32 $0xFFFFF000  }
0x117: {  	[spmem:s2] =	stream.indirect.scatter.add.f32 [tilespmem:s31], [sflag:$0xE], $0x20, s13, s29, $0xb8;
	[tilespmem:$0x12000] =	vst v63  }
0x118: {  	_ =	swait.ge @p0 [sflag:s10], $0x1000  }
0x119: {  	[sflag:s10] =	ssyncset.done @p0 $0x0  }
0x11a: {  	s3 =	sadd.s32 @p0 $0x2B00, s3;
	[sflag:s10] =	ssyncadd.s32 @p0 $0xFFFFF000;
	s10 =	simm.s32 @p0 $0xB000  }
0x11b: {  	[spmem:s2] =	stream.indirect.scatter.add.f32 @p0 [tilespmem:s10], [sflag:$0xF], $0x20, s3, s12, $0xb8;
	[tilespmem:$0x12000] =	vst v63  }
0x11c: {  	s3 =	simm.s32 @!p0 $0xB  }
0x11d: {  	_ =	swait.ge @!p0 [sflag:s3], $0x1000  }
0x11e: {  	[sflag:s3] =	ssyncset.done @!p0 $0x0  }
0x11f: {  	s10 =	sadd.s32 @!p0 $0x500, s11;
	[sflag:s3] =	ssyncadd.s32 @!p0 $0xFFFFF000;
	s3 =	simm.s32 @!p0 $0x7000  }
0x120: {  	[tilespmem:s3], [sflag:$0x3] =	stream.indirect.gather @!p0 [hbm4b:s4+s14], $0x20, s10, s14, $0xb8;
	[tilespmem:$0x12000] =	vst v63  }
0x121: {  	s3 =	simm.s32 @!p0 $0x7  }
0x122: {  	_ =	swait.ge @!p0 [sflag:s3], $0x1000  }
0x123: {  	[sflag:s3] =	ssyncset.done @!p0 $0x0  }
0x124: {  	s10 =	sadd.s32 @!p0 $0x2B00, s11;
	[sflag:s3] =	ssyncadd.s32 @!p0 $0xFFFFF000;
	s3 =	simm.s32 @!p0 $0xB000  }
0x125: {  	[spmem:s2] =	stream.indirect.scatter.add.f32 @!p0 [tilespmem:s3], [sflag:$0xF], $0x20, s10, s14, $0xb8;
	[tilespmem:$0x12000] =	vst v63  }
0x126: {  	s3 =	simm.s32 @!p0 $0xC  }
0x127: {  	_ =	swait.ge @!p0 [sflag:s3], $0x1000  }
0x128: {  	[sflag:s3] =	ssyncset.done @!p0 $0x0  }
0x129: {  	s10 =	sadd.s32 @!p0 $0x580, s11;
	[sflag:s3] =	ssyncadd.s32 @!p0 $0xFFFFF000;
	s3 =	simm.s32 @!p0 $0x8000  }
0x12a: {  	[tilespmem:s3], [sflag:$0x4] =	stream.indirect.gather @!p0 [hbm4b:s4+s14], $0x20, s10, s14, $0xb8;
	[tilespmem:$0x12000] =	vst v63  }
0x12b: {  	_ =	swait.ge [sflag:s9], $0x1000  }
0x12c: {  	[sflag:s9] =	ssyncset.done $0x0  }
0x12d: {  	s15 =	sadd.s32 $0x2B80, s7;
	s16 =	simm.s32 $0x9;
	[sflag:s9] =	ssyncadd.s32 $0xFFFFF000  }
0x12e: {  	[spmem:s2] =	stream.indirect.scatter.add.f32 [tilespmem:s5], [sflag:$0x10], $0x20, s15, s29, $0xb8;
	[tilespmem:$0x12000] =	vst v63  }
0x12f: {  	_ =	swait.ge [sflag:s16], $0x1000  }
0x130: {  	[sflag:s16] =	ssyncset.done $0x0  }
0x131: {  	s17 =	simm.s32 $0xA;
	[sflag:s16] =	ssyncadd.s32 $0xFFFFF000  }
0x132: {  	_ =	swait.ge [sflag:s17], $0x1000  }
0x133: {  	[sflag:s17] =	ssyncset.done $0x0  }
0x134: {  	s18 =	simm.s32 $0xB;
	[sflag:s17] =	ssyncadd.s32 $0xFFFFF000  }
0x135: {  	_ =	swait.ge [sflag:s18], $0x1000  }
0x136: {  	[sflag:s18] =	ssyncset.done $0x0  }
0x137: {  	s19 =	simm.s32 $0xC;
	[sflag:s18] =	ssyncadd.s32 $0xFFFFF000  }
0x138: {  	_ =	swait.ge [sflag:s19], $0x1000  }
0x139: {  	[sflag:s19] =	ssyncset.done $0x0  }
0x13a: {  	s20 =	simm.s32 $0xD;
	[sflag:s19] =	ssyncadd.s32 $0xFFFFF000  }
0x13b: {  	_ =	swait.ge [sflag:s20], $0x1000  }
0x13c: {  	[sflag:s20] =	ssyncset.done $0x0  }
0x13d: {  	s21 =	simm.s32 $0xE;
	[sflag:s20] =	ssyncadd.s32 $0xFFFFF000  }
0x13e: {  	_ =	swait.ge [sflag:s21], $0x1000  }
0x13f: {  	[sflag:s21] =	ssyncset.done $0x0  }
0x140: {  	s22 =	simm.s32 $0xF;
	[sflag:s21] =	ssyncadd.s32 $0xFFFFF000  }
0x141: {  	_ =	swait.ge [sflag:s22], $0x1000  }
0x142: {  	[sflag:s22] =	ssyncset.done $0x0  }
0x143: {  	s7 =	simm.s32 $0x10;
	[sflag:s22] =	ssyncadd.s32 $0xFFFFF000  }
0x144: {  	_ =	swait.ge [sflag:s7], $0x1000  }
0x145: {  	[sflag:s7] =	ssyncset.done $0x0  }
0x146: {  	[sflag:s7] =	ssyncadd.s32 $0xFFFFF000  }
0x147: {  	[bflag:$0x0] =	sbarrier.arrive $0xFFFF  }
0x148: {  	s10 =	rddreg [dreg:$0xd]  }
0x149: {  	[tilespmem:s24], [sflag:$0x11] =	stream.linear.gather [spmem:s10], $0x1000, $0x38;
	[tilespmem:$0x12000] =	vst v63  }
0x14a: {  	_ =	swait.ge [sflag:s25], $0x1000  }
0x14b: {  	[sflag:s25] =	ssyncset.done $0x0  }
0x14c: {  	s15 =	simm.s32 $0x0;
	s11 =	rddreg [dreg:$0xe];
	[sflag:s25] =	ssyncadd.s32 $0xFFFFF000  }
0x14d: {  	[hbm4b:s11+s15] =	stream.linear.scatter [tilespmem:s24], [sflag:$0x11], $0x1000, $0x38;
	[tilespmem:$0x12000] =	vst v63  }
0x14e: {  	_ =	swait.ge [sflag:s25], $0x1000  }
0x14f: {  	[sflag:s25] =	ssyncset.done $0x0  }
0x150: {  	s12 =	rddreg [dreg:$0xf];
	[sflag:s25] =	ssyncadd.s32 $0xFFFFF000  }
0x151: {  	[tilespmem:s24], [sflag:$0x11] =	stream.linear.gather [spmem:s12], $0x1000, $0x38;
	[tilespmem:$0x12000] =	vst v63  }
0x152: {  	_ =	swait.ge [sflag:s25], $0x1000  }
0x153: {  	[sflag:s25] =	ssyncset.done $0x0  }
0x154: {  	s13 =	rddreg [dreg:$0x10];
	[sflag:s25] =	ssyncadd.s32 $0xFFFFF000  }
0x155: {  	[hbm4b:s13+s15] =	stream.linear.scatter [tilespmem:s24], [sflag:$0x11], $0x1000, $0x38;
	[tilespmem:$0x12000] =	vst v63  }
0x156: {  	_ =	swait.ge [sflag:s25], $0x1000  }
0x157: {  	[sflag:s25] =	ssyncset.done $0x0  }
0x158: {  	s14 =	rddreg [dreg:$0x11];
	[sflag:s25] =	ssyncadd.s32 $0xFFFFF000  }
0x159: {  	[tilespmem:s24], [sflag:$0x11] =	stream.linear.gather [spmem:s14], $0x1000, $0x38;
	[tilespmem:$0x12000] =	vst v63  }
0x15a: {  	_ =	swait.ge [sflag:s25], $0x1000  }
0x15b: {  	[sflag:s25] =	ssyncset.done $0x0  }
0x15c: {  	s16 =	rddreg [dreg:$0x12];
	[sflag:s25] =	ssyncadd.s32 $0xFFFFF000  }
0x15d: {  	[hbm4b:s16+s15] =	stream.linear.scatter [tilespmem:s24], [sflag:$0x11], $0x1000, $0x38;
	[tilespmem:$0x12000] =	vst v63  }
0x15e: {  	_ =	swait.ge [sflag:s25], $0x1000  }
0x15f: {  	[sflag:s25] =	ssyncset.done $0x0  }
0x160: {  	s17 =	rddreg [dreg:$0x13];
	[sflag:s25] =	ssyncadd.s32 $0xFFFFF000  }
0x161: {  	[tilespmem:s24], [sflag:$0x11] =	stream.linear.gather [spmem:s17], $0x1000, $0x38;
	[tilespmem:$0x12000] =	vst v63  }
0x162: {  	_ =	swait.ge [sflag:s25], $0x1000  }
0x163: {  	[sflag:s25] =	ssyncset.done $0x0  }
0x164: {  	s18 =	rddreg [dreg:$0x14];
	[sflag:s25] =	ssyncadd.s32 $0xFFFFF000  }
0x165: {  	[hbm4b:s18+s15] =	stream.linear.scatter [tilespmem:s24], [sflag:$0x11], $0x1000, $0x38;
	[tilespmem:$0x12000] =	vst v63  }
0x166: {  	_ =	swait.ge [sflag:s25], $0x1000  }
0x167: {  	[sflag:s25] =	ssyncset.done $0x0  }
0x168: {  	s19 =	rddreg [dreg:$0x15];
	[sflag:s25] =	ssyncadd.s32 $0xFFFFF000  }
0x169: {  	[tilespmem:s24], [sflag:$0x11] =	stream.linear.gather [spmem:s19], $0x1000, $0x38;
	[tilespmem:$0x12000] =	vst v63  }
0x16a: {  	_ =	swait.ge [sflag:s25], $0x1000  }
0x16b: {  	[sflag:s25] =	ssyncset.done $0x0  }
0x16c: {  	s20 =	rddreg [dreg:$0x16];
	[sflag:s25] =	ssyncadd.s32 $0xFFFFF000  }
0x16d: {  	[hbm4b:s20+s15] =	stream.linear.scatter [tilespmem:s24], [sflag:$0x11], $0x1000, $0x38;
	[tilespmem:$0x12000] =	vst v63  }
0x16e: {  	_ =	swait.ge [sflag:s25], $0x1000  }
0x16f: {  	s21 =	rddreg [dreg:$0x17]  }
0x170: {  	s22 =	rddreg [dreg:$0x8];
	s7 =	sadd.s32 $0x1, s21  }
0x171: {  	p0 =	sne.s32 s7, s22  }
.Ltmp2:
0x172: {  	_ = 	snop;
	(pc) =	sbr.rel @p0 .LBB2_1-.Ltmp2, $3  }
0x173: {  	_ =	sdelay $0x1  }
0x174: {  	[sflag:s25] =	ssyncset.done $0x0  }
0x175: {  	[sflag:s25] =	ssyncadd.s32 $0xFFFFF000  }
0x176: {  	_ =	sfence.sel $0x180000  }
0x177: {  	[bflag:$0x0] =	sbarrier.arrive $0xFFFF  }
0x178: {  	_ =	strace $0x9000004A  }
0x179: {  	s0 =	stileid.u32;
	[bflag:$0x2] =	sbarrier.arrive $0xFFFF  }
0x17a: {  	p0 =	sne.s32 s0, $0x0;
	s0 =	rddreg [dreg:$0x2]  }
0x17b: {  	s0 =	sadd.s32 @!p0 $0x100000, s0  }
0x17c: {  	[sflag:s0] =	ssyncadd.tile.s32 @!p0 $0x1;
	_ =	shalt  }
.Lfunc_end2:
_tile_overlayer_lowered:
.L_overlay_start_2:
0x17d: {  	(tag) =	ssettag $0x2  }
0x17e: {  	s0 =	rddreg [dreg:$0x0];
	s2 =	stileid.u32  }
0x17f: {  	s1 =	rddreg [dreg:$0x1];
	p0 =	sne.s32 s2, $0x0  }
0x180: {  	s3 =	rddreg [dreg:$0x2];
	[bflag:$0x3] =	sbarrier.arrive $0xFFFF;
	s2 =	simm.s32 @!p0 $0x1C11  }
0x181: {  	[timem:s3], [sflag:s2] =	dma.local @!p0 [hbm:s0], s1  }
0x182: {  	s0 =	simm.s32 @!p0 $0x11  }
0x183: {  	_ =	swait.ge @!p0 [sflag:s0], s1  }
0x184: {  	s1 =	ssub.s32 @!p0 $0x0, s1;
	[sflag:s0] =	ssyncset.done @!p0 $0x0  }
0x185: {  	[sflag:s0] =	ssyncadd.s32 @!p0 s1  }
0x186: {  	[bflag:$0x3] =	sbarrier.arrive $0xFFFF  }
0x187: {  	_ =	shalt  }

// kernel: kernel.15.cloned.1.call-start
scs
__scs_entry_jumppad:
0x0: {  	(pc) =	sbr.rel $0x88, $3  }
0x1: {  	(tag) =	ssettag $0x0;
	lr =	simm.s32 $0x1  }
0x2: {  	[smem:$0x3F97] =	sst lr;
	_ =	strace $0xD0000000  }
0x3: {  	_ = 	snop  }
0x4: {  	_ = 	snop  }
0x5: {  	_ = 	snop  }
0x6: {  	_ = 	snop  }
0x7: {  	_ = 	snop  }
__scs_overlays_trampoline_lowered:
0x8: {  	[smem:$0x3FA6] =	sst s0  }
0x9: {  	[smem:$0x3FA7] =	sst s1  }
0xa: {  	[smem:$0x3FA8] =	sst s2  }
0xb: {  	[smem:$0x3FA9] =	sst s3  }
0xc: {  	[smem:$0x3FAA] =	sst s4  }
0xd: {  	[smem:$0x3FAB] =	sst s5  }
0xe: {  	[smem:$0x3FAC] =	sst s6  }
0xf: {  	[smem:$0x3FAD] =	sst s7  }
0x10: {  	[smem:$0x3FAE] =	sst s8  }
0x11: {  	[smem:$0x3FAF] =	sst s9;
	s0 =	simm.s32 @!p0 $0x0  }
0x12: {  	s1 =	sld [smem:$0x3F95];
	s0 =	simm.s32 @p0 $0x1  }
0x13: {  	[smem:$0x3FB0] =	sst s0;
	s0 =	simm.s32 @!p1 $0x0  }
0x14: {  	s2 =	sld [smem:$0x3F94];
	s0 =	simm.s32 @p1 $0x1  }
0x15: {  	[smem:$0x3FB1] =	sst s0;
	s0 =	simm.s32 @!p2 $0x0  }
0x16: {  	s3 =	sld [smem:$0x3FDB];
	s0 =	simm.s32 @p2 $0x1  }
0x17: {  	s4 =	simm.s32 $0x1BF5;
	[smem:$0x3FB3] =	sst s0  }
0x18: {  	s0 =	sld [smem:$0x3F96];
	_ =	swait.ge [sflag:s4], $0x0  }
0x19: {  	s7 =	sld [smem:$0x3F97]  }
0x1a: {  	s8 =	sadd.s32 $0xFFFFE003, lr  }
0x1b: {  	s9 =	sadd.s32 $0xFFFFFEF7, lr;
	s5 =	simm.s32 $0xFFFFFFFF;
	p2 =	slt.u32 s8, $0xFFFFF086  }
0x1c: {  	p1 =	slt.u32 s9, $0xF7A;
	s5 =	simm.s32 @!p2 $0x0  }
0x1d: {  	s5 =	simm.s32 @p1 $0x1;
	p0 =	seq.s32 s7, s2  }
0x1e: {  	s7 =	smul.u32 @!p0 $0xF7A, s2;
	p2 =	seq.s32 @!p0 s5, $0x0  }
0x1f: {  	s9 =	smul.u32 $0xF7A, s1;
	s8 =	simm.s32 @!p0 $0x1BF5;
	p2 =	por !p2, p0  }
0x20: {  	[sflag:s8] =	ssyncset.s32 @!p0 $0xFFFFF086;
	s6 =	sadd.s32 @!p0 s3, s7;
	s7 =	simm.s32 @!p0 $0x108  }
0x21: {  	s3 =	sadd.s32 s3, s9;
	s6 =	sadd.s32 @!p0 $0x88, s6;
	s7 =	simm.s32 @p2 $0x1082  }
0x22: {  	[simem:s7], [sflag:s8] =	dma.local @!p0 [hbm:s6], $0xF7A  }
0x23: {  	s9 =	sor.u32 $0xD0000000, s2;
	s6 =	simm.s32 $0x108;
	_ =	swait.ge @!p0 [sflag:s8], $0x0  }
0x24: {  	s3 =	sadd.s32 $0x88, s3;
	s6 =	simm.s32 @!p1 $0x1082;
	[sflag:s4] =	ssyncset.s32 $0xFFFFF086  }
0x25: {  	[simem:s6], [sflag:s4] =	dma.local [hbm:s3], $0xF7A  }
0x26: {  	[smem:$0x3F97] =	sst s1;
	(tag) =	ssettag s2;
	_ =	strace s9  }
0x27: {  	s1 =	sld [smem:$0x3FA7]  }
0x28: {  	s2 =	sld [smem:$0x3FA8]  }
0x29: {  	s4 =	sld [smem:$0x3FAA]  }
0x2a: {  	p0 =	seq.s32 s5, $0x0;
	s5 =	sld [smem:$0x3FAB]  }
0x2b: {  	s6 =	sld [smem:$0x3FAC]  }
0x2c: {  	s7 =	sld [smem:$0x3FAD]  }
0x2d: {  	s3 =	simm.s32 $0x108;
	s8 =	sld [smem:$0x3FAE]  }
0x2e: {  	s3 =	simm.s32 @!p0 $0x1082;
	s9 =	sld [smem:$0x3FAF]  }
0x2f: {  	lr =	sadd.s32 s0, s3;
	s0 =	sld [smem:$0x3FA6]  }
0x30: {  	s3 =	sld [smem:$0x3FA9]  }
0x31: {  	[smem:$0x3FB2] =	sst s10  }
0x32: {  	s10 =	sld [smem:$0x3FB0];
	_ =	sdelay $0x3  }
0x33: {  	p0 =	seq.s32 s10, $0x1;
	s10 =	sld [smem:$0x3FB2];
	_ =	sdelay $0x3  }
0x34: {  	[smem:$0x3FB2] =	sst s10  }
0x35: {  	s10 =	sld [smem:$0x3FB1];
	_ =	sdelay $0x3  }
0x36: {  	p1 =	seq.s32 s10, $0x1;
	s10 =	sld [smem:$0x3FB2];
	_ =	sdelay $0x3  }
0x37: {  	[smem:$0x3FB2] =	sst s10  }
0x38: {  	s10 =	sld [smem:$0x3FB3]  }
0x39: {  	_ = 	snop;
	(pc) =	sbr.ind lr, $3  }
0x3a: {  	_ = 	snop  }
0x3b: {  	_ = 	snop  }
0x3c: {  	p2 =	seq.s32 s10, $0x1;
	s10 =	sld [smem:$0x3FB2]  }
0x3d: {  	_ =	shalt  }
0x3e: {  	_ =	shalt  }
0x3f: {  	_ =	shalt  }
0x40: {  	_ =	shalt  }
0x41: {  	_ =	shalt  }
0x42: {  	_ =	shalt  }
0x43: {  	_ =	shalt  }
0x44: {  	_ =	shalt  }
0x45: {  	_ =	shalt  }
0x46: {  	_ =	shalt  }
0x47: {  	_ =	shalt  }
0x48: {  	_ =	shalt  }
0x49: {  	_ =	shalt  }
0x4a: {  	_ =	shalt  }
0x4b: {  	_ =	shalt  }
0x4c: {  	_ =	shalt  }
0x4d: {  	_ =	shalt  }
0x4e: {  	_ =	shalt  }
0x4f: {  	_ =	shalt  }
0x50: {  	_ =	shalt  }
0x51: {  	_ =	shalt  }
0x52: {  	_ =	shalt  }
0x53: {  	_ =	shalt  }
0x54: {  	_ =	shalt  }
0x55: {  	_ =	shalt  }
0x56: {  	_ =	shalt  }
0x57: {  	_ =	shalt  }
0x58: {  	_ =	shalt  }
0x59: {  	_ =	shalt  }
0x5a: {  	_ =	shalt  }
0x5b: {  	_ =	shalt  }
0x5c: {  	_ =	shalt  }
0x5d: {  	_ =	shalt  }
0x5e: {  	_ =	shalt  }
0x5f: {  	_ =	shalt  }
0x60: {  	_ =	shalt  }
0x61: {  	_ =	shalt  }
0x62: {  	_ =	shalt  }
0x63: {  	_ =	shalt  }
0x64: {  	_ =	shalt  }
0x65: {  	_ =	shalt  }
0x66: {  	_ =	shalt  }
0x67: {  	_ =	shalt  }
0x68: {  	_ =	shalt  }
0x69: {  	_ =	shalt  }
0x6a: {  	_ =	shalt  }
0x6b: {  	_ =	shalt  }
0x6c: {  	_ =	shalt  }
0x6d: {  	_ =	shalt  }
0x6e: {  	_ =	shalt  }
0x6f: {  	_ =	shalt  }
0x70: {  	_ =	shalt  }
0x71: {  	_ =	shalt  }
0x72: {  	_ =	shalt  }
0x73: {  	_ =	shalt  }
0x74: {  	_ =	shalt  }
0x75: {  	_ =	shalt  }
0x76: {  	_ =	shalt  }
0x77: {  	_ =	shalt  }
0x78: {  	_ =	shalt  }
0x79: {  	_ =	shalt  }
0x7a: {  	_ =	shalt  }
0x7b: {  	_ =	shalt  }
0x7c: {  	_ =	shalt  }
0x7d: {  	_ =	shalt  }
0x7e: {  	_ =	shalt  }
0x7f: {  	_ =	shalt  }
0x80: {  	_ =	shalt  }
0x81: {  	_ =	shalt  }
0x82: {  	_ =	shalt  }
0x83: {  	_ =	shalt  }
0x84: {  	_ =	shalt  }
0x85: {  	_ =	shalt  }
0x86: {  	_ =	shalt  }
0x87: {  	_ =	shalt  }
.Lfunc_end0:
.L_simem_size_0:
called_computation.2_lowered:
.L_overlay_start_0:
0x88: {  	s2 =	sld [smem:$0x3FD9]  }
0x89: {  	s3 =	sld [smem:$0x3FFE];
	_ =	sdelay $0x1  }
0x8a: {  	s1 =	srdreg.scid  }
0x8b: {  	s0 =	sand.u32 $0x1, s1  }
0x8c: {  	s16 =	sshll.u32 s0, $0xA;
	s2 =	sadd.s32 s3, s2  }
0x8d: {  	s2 =	sadd.s32 s2, s16  }
0x8e: {  	[smem:$0x3FBE] =	sst s2  }
0x8f: {  	_ = 	snop  }
0x90: {  	(tm) =	ssettm $0x1  }
0x91: {  	s17 =	sld [smem:$0x3FFB];
	_ =	sdelay $0x3  }
0x92: {  	_ =	strace s17  }
0x93: {  	s2 =	sld [smem:$0x3FFC];
	_ =	sdelay $0x3  }
0x94: {  	_ =	strace s2  }
0x95: {  	s2 =	sld [smem:$0x3FFD];
	_ =	sdelay $0x3  }
0x96: {  	_ =	strace s2  }
0x97: {  	_ =	strace $0x8FFFFFFF  }
0x98: {  	s18 =	sld [smem:$0x3FDB];
	_ =	sdelay $0x1  }
0x99: {  	s19 =	simm.s32 $_scs_section_size  }
0x9a: {  	s4 =	simm.s32 $_size__tile_overlayer_lowered;
	s5 =	simm.s32 $_tile_overlayer_lowered  }
0x9b: {  	s22 =	simm.s32 $0x1BFF;
	s21 =	sshll.u32 s5, $0x1;
	s2 =	sadd.s32 s19, s18  }
0x9c: {  	s6 =	simm.s32 $0x0;
	s20 =	sshll.u32 s4, $0x1;
	s4 =	sadd.s32 s21, s2  }
0x9d: {  	[timem:s6], [sflag:s22] =	dma.local [hbm:s4], s20  }
0x9e: {  	_ =	swait.ge [sflag:s22], s20  }
0x9f: {  	s3 =	ssub.s32 $0x0, s20;
	[sflag:s22] =	ssyncset.done $0x0  }
0xa0: {  	[sflag:s22] =	ssyncadd.s32 s3;
	_ =	sdelay $0x1  }
0xa1: {  	s23 =	simm.s32 $0x1B8B  }
0xa2: {  	_ =	swait.ge [sflag:s23], $0x1  }
0xa3: {  	[sflag:s23] =	ssyncset.done $0x0  }
0xa4: {  	s25 =	simm.s32 $0x1B8E;
	s24 =	sld [smem:$0x3FFE];
	[sflag:s23] =	ssyncadd.s32 $0xFFFFFFFF  }
0xa5: {  	s26 =	simm.s32 $execute0_lowered;
	[smem:$0x3FD2] =	sst s25  }
0xa6: {  	s4 =	sshll.u32 s26, $0x1;
	_ =	strace $0x8000004C;
	[dreg:$0x1] =	wrdreg $0xFFFFFFFF  }
0xa7: {  	s28 =	simm.s32 $_size_execute0_lowered;
	s2 =	sadd.s32 s2, s4;
	[dreg:$0x0] =	wrdreg $0x0  }
0xa8: {  	s4 =	sshll.u32 s28, $0x1;
	[dreg:$0x2] =	wrdreg s2  }
0xa9: {  	[dreg:$0x3] =	wrdreg s4  }
0xaa: {  	[dreg:$0x4] =	wrdreg $0xC0  }
0xab: {  	_ =	task [dreg:s6], $0x5FFFF  }
0xac: {  	[dreg:$0x1] =	wrdreg $0xFFFFFFFF  }
0xad: {  	[dreg:$0x0] =	wrdreg $0x60  }
0xae: {  	[dreg:$0x2] =	wrdreg s24  }
0xaf: {  	[dreg:$0x3] =	wrdreg $0xD0000  }
0xb0: {  	[dreg:$0x4] =	wrdreg $0x9  }
0xb1: {  	_ =	task.clear_ibuf [dreg:s6], $0x5FFFF;
	_ =	strace $0x9000004C  }
0xb2: {  	s29 =	simm.s32 $0x9;
	_ =	strace $0x8000004E  }
0xb3: {  	_ =	swait.ge [sflag:s29], $0x1  }
0xb4: {  	[sflag:s29] =	ssyncadd.s32 $0xFFFFFFFF  }
0xb5: {  	_ =	strace $0x9000004E  }
0xb6: {  	_ =	sfence  }
0xb7: {  	s30 =	sld [smem:$0x0];
	_ =	sdelay $0x2  }
0xb8: {  	s31 =	sshll.u32 s1, $0xD;
	s1 =	sshrl.u32 s1, $0x2  }
0xb9: {  	s3 =	sand.u32 $0x4000, s31;
	s1 =	sadd.s32 s1, s30  }
0xba: {  	s0 =	sor.u32 s3, s0;
	s1 =	sshll.u32 s1, $0x11  }
0xbb: {  	s0 =	sor.u32 s1, s0  }
0xbc: {  	s0 =	sadd.s32 $0x8F2B, s0  }
0xbd: {  	[sflag:s0] =	ssyncadd.remote.s32 $0x1  }
0xbe: {  	_ =	sfence.sel $0xFFFF  }
0xbf: {  	[dreg:$0x0] =	wrdreg $0xFFFFFFFF;
	(pc) =	sbr.abs _section_cstart, $3  }
0xc0: {  	[dreg:$0x1] =	wrdreg $0xFFFFFFFF  }
0xc1: {  	_ =	task.clear_ibuf [dreg:s6], $0x2FFFF;
	_ =	strace $0x9FFFFFFF  }
0xc2: {  	(tm) =	ssettm $0x7FFFFFFF  }
0xc3: {  	_ =	shalt  }
tec
execute0_lowered:
.L_overlay_start_1:
0x0: {  	(tag) =	ssettag $0x1  }
0x1: {  	s0 =	srdreg.scid;
	s1 =	rddreg [dreg:$0x0]  }
0x2: {  	s2 =	rddreg [dreg:$0x1];
	s3 =	stileid.u32  }
0x3: {  	s15 =	simm.s32 $0x0;
	s11 =	simm.s32 $0x49C00;
	s8 =	smul.u32 $0x14000, s3  }
0x4: {  	s0 =	sand.u32 $0x1, s0;
	[smem:$0x7FF] =	sst s15;
	s21 =	smul.u32 $0x5000, s3  }
0x5: {  	s4 =	sshll.u32 s0, $0x4;
	s6 =	ssub.s32 $0x2, s0;
	_ =	strace $0x8000004D  }
0x6: {  	p0 =	seq.s32 s0, $0x1;
	s4 =	sor.u32 s3, s4;
	s7 =	sshrl.u32 s6, $0x1  }
0x7: {  	s3 =	sadd.s32 $0x1000, s21;
	s16 =	sadd.s32 $0x2000, s21;
	s10 =	sadd.s32 $0x3000, s21  }
0x8: {  	s13 =	sadd.s32 $0x4000, s21;
	s11 =	simm.s32 @!p0 $0x53C00;
	s0 =	sadd.s32 s21, s2  }
0x9: {  	s5 =	smul.u32 $0x500, s4;
	s6 =	ssub.s32 s6, s7;
	s7 =	sshrl.u32 s21, $0x3  }
0xa: {  	s9 =	sshrl.u32 s16, $0x3;
	[dreg:$0xd] =	wrdreg s0;
	s18 =	sadd.s32 s3, s2  }
0xb: {  	s17 =	sadd.s32 s11, s1;
	s22 =	smax.u32 s6, $0x1;
	[dreg:$0xf] =	wrdreg s18  }
0xc: {  	s14 =	sshrl.u32 s13, $0x3;
	s21 =	sadd.s32 s17, s9;
	[dreg:$0x8] =	wrdreg s22  }
0xd: {  	s4 =	sadd.s32 $0x3FC00, s1;
	s0 =	sadd.s32 s17, s14;
	[dreg:$0x12] =	wrdreg s21  }
0xe: {  	s5 =	sadd.s32 s5, s1;
	s1 =	sadd.s32 s17, s7;
	[dreg:$0x16] =	wrdreg s0  }
0xf: {  	s22 =	sadd.s32 s10, s2;
	[dreg:$0xe] =	wrdreg s1  }
0x10: {  	s28 =	simm.s32 $0x2;
	s19 =	sadd.s32 $0xDC00, s5;
	[dreg:$0x13] =	wrdreg s22  }
0x11: {  	s20 =	sshrl.u32 s8, $0x2;
	s5 =	sadd.s32 $0x3600, s5;
	[dreg:$0x5] =	wrdreg s19  }
0x12: {  	s8 =	sshrl.u32 s3, $0x3;
	[dreg:$0x6] =	wrdreg s5;
	s5 =	sadd.s32 s20, s2  }
0x13: {  	s29 =	simm.s32 $0x80;
	s19 =	sadd.s32 s17, s8;
	[dreg:$0x7] =	wrdreg s5  }
0x14: {  	s30 =	simm.s32 $0x6000;
	s20 =	sadd.s32 s16, s2;
	[dreg:$0x10] =	wrdreg s19  }
0x15: {  	s31 =	simm.s32 $0xA000;
	s23 =	sadd.s32 $0x1000, s5;
	[dreg:$0x11] =	wrdreg s20  }
0x16: {  	s12 =	sshrl.u32 s10, $0x3;
	s24 =	sadd.s32 $0x2000, s5;
	[dreg:$0x9] =	wrdreg s23  }
0x17: {  	s6 =	simm.s32 $0x4;
	s25 =	sadd.s32 $0x3000, s5;
	[dreg:$0xa] =	wrdreg s24  }
0x18: {  	s9 =	simm.s32 $0x8;
	s26 =	sadd.s32 $0x4000, s5;
	[dreg:$0xb] =	wrdreg s25  }
0x19: {  	s0 =	simm.s32 $0x7000;
	[dreg:$0xc] =	wrdreg s26;
	s23 =	sadd.s32 s17, s12  }
0x1a: {  	s7 =	simm.s32 $0x0;
	s24 =	sadd.s32 s13, s2;
	[dreg:$0x14] =	wrdreg s23  }
0x1b: {  	s1 =	simm.s32 $0x3;
	s25 =	simm.s32 $0x9000;
	[dreg:$0x15] =	wrdreg s24  }
0x1c: {  	s8 =	simm.s32 $0x6;
	s26 =	simm.s32 $0xB000;
	[dreg:$0x3] =	wrdreg s25  }
0x1d: {  	s5 =	simm.s32 $0xC000;
	s24 =	simm.s32 $0x5000;
	[dreg:$0x4] =	wrdreg s26  }
0x1e: {  	v0 =	vimm.f32 $0.0e+00;
	s25 =	simm.s32 $0x11;
	s26 =	simm.s32 $0x1;
	s23 =	simm.s32 $0x8000  }
.LBB2_1:
0x1f: {  	[dreg:$0x17] =	wrdreg s7  }
0x20: {  	s3 =	rddreg [dreg:$0x5]  }
0x21: {  	s21 =	rddreg [dreg:$0x6]  }
0x22: {  	[tilespmem:s15], [sflag:$0x1] =	stream.linear.gather [hbm4b:s3+s15], $0x2800, $0x38;
	[tilespmem:$0x12000] =	vst v63  }
0x23: {  	s22 =	simm.s32 $0x2800;
	s7 =	simm.s32 $0x80;
	s10 =	simm.s32 $0x0  }
0x24: {  	[tilespmem:s22], [sflag:$0x2] =	stream.linear.gather [hbm4b:s21+s15], $0x2800, $0x38;
	[tilespmem:$0x12000] =	vst v63  }
.LBB2_2:
0x25: {  	p0 =	sne.s32 s7, $0x3F80;
	[tilespmem:s10+$0x5000] =	vst v0;
	s11 =	smov.u32 s7;
	s7 =	sadd.s32 $0x80, s7  }
.Ltmp0:
0x26: {  	[tilespmem:s10+$0x5010] =	vst v0;
	(pc) =	sbr.rel @p0 .LBB2_2-.Ltmp0, $2  }
0x27: {  	_ =	sdelay $0x2  }
0x28: {  	s10 =	sshra.s32 s11, $0x2  }
0x29: {  	[tilespmem:s10+$0x5000] =	vst v0  }
0x2a: {  	[tilespmem:s10+$0x5010] =	vst v0;
	s3 =	rddreg [dreg:$0x7]  }
0x2b: {  	[spmem:s3] =	stream.linear.scatter [tilespmem:s24], [sflag:$0x11], $0x1000, $0x38;
	[tilespmem:$0x12000] =	vst v63  }
0x2c: {  	_ =	swait.ge [sflag:s25], $0x1000  }
0x2d: {  	[sflag:s25] =	ssyncset.done $0x0  }
0x2e: {  	s20 =	rddreg [dreg:$0x9];
	[sflag:s25] =	ssyncadd.s32 $0xFFFFF000  }
0x2f: {  	[spmem:s20] =	stream.linear.scatter [tilespmem:s24], [sflag:$0x11], $0x1000, $0x38;
	[tilespmem:$0x12000] =	vst v63  }
0x30: {  	_ =	swait.ge [sflag:s25], $0x1000  }
0x31: {  	[sflag:s25] =	ssyncset.done $0x0  }
0x32: {  	s21 =	rddreg [dreg:$0xa];
	[sflag:s25] =	ssyncadd.s32 $0xFFFFF000  }
0x33: {  	[spmem:s21] =	stream.linear.scatter [tilespmem:s24], [sflag:$0x11], $0x1000, $0x38;
	[tilespmem:$0x12000] =	vst v63  }
0x34: {  	_ =	swait.ge [sflag:s25], $0x1000  }
0x35: {  	[sflag:s25] =	ssyncset.done $0x0  }
0x36: {  	s22 =	rddreg [dreg:$0xb];
	[sflag:s25] =	ssyncadd.s32 $0xFFFFF000  }
0x37: {  	[spmem:s22] =	stream.linear.scatter [tilespmem:s24], [sflag:$0x11], $0x1000, $0x38;
	[tilespmem:$0x12000] =	vst v63  }
0x38: {  	_ =	swait.ge [sflag:s25], $0x1000  }
0x39: {  	[sflag:s25] =	ssyncset.done $0x0  }
0x3a: {  	s7 =	rddreg [dreg:$0xc];
	[sflag:s25] =	ssyncadd.s32 $0xFFFFF000  }
0x3b: {  	[spmem:s7] =	stream.linear.scatter [tilespmem:s24], [sflag:$0x11], $0x1000, $0x38;
	[tilespmem:$0x12000] =	vst v63  }
0x3c: {  	_ =	swait.ge [sflag:s25], $0x1000  }
0x3d: {  	[sflag:s25] =	ssyncset.done $0x0  }
0x3e: {  	[sflag:s25] =	ssyncadd.s32 $0xFFFFF000  }
0x3f: {  	_ =	swait.ge [sflag:s26], $0x2800  }
0x40: {  	[sflag:s26] =	ssyncset.done $0x0  }
0x41: {  	[sflag:s26] =	ssyncadd.s32 $0xFFFFD800  }
0x42: {  	_ =	swait.ge [sflag:s28], $0x2800  }
0x43: {  	[sflag:s28] =	ssyncset.done $0x0  }
0x44: {  	[sflag:s28] =	ssyncadd.s32 $0xFFFFD800  }
0x45: {  	s7 =	simm.s32 $0x0;
	[bflag:$0x0] =	sbarrier.arrive $0xFFFF  }
0x46: {  	[tilespmem:s24], [sflag:$0x1] =	stream.indirect.gather [hbm4b:s4+s29], $0x20, s7, s29, $0xb8;
	[tilespmem:$0x12000] =	vst v63  }
0x47: {  	_ = 	snop  }
0x48: {  	[tilespmem:s30], [sflag:$0x2] =	stream.indirect.gather [hbm4b:s4+s29], $0x20, s29, s29, $0xb8;
	[tilespmem:$0x12000] =	vst v63  }
0x49: {  	s10 =	simm.s32 $0x100;
	p0 =	por $0x1, $0x1  }
0x4a: {  	[tilespmem:s0], [sflag:$0x3] =	stream.indirect.gather [hbm4b:s4+s29], $0x20, s10, s29, $0xb8;
	[tilespmem:$0x12000] =	vst v63  }
0x4b: {  	s11 =	simm.s32 $0x180;
	s7 =	simm.s32 @!p0 $0xD  }
0x4c: {  	[tilespmem:s23], [sflag:$0x4] =	stream.indirect.gather [hbm4b:s4+s29], $0x20, s11, s29, $0xb8;
	[tilespmem:$0x12000] =	vst v63  }
0x4d: {  	_ =	swait.ge @!p0 [sflag:s7], $0x1000  }
0x4e: {  	[sflag:s7] =	ssyncset.done @!p0 $0x0  }
0x4f: {  	s13 =	simm.s32 $0x200;
	s12 =	rddreg [dreg:$0x3];
	[sflag:s7] =	ssyncadd.s32 @!p0 $0xFFFFF000  }
0x50: {  	[tilespmem:s12], [sflag:$0x5] =	stream.indirect.gather [hbm4b:s4+s29], $0x20, s13, s29, $0xb8;
	[tilespmem:$0x12000] =	vst v63  }
0x51: {  	_ =	swait.ge [sflag:s26], $0x1000  }
0x52: {  	[sflag:s26] =	ssyncset.done $0x0  }
0x53: {  	s14 =	simm.s32 $0x2800;
	s10 =	simm.s32 @!p0 $0xE;
	[sflag:s26] =	ssyncadd.s32 $0xFFFFF000  }
0x54: {  	[spmem:s2] =	stream.indirect.scatter.add.f32 [tilespmem:s24], [sflag:$0x9], $0x20, s14, s29, $0xb8;
	[tilespmem:$0x12000] =	vst v63  }
0x55: {  	_ =	swait.ge @!p0 [sflag:s10], $0x1000  }
0x56: {  	[sflag:s10] =	ssyncset.done @!p0 $0x0  }
0x57: {  	s15 =	simm.s32 $0x280;
	[sflag:s10] =	ssyncadd.s32 @!p0 $0xFFFFF000  }
0x58: {  	[tilespmem:s31], [sflag:$0x6] =	stream.indirect.gather [hbm4b:s4+s29], $0x20, s15, s29, $0xb8;
	[tilespmem:$0x12000] =	vst v63  }
0x59: {  	_ =	swait.ge [sflag:s28], $0x1000  }
0x5a: {  	[sflag:s28] =	ssyncset.done $0x0  }
0x5b: {  	s16 =	simm.s32 $0x2880;
	s10 =	simm.s32 @!p0 $0xF;
	[sflag:s28] =	ssyncadd.s32 $0xFFFFF000  }
0x5c: {  	[spmem:s2] =	stream.indirect.scatter.add.f32 [tilespmem:s30], [sflag:$0xA], $0x20, s16, s29, $0xb8;
	[tilespmem:$0x12000] =	vst v63  }
0x5d: {  	_ =	swait.ge @!p0 [sflag:s10], $0x1000  }
0x5e: {  	[sflag:s10] =	ssyncset.done @!p0 $0x0  }
0x5f: {  	s18 =	simm.s32 $0x300;
	s17 =	rddreg [dreg:$0x4];
	[sflag:s10] =	ssyncadd.s32 @!p0 $0xFFFFF000  }
0x60: {  	[tilespmem:s17], [sflag:$0x7] =	stream.indirect.gather [hbm4b:s4+s29], $0x20, s18, s29, $0xb8;
	[tilespmem:$0x12000] =	vst v63  }
0x61: {  	_ =	swait.ge [sflag:s1], $0x1000  }
0x62: {  	[sflag:s1] =	ssyncset.done $0x0  }
0x63: {  	s19 =	simm.s32 $0x2900;
	s10 =	simm.s32 @!p0 $0x10;
	[sflag:s1] =	ssyncadd.s32 $0xFFFFF000  }
0x64: {  	[spmem:s2] =	stream.indirect.scatter.add.f32 [tilespmem:s0], [sflag:$0xB], $0x20, s19, s29, $0xb8;
	[tilespmem:$0x12000] =	vst v63  }
0x65: {  	_ =	swait.ge @!p0 [sflag:s10], $0x1000  }
0x66: {  	[sflag:s10] =	ssyncset.done @!p0 $0x0  }
0x67: {  	s20 =	simm.s32 $0x380;
	[sflag:s10] =	ssyncadd.s32 @!p0 $0xFFFFF000  }
0x68: {  	[tilespmem:s5], [sflag:$0x8] =	stream.indirect.gather [hbm4b:s4+s29], $0x20, s20, s29, $0xb8;
	[tilespmem:$0x12000] =	vst v63  }
0x69: {  	_ =	swait.ge [sflag:s6], $0x1000  }
0x6a: {  	p0 =	por $0x0, $0x0;
	[sflag:s6] =	ssyncset.done $0x0  }
0x6b: {  	s21 =	simm.s32 $0x2980;
	s10 =	simm.s32 @p0 $0x5;
	[sflag:s6] =	ssyncadd.s32 $0xFFFFF000  }
0x6c: {  	[spmem:s2] =	stream.indirect.scatter.add.f32 [tilespmem:s23], [sflag:$0xC], $0x20, s21, s29, $0xb8;
	[tilespmem:$0x12000] =	vst v63  }
0x6d: {  	_ =	swait.ge @p0 [sflag:s10], $0x1000  }
0x6e: {  	s7 =	simm.s32 @p0 $0x2A00;
	s11 =	simm.s32 @p0 $0x80;
	[sflag:s10] =	ssyncset.done @p0 $0x0  }
0x6f: {  	s12 =	simm.s32 @p0 $0x9000;
	[sflag:s10] =	ssyncadd.s32 @p0 $0xFFFFF000;
	s10 =	simm.s32 @!p0 $0x9  }
0x70: {  	[spmem:s2] =	stream.indirect.scatter.add.f32 @p0 [tilespmem:s12], [sflag:$0xD], $0x20, s7, s11, $0xb8;
	[tilespmem:$0x12000] =	vst v63  }
0x71: {  	_ =	swait.ge @!p0 [sflag:s10], $0x1000  }
0x72: {  	s7 =	simm.s32 @!p0 $0x400;
	[sflag:s10] =	ssyncset.done @!p0 $0x0  }
0x73: {  	s12 =	simm.s32 @!p0 $0x80;
	[sflag:s10] =	ssyncadd.s32 @!p0 $0xFFFFF000;
	s10 =	simm.s32 @!p0 $0x5000  }
0x74: {  	[tilespmem:s10], [sflag:$0x1] =	stream.indirect.gather @!p0 [hbm4b:s4+s12], $0x20, s7, s12, $0xb8;
	[tilespmem:$0x12000] =	vst v63  }
0x75: {  	s7 =	simm.s32 @!p0 $0x5  }
0x76: {  	_ =	swait.ge @!p0 [sflag:s7], $0x1000  }
0x77: {  	[sflag:s7] =	ssyncset.done @!p0 $0x0  }
0x78: {  	s10 =	simm.s32 @!p0 $0x2A00;
	[sflag:s7] =	ssyncadd.s32 @!p0 $0xFFFFF000;
	s7 =	simm.s32 @!p0 $0x9000  }
0x79: {  	[spmem:s2] =	stream.indirect.scatter.add.f32 @!p0 [tilespmem:s7], [sflag:$0xD], $0x20, s10, s12, $0xb8;
	[tilespmem:$0x12000] =	vst v63  }
0x7a: {  	s7 =	simm.s32 @!p0 $0xA  }
0x7b: {  	_ =	swait.ge @!p0 [sflag:s7], $0x1000  }
0x7c: {  	[sflag:s7] =	ssyncset.done @!p0 $0x0  }
0x7d: {  	s10 =	simm.s32 @!p0 $0x480;
	[sflag:s7] =	ssyncadd.s32 @!p0 $0xFFFFF000;
	s7 =	simm.s32 @!p0 $0x6000  }
0x7e: {  	[tilespmem:s7], [sflag:$0x2] =	stream.indirect.gather @!p0 [hbm4b:s4+s12], $0x20, s10, s12, $0xb8;
	[tilespmem:$0x12000] =	vst v63  }
0x7f: {  	_ =	swait.ge [sflag:s8], $0x1000  }
0x80: {  	[sflag:s8] =	ssyncset.done $0x0  }
0x81: {  	s22 =	simm.s32 $0x2A80;
	s10 =	simm.s32 @p0 $0x7;
	[sflag:s8] =	ssyncadd.s32 $0xFFFFF000  }
0x82: {  	[spmem:s2] =	stream.indirect.scatter.add.f32 [tilespmem:s31], [sflag:$0xE], $0x20, s22, s29, $0xb8;
	[tilespmem:$0x12000] =	vst v63  }
0x83: {  	_ =	swait.ge @p0 [sflag:s10], $0x1000  }
0x84: {  	[sflag:s10] =	ssyncset.done @p0 $0x0  }
0x85: {  	s7 =	simm.s32 @p0 $0x2B00;
	[sflag:s10] =	ssyncadd.s32 @p0 $0xFFFFF000;
	s10 =	simm.s32 @p0 $0xB000  }
0x86: {  	[spmem:s2] =	stream.indirect.scatter.add.f32 @p0 [tilespmem:s10], [sflag:$0xF], $0x20, s7, s11, $0xb8;
	[tilespmem:$0x12000] =	vst v63  }
0x87: {  	s7 =	simm.s32 @!p0 $0xB  }
0x88: {  	_ =	swait.ge @!p0 [sflag:s7], $0x1000  }
0x89: {  	[sflag:s7] =	ssyncset.done @!p0 $0x0  }
0x8a: {  	s10 =	simm.s32 @!p0 $0x500;
	[sflag:s7] =	ssyncadd.s32 @!p0 $0xFFFFF000;
	s7 =	simm.s32 @!p0 $0x7000  }
0x8b: {  	[tilespmem:s7], [sflag:$0x3] =	stream.indirect.gather @!p0 [hbm4b:s4+s12], $0x20, s10, s12, $0xb8;
	[tilespmem:$0x12000] =	vst v63  }
0x8c: {  	s7 =	simm.s32 @!p0 $0x7  }
0x8d: {  	_ =	swait.ge @!p0 [sflag:s7], $0x1000  }
0x8e: {  	[sflag:s7] =	ssyncset.done @!p0 $0x0  }
0x8f: {  	s10 =	simm.s32 @!p0 $0x2B00;
	[sflag:s7] =	ssyncadd.s32 @!p0 $0xFFFFF000;
	s7 =	simm.s32 @!p0 $0xB000  }
0x90: {  	[spmem:s2] =	stream.indirect.scatter.add.f32 @!p0 [tilespmem:s7], [sflag:$0xF], $0x20, s10, s12, $0xb8;
	[tilespmem:$0x12000] =	vst v63  }
0x91: {  	s7 =	simm.s32 @!p0 $0xC  }
0x92: {  	_ =	swait.ge @!p0 [sflag:s7], $0x1000  }
0x93: {  	p1 =	por $0x0, $0x0;
	s19 =	simm.s32 $0x1000;
	[sflag:s7] =	ssyncset.done @!p0 $0x0  }
0x94: {  	s10 =	simm.s32 @!p0 $0x580;
	[sflag:s7] =	ssyncadd.s32 @!p0 $0xFFFFF000;
	s7 =	simm.s32 @!p0 $0x8000  }
0x95: {  	[tilespmem:s7], [sflag:$0x4] =	stream.indirect.gather @!p0 [hbm4b:s4+s12], $0x20, s10, s12, $0xb8;
	[tilespmem:$0x12000] =	vst v63  }
0x96: {  	s20 =	simm.s32 $0x2000;
	s21 =	simm.s32 $0x2B80;
	_ =	swait.ge [sflag:s9], $0x1000  }
.LBB2_4:
0x97: {  	[sflag:s9] =	ssyncset.done $0x0  }
0x98: {  	s10 =	simm.s32 @!p1 $0xD;
	[sflag:s9] =	ssyncadd.s32 $0xFFFFF000  }
0x99: {  	[spmem:s2] =	stream.indirect.scatter.add.f32 [tilespmem:s5], [sflag:$0x10], $0x20, s21, s29, $0xb8;
	[tilespmem:$0x12000] =	vst v63  }
0x9a: {  	_ =	swait.ge @!p1 [sflag:s10], $0x1000  }
0x9b: {  	s22 =	sshra.s32 s19, $0x2;
	[sflag:s10] =	ssyncset.done @!p1 $0x0  }
0x9c: {  	s18 =	sadd.s32 $0x200, s22;
	s11 =	rddreg [dreg:$0x3];
	[sflag:s10] =	ssyncadd.s32 @!p1 $0xFFFFF000  }
0x9d: {  	[tilespmem:s11], [sflag:$0x5] =	stream.indirect.gather [hbm4b:s4+s29], $0x20, s18, s29, $0xb8;
	[tilespmem:$0x12000] =	vst v63  }
0x9e: {  	_ =	swait.ge [sflag:s26], $0x1000  }
0x9f: {  	[sflag:s26] =	ssyncset.done $0x0  }
0xa0: {  	s3 =	sadd.s32 $0x2800, s22;
	s11 =	simm.s32 @!p1 $0xE;
	[sflag:s26] =	ssyncadd.s32 $0xFFFFF000  }
0xa1: {  	[spmem:s2] =	stream.indirect.scatter.add.f32 [tilespmem:s24], [sflag:$0x9], $0x20, s3, s29, $0xb8;
	[tilespmem:$0x12000] =	vst v63  }
0xa2: {  	_ =	swait.ge @!p1 [sflag:s11], $0x1000  }
0xa3: {  	[sflag:s11] =	ssyncset.done @!p1 $0x0  }
0xa4: {  	s12 =	sadd.s32 $0x280, s22;
	[sflag:s11] =	ssyncadd.s32 @!p1 $0xFFFFF000  }
0xa5: {  	[tilespmem:s31], [sflag:$0x6] =	stream.indirect.gather [hbm4b:s4+s29], $0x20, s12, s29, $0xb8;
	[tilespmem:$0x12000] =	vst v63  }
0xa6: {  	_ =	swait.ge [sflag:s28], $0x1000  }
0xa7: {  	[sflag:s28] =	ssyncset.done $0x0  }
0xa8: {  	s13 =	sadd.s32 $0x2880, s22;
	s11 =	simm.s32 @!p1 $0xF;
	[sflag:s28] =	ssyncadd.s32 $0xFFFFF000  }
0xa9: {  	[spmem:s2] =	stream.indirect.scatter.add.f32 [tilespmem:s30], [sflag:$0xA], $0x20, s13, s29, $0xb8;
	[tilespmem:$0x12000] =	vst v63  }
0xaa: {  	_ =	swait.ge @!p1 [sflag:s11], $0x1000  }
0xab: {  	[sflag:s11] =	ssyncset.done @!p1 $0x0  }
0xac: {  	s15 =	sadd.s32 $0x300, s22;
	s14 =	rddreg [dreg:$0x4];
	[sflag:s11] =	ssyncadd.s32 @!p1 $0xFFFFF000  }
0xad: {  	[tilespmem:s14], [sflag:$0x7] =	stream.indirect.gather [hbm4b:s4+s29], $0x20, s15, s29, $0xb8;
	[tilespmem:$0x12000] =	vst v63  }
0xae: {  	_ =	swait.ge [sflag:s1], $0x1000  }
0xaf: {  	[sflag:s1] =	ssyncset.done $0x0  }
0xb0: {  	s16 =	sadd.s32 $0x2900, s22;
	s11 =	simm.s32 @!p1 $0x10;
	[sflag:s1] =	ssyncadd.s32 $0xFFFFF000  }
0xb1: {  	[spmem:s2] =	stream.indirect.scatter.add.f32 [tilespmem:s0], [sflag:$0xB], $0x20, s16, s29, $0xb8;
	[tilespmem:$0x12000] =	vst v63  }
0xb2: {  	_ =	swait.ge @!p1 [sflag:s11], $0x1000  }
0xb3: {  	[sflag:s11] =	ssyncset.done @!p1 $0x0  }
0xb4: {  	s17 =	sadd.s32 $0x380, s22;
	[sflag:s11] =	ssyncadd.s32 @!p1 $0xFFFFF000  }
0xb5: {  	[tilespmem:s5], [sflag:$0x8] =	stream.indirect.gather [hbm4b:s4+s29], $0x20, s17, s29, $0xb8;
	[tilespmem:$0x12000] =	vst v63  }
0xb6: {  	_ =	swait.ge [sflag:s6], $0x1000  }
0xb7: {  	p1 =	seq.s32 s19, $0x9000;
	[sflag:s6] =	ssyncset.done $0x0  }
0xb8: {  	s18 =	sadd.s32 $0x2980, s22;
	s12 =	simm.s32 @p1 $0x5;
	[sflag:s6] =	ssyncadd.s32 $0xFFFFF000  }
0xb9: {  	[spmem:s2] =	stream.indirect.scatter.add.f32 [tilespmem:s23], [sflag:$0xC], $0x20, s18, s29, $0xb8;
	[tilespmem:$0x12000] =	vst v63  }
0xba: {  	s13 =	sshra.s32 @p1 s19, $0x2;
	_ =	swait.ge @p1 [sflag:s12], $0x1000  }
0xbb: {  	s11 =	simm.s32 @p1 $0x80;
	s14 =	simm.s32 @p1 $0x9000;
	[sflag:s12] =	ssyncset.done @p1 $0x0  }
0xbc: {  	s10 =	sadd.s32 @p1 $0x2A00, s13;
	[sflag:s12] =	ssyncadd.s32 @p1 $0xFFFFF000;
	s12 =	simm.s32 @!p1 $0x9  }
0xbd: {  	[spmem:s2] =	stream.indirect.scatter.add.f32 @p1 [tilespmem:s14], [sflag:$0xD], $0x20, s10, s11, $0xb8;
	[tilespmem:$0x12000] =	vst v63  }
0xbe: {  	s19 =	sshra.s32 @!p1 s19, $0x2;
	_ =	swait.ge @!p1 [sflag:s12], $0x1000  }
0xbf: {  	s17 =	simm.s32 @!p1 $0x5000;
	s3 =	simm.s32 @!p1 $0x5;
	[sflag:s12] =	ssyncset.done @!p1 $0x0  }
0xc0: {  	s15 =	sadd.s32 @!p1 $0x400, s19;
	s10 =	simm.s32 @!p1 $0x80;
	[sflag:s12] =	ssyncadd.s32 @!p1 $0xFFFFF000  }
0xc1: {  	[tilespmem:s17], [sflag:$0x1] =	stream.indirect.gather @!p1 [hbm4b:s4+s10], $0x20, s15, s10, $0xb8;
	[tilespmem:$0x12000] =	vst v63  }
0xc2: {  	_ =	swait.ge @!p1 [sflag:s3], $0x1000  }
0xc3: {  	s7 =	smov.u32 s20;
	s18 =	simm.s32 @!p1 $0x9000;
	[sflag:s3] =	ssyncset.done @!p1 $0x0  }
0xc4: {  	s14 =	sadd.s32 @!p1 $0x2A00, s19;
	[sflag:s3] =	ssyncadd.s32 @!p1 $0xFFFFF000;
	s3 =	simm.s32 @!p1 $0xA  }
0xc5: {  	[spmem:s2] =	stream.indirect.scatter.add.f32 @!p1 [tilespmem:s18], [sflag:$0xD], $0x20, s14, s10, $0xb8;
	[tilespmem:$0x12000] =	vst v63  }
0xc6: {  	s16 =	sadd.s32 @!p1 $0x480, s19;
	s12 =	sadd.s32 @!p1 $0x580, s19;
	_ =	swait.ge @!p1 [sflag:s3], $0x1000  }
0xc7: {  	s15 =	sadd.s32 @!p1 $0x500, s19;
	s17 =	sadd.s32 @!p1 $0x2B00, s19;
	[sflag:s3] =	ssyncset.done @!p1 $0x0  }
0xc8: {  	s19 =	smov.u32 s7;
	s7 =	simm.s32 @!p1 $0x6000;
	[sflag:s3] =	ssyncadd.s32 @!p1 $0xFFFFF000  }
0xc9: {  	[tilespmem:s7], [sflag:$0x2] =	stream.indirect.gather @!p1 [hbm4b:s4+s10], $0x20, s16, s10, $0xb8;
	[tilespmem:$0x12000] =	vst v63  }
0xca: {  	_ =	swait.ge [sflag:s8], $0x1000  }
0xcb: {  	s21 =	sadd.s32 $0x2B80, s22;
	[sflag:s8] =	ssyncset.done $0x0  }
0xcc: {  	s22 =	sadd.s32 $0x2A80, s22;
	s7 =	simm.s32 @p1 $0x7;
	[sflag:s8] =	ssyncadd.s32 $0xFFFFF000  }
0xcd: {  	[spmem:s2] =	stream.indirect.scatter.add.f32 [tilespmem:s31], [sflag:$0xE], $0x20, s22, s29, $0xb8;
	[tilespmem:$0x12000] =	vst v63  }
0xce: {  	_ =	swait.ge @p1 [sflag:s7], $0x1000  }
0xcf: {  	s13 =	sadd.s32 @p1 $0x2B00, s13;
	[sflag:s7] =	ssyncset.done @p1 $0x0  }
0xd0: {  	s3 =	simm.s32 @p1 $0xB000;
	[sflag:s7] =	ssyncadd.s32 @p1 $0xFFFFF000;
	s7 =	simm.s32 @!p1 $0xB  }
0xd1: {  	[spmem:s2] =	stream.indirect.scatter.add.f32 @p1 [tilespmem:s3], [sflag:$0xF], $0x20, s13, s11, $0xb8;
	[tilespmem:$0x12000] =	vst v63  }
0xd2: {  	_ =	swait.ge @!p1 [sflag:s7], $0x1000  }
0xd3: {  	[sflag:s7] =	ssyncset.done @!p1 $0x0  }
0xd4: {  	s3 =	simm.s32 @!p1 $0x7000;
	[sflag:s7] =	ssyncadd.s32 @!p1 $0xFFFFF000;
	s7 =	simm.s32 @!p1 $0x7  }
0xd5: {  	[tilespmem:s3], [sflag:$0x3] =	stream.indirect.gather @!p1 [hbm4b:s4+s10], $0x20, s15, s10, $0xb8;
	[tilespmem:$0x12000] =	vst v63  }
0xd6: {  	s20 =	sadd.s32 $0x1000, s20;
	_ =	swait.ge @!p1 [sflag:s7], $0x1000  }
0xd7: {  	p0 =	sne.s32 s20, $0xA000;
	[sflag:s7] =	ssyncset.done @!p1 $0x0  }
0xd8: {  	s3 =	simm.s32 @!p1 $0xB000;
	[sflag:s7] =	ssyncadd.s32 @!p1 $0xFFFFF000;
	s7 =	simm.s32 @!p1 $0xC  }
0xd9: {  	[spmem:s2] =	stream.indirect.scatter.add.f32 @!p1 [tilespmem:s3], [sflag:$0xF], $0x20, s17, s10, $0xb8;
	[tilespmem:$0x12000] =	vst v63  }
.Ltmp1:
0xda: {  	_ =	swait.ge @!p1 [sflag:s7], $0x1000;
	(pc) =	sbr.rel @p0 .LBB2_4-.Ltmp1, $4  }
0xdb: {  	[sflag:s7] =	ssyncset.done @!p1 $0x0  }
0xdc: {  	s3 =	simm.s32 @!p1 $0x8000;
	[sflag:s7] =	ssyncadd.s32 @!p1 $0xFFFFF000  }
0xdd: {  	[tilespmem:s3], [sflag:$0x4] =	stream.indirect.gather @!p1 [hbm4b:s4+s10], $0x20, s12, s10, $0xb8;
	[tilespmem:$0x12000] =	vst v63  }
0xde: {  	p1 =	seq.s32 s19, $0x0;
	_ =	swait.ge [sflag:s9], $0x1000  }
0xdf: {  	[sflag:s9] =	ssyncset.done $0x0  }
0xe0: {  	s3 =	simm.s32 @!p1 $0xD;
	[sflag:s9] =	ssyncadd.s32 $0xFFFFF000  }
0xe1: {  	[spmem:s2] =	stream.indirect.scatter.add.f32 [tilespmem:s5], [sflag:$0x10], $0x20, s21, s29, $0xb8;
	[tilespmem:$0x12000] =	vst v63  }
0xe2: {  	_ =	swait.ge @!p1 [sflag:s3], $0x1000  }
0xe3: {  	s7 =	sshra.s32 s19, $0x2;
	[sflag:s3] =	ssyncset.done @!p1 $0x0  }
0xe4: {  	s15 =	sadd.s32 $0x200, s7;
	s10 =	rddreg [dreg:$0x3];
	[sflag:s3] =	ssyncadd.s32 @!p1 $0xFFFFF000  }
0xe5: {  	[tilespmem:s10], [sflag:$0x5] =	stream.indirect.gather [hbm4b:s4+s29], $0x20, s15, s29, $0xb8;
	[tilespmem:$0x12000] =	vst v63  }
0xe6: {  	_ =	swait.ge [sflag:s26], $0x1000  }
0xe7: {  	[sflag:s26] =	ssyncset.done $0x0  }
0xe8: {  	s16 =	sadd.s32 $0x2800, s7;
	s10 =	simm.s32 @!p1 $0xE;
	[sflag:s26] =	ssyncadd.s32 $0xFFFFF000  }
0xe9: {  	[spmem:s2] =	stream.indirect.scatter.add.f32 [tilespmem:s24], [sflag:$0x9], $0x20, s16, s29, $0xb8;
	[tilespmem:$0x12000] =	vst v63  }
0xea: {  	_ =	swait.ge @!p1 [sflag:s10], $0x1000  }
0xeb: {  	[sflag:s10] =	ssyncset.done @!p1 $0x0  }
0xec: {  	s17 =	sadd.s32 $0x280, s7;
	[sflag:s10] =	ssyncadd.s32 @!p1 $0xFFFFF000  }
0xed: {  	[tilespmem:s31], [sflag:$0x6] =	stream.indirect.gather [hbm4b:s4+s29], $0x20, s17, s29, $0xb8;
	[tilespmem:$0x12000] =	vst v63  }
0xee: {  	_ =	swait.ge [sflag:s28], $0x1000  }
0xef: {  	[sflag:s28] =	ssyncset.done $0x0  }
0xf0: {  	s18 =	sadd.s32 $0x2880, s7;
	s10 =	simm.s32 @!p1 $0xF;
	[sflag:s28] =	ssyncadd.s32 $0xFFFFF000  }
0xf1: {  	[spmem:s2] =	stream.indirect.scatter.add.f32 [tilespmem:s30], [sflag:$0xA], $0x20, s18, s29, $0xb8;
	[tilespmem:$0x12000] =	vst v63  }
0xf2: {  	_ =	swait.ge @!p1 [sflag:s10], $0x1000  }
0xf3: {  	[sflag:s10] =	ssyncset.done @!p1 $0x0  }
0xf4: {  	s21 =	sadd.s32 $0x300, s7;
	s20 =	rddreg [dreg:$0x4];
	[sflag:s10] =	ssyncadd.s32 @!p1 $0xFFFFF000  }
0xf5: {  	[tilespmem:s20], [sflag:$0x7] =	stream.indirect.gather [hbm4b:s4+s29], $0x20, s21, s29, $0xb8;
	[tilespmem:$0x12000] =	vst v63  }
0xf6: {  	_ =	swait.ge [sflag:s1], $0x1000  }
0xf7: {  	[sflag:s1] =	ssyncset.done $0x0  }
0xf8: {  	s22 =	sadd.s32 $0x2900, s7;
	s10 =	simm.s32 @!p1 $0x10;
	[sflag:s1] =	ssyncadd.s32 $0xFFFFF000  }
0xf9: {  	[spmem:s2] =	stream.indirect.scatter.add.f32 [tilespmem:s0], [sflag:$0xB], $0x20, s22, s29, $0xb8;
	[tilespmem:$0x12000] =	vst v63  }
0xfa: {  	_ =	swait.ge @!p1 [sflag:s10], $0x1000  }
0xfb: {  	[sflag:s10] =	ssyncset.done @!p1 $0x0  }
0xfc: {  	s11 =	sadd.s32 $0x380, s7;
	[sflag:s10] =	ssyncadd.s32 @!p1 $0xFFFFF000  }
0xfd: {  	[tilespmem:s5], [sflag:$0x8] =	stream.indirect.gather [hbm4b:s4+s29], $0x20, s11, s29, $0xb8;
	[tilespmem:$0x12000] =	vst v63  }
0xfe: {  	_ =	swait.ge [sflag:s6], $0x1000  }
0xff: {  	p0 =	seq.s32 s19, $0x9000;
	[sflag:s6] =	ssyncset.done $0x0  }
0x100: {  	s12 =	sadd.s32 $0x2980, s7;
	s10 =	simm.s32 @p0 $0x5;
	[sflag:s6] =	ssyncadd.s32 $0xFFFFF000  }
0x101: {  	[spmem:s2] =	stream.indirect.scatter.add.f32 [tilespmem:s23], [sflag:$0xC], $0x20, s12, s29, $0xb8;
	[tilespmem:$0x12000] =	vst v63  }
0x102: {  	s3 =	sshra.s32 @p0 s19, $0x2;
	_ =	swait.ge @p0 [sflag:s10], $0x1000  }
0x103: {  	s13 =	simm.s32 @p0 $0x9000;
	s11 =	sadd.s32 @p0 $0x2A00, s3;
	[sflag:s10] =	ssyncset.done @p0 $0x0  }
0x104: {  	s12 =	simm.s32 @p0 $0x80;
	[sflag:s10] =	ssyncadd.s32 @p0 $0xFFFFF000;
	s10 =	simm.s32 @!p0 $0x9  }
0x105: {  	[spmem:s2] =	stream.indirect.scatter.add.f32 @p0 [tilespmem:s13], [sflag:$0xD], $0x20, s11, s12, $0xb8;
	[tilespmem:$0x12000] =	vst v63  }
0x106: {  	_ =	swait.ge @!p0 [sflag:s10], $0x1000  }
0x107: {  	s14 =	simm.s32 @!p0 $0x80;
	s11 =	sshra.s32 @!p0 s19, $0x2;
	[sflag:s10] =	ssyncset.done @!p0 $0x0  }
0x108: {  	s13 =	sadd.s32 @!p0 $0x400, s11;
	[sflag:s10] =	ssyncadd.s32 @!p0 $0xFFFFF000;
	s10 =	simm.s32 @!p0 $0x5000  }
0x109: {  	[tilespmem:s10], [sflag:$0x1] =	stream.indirect.gather @!p0 [hbm4b:s4+s14], $0x20, s13, s14, $0xb8;
	[tilespmem:$0x12000] =	vst v63  }
0x10a: {  	s10 =	simm.s32 @!p0 $0x5  }
0x10b: {  	_ =	swait.ge @!p0 [sflag:s10], $0x1000  }
0x10c: {  	[sflag:s10] =	ssyncset.done @!p0 $0x0  }
0x10d: {  	s13 =	sadd.s32 @!p0 $0x2A00, s11;
	[sflag:s10] =	ssyncadd.s32 @!p0 $0xFFFFF000;
	s10 =	simm.s32 @!p0 $0x9000  }
0x10e: {  	[spmem:s2] =	stream.indirect.scatter.add.f32 @!p0 [tilespmem:s10], [sflag:$0xD], $0x20, s13, s14, $0xb8;
	[tilespmem:$0x12000] =	vst v63  }
0x10f: {  	s10 =	simm.s32 @!p0 $0xA  }
0x110: {  	_ =	swait.ge @!p0 [sflag:s10], $0x1000  }
0x111: {  	[sflag:s10] =	ssyncset.done @!p0 $0x0  }
0x112: {  	s13 =	sadd.s32 @!p0 $0x480, s11;
	[sflag:s10] =	ssyncadd.s32 @!p0 $0xFFFFF000;
	s10 =	simm.s32 @!p0 $0x6000  }
0x113: {  	[tilespmem:s10], [sflag:$0x2] =	stream.indirect.gather @!p0 [hbm4b:s4+s14], $0x20, s13, s14, $0xb8;
	[tilespmem:$0x12000] =	vst v63  }
0x114: {  	_ =	swait.ge [sflag:s8], $0x1000  }
0x115: {  	[sflag:s8] =	ssyncset.done $0x0  }
0x116: {  	s13 =	sadd.s32 $0x2A80, s7;
	s10 =	simm.s32 @p0 $0x7;
	[sflag:s8] =	ssyncadd.s32 $0xFFFFF000  }
0x117: {  	[spmem:s2] =	stream.indirect.scatter.add.f32 [tilespmem:s31], [sflag:$0xE], $0x20, s13, s29, $0xb8;
	[tilespmem:$0x12000] =	vst v63  }
0x118: {  	_ =	swait.ge @p0 [sflag:s10], $0x1000  }
0x119: {  	[sflag:s10] =	ssyncset.done @p0 $0x0  }
0x11a: {  	s3 =	sadd.s32 @p0 $0x2B00, s3;
	[sflag:s10] =	ssyncadd.s32 @p0 $0xFFFFF000;
	s10 =	simm.s32 @p0 $0xB000  }
0x11b: {  	[spmem:s2] =	stream.indirect.scatter.add.f32 @p0 [tilespmem:s10], [sflag:$0xF], $0x20, s3, s12, $0xb8;
	[tilespmem:$0x12000] =	vst v63  }
0x11c: {  	s3 =	simm.s32 @!p0 $0xB  }
0x11d: {  	_ =	swait.ge @!p0 [sflag:s3], $0x1000  }
0x11e: {  	[sflag:s3] =	ssyncset.done @!p0 $0x0  }
0x11f: {  	s10 =	sadd.s32 @!p0 $0x500, s11;
	[sflag:s3] =	ssyncadd.s32 @!p0 $0xFFFFF000;
	s3 =	simm.s32 @!p0 $0x7000  }
0x120: {  	[tilespmem:s3], [sflag:$0x3] =	stream.indirect.gather @!p0 [hbm4b:s4+s14], $0x20, s10, s14, $0xb8;
	[tilespmem:$0x12000] =	vst v63  }
0x121: {  	s3 =	simm.s32 @!p0 $0x7  }
0x122: {  	_ =	swait.ge @!p0 [sflag:s3], $0x1000  }
0x123: {  	[sflag:s3] =	ssyncset.done @!p0 $0x0  }
0x124: {  	s10 =	sadd.s32 @!p0 $0x2B00, s11;
	[sflag:s3] =	ssyncadd.s32 @!p0 $0xFFFFF000;
	s3 =	simm.s32 @!p0 $0xB000  }
0x125: {  	[spmem:s2] =	stream.indirect.scatter.add.f32 @!p0 [tilespmem:s3], [sflag:$0xF], $0x20, s10, s14, $0xb8;
	[tilespmem:$0x12000] =	vst v63  }
0x126: {  	s3 =	simm.s32 @!p0 $0xC  }
0x127: {  	_ =	swait.ge @!p0 [sflag:s3], $0x1000  }
0x128: {  	[sflag:s3] =	ssyncset.done @!p0 $0x0  }
0x129: {  	s10 =	sadd.s32 @!p0 $0x580, s11;
	[sflag:s3] =	ssyncadd.s32 @!p0 $0xFFFFF000;
	s3 =	simm.s32 @!p0 $0x8000  }
0x12a: {  	[tilespmem:s3], [sflag:$0x4] =	stream.indirect.gather @!p0 [hbm4b:s4+s14], $0x20, s10, s14, $0xb8;
	[tilespmem:$0x12000] =	vst v63  }
0x12b: {  	_ =	swait.ge [sflag:s9], $0x1000  }
0x12c: {  	[sflag:s9] =	ssyncset.done $0x0  }
0x12d: {  	s15 =	sadd.s32 $0x2B80, s7;
	s16 =	simm.s32 $0x9;
	[sflag:s9] =	ssyncadd.s32 $0xFFFFF000  }
0x12e: {  	[spmem:s2] =	stream.indirect.scatter.add.f32 [tilespmem:s5], [sflag:$0x10], $0x20, s15, s29, $0xb8;
	[tilespmem:$0x12000] =	vst v63  }
0x12f: {  	_ =	swait.ge [sflag:s16], $0x1000  }
0x130: {  	[sflag:s16] =	ssyncset.done $0x0  }
0x131: {  	s17 =	simm.s32 $0xA;
	[sflag:s16] =	ssyncadd.s32 $0xFFFFF000  }
0x132: {  	_ =	swait.ge [sflag:s17], $0x1000  }
0x133: {  	[sflag:s17] =	ssyncset.done $0x0  }
0x134: {  	s18 =	simm.s32 $0xB;
	[sflag:s17] =	ssyncadd.s32 $0xFFFFF000  }
0x135: {  	_ =	swait.ge [sflag:s18], $0x1000  }
0x136: {  	[sflag:s18] =	ssyncset.done $0x0  }
0x137: {  	s19 =	simm.s32 $0xC;
	[sflag:s18] =	ssyncadd.s32 $0xFFFFF000  }
0x138: {  	_ =	swait.ge [sflag:s19], $0x1000  }
0x139: {  	[sflag:s19] =	ssyncset.done $0x0  }
0x13a: {  	s20 =	simm.s32 $0xD;
	[sflag:s19] =	ssyncadd.s32 $0xFFFFF000  }
0x13b: {  	_ =	swait.ge [sflag:s20], $0x1000  }
0x13c: {  	[sflag:s20] =	ssyncset.done $0x0  }
0x13d: {  	s21 =	simm.s32 $0xE;
	[sflag:s20] =	ssyncadd.s32 $0xFFFFF000  }
0x13e: {  	_ =	swait.ge [sflag:s21], $0x1000  }
0x13f: {  	[sflag:s21] =	ssyncset.done $0x0  }
0x140: {  	s22 =	simm.s32 $0xF;
	[sflag:s21] =	ssyncadd.s32 $0xFFFFF000  }
0x141: {  	_ =	swait.ge [sflag:s22], $0x1000  }
0x142: {  	[sflag:s22] =	ssyncset.done $0x0  }
0x143: {  	s7 =	simm.s32 $0x10;
	[sflag:s22] =	ssyncadd.s32 $0xFFFFF000  }
0x144: {  	_ =	swait.ge [sflag:s7], $0x1000  }
0x145: {  	[sflag:s7] =	ssyncset.done $0x0  }
0x146: {  	[sflag:s7] =	ssyncadd.s32 $0xFFFFF000  }
0x147: {  	[bflag:$0x0] =	sbarrier.arrive $0xFFFF  }
0x148: {  	s10 =	rddreg [dreg:$0xd]  }
0x149: {  	[tilespmem:s24], [sflag:$0x11] =	stream.linear.gather [spmem:s10], $0x1000, $0x38;
	[tilespmem:$0x12000] =	vst v63  }
0x14a: {  	_ =	swait.ge [sflag:s25], $0x1000  }
0x14b: {  	[sflag:s25] =	ssyncset.done $0x0  }
0x14c: {  	s15 =	simm.s32 $0x0;
	s11 =	rddreg [dreg:$0xe];
	[sflag:s25] =	ssyncadd.s32 $0xFFFFF000  }
0x14d: {  	[hbm4b:s11+s15] =	stream.linear.scatter [tilespmem:s24], [sflag:$0x11], $0x1000, $0x38;
	[tilespmem:$0x12000] =	vst v63  }
0x14e: {  	_ =	swait.ge [sflag:s25], $0x1000  }
0x14f: {  	[sflag:s25] =	ssyncset.done $0x0  }
0x150: {  	s12 =	rddreg [dreg:$0xf];
	[sflag:s25] =	ssyncadd.s32 $0xFFFFF000  }
0x151: {  	[tilespmem:s24], [sflag:$0x11] =	stream.linear.gather [spmem:s12], $0x1000, $0x38;
	[tilespmem:$0x12000] =	vst v63  }
0x152: {  	_ =	swait.ge [sflag:s25], $0x1000  }
0x153: {  	[sflag:s25] =	ssyncset.done $0x0  }
0x154: {  	s13 =	rddreg [dreg:$0x10];
	[sflag:s25] =	ssyncadd.s32 $0xFFFFF000  }
0x155: {  	[hbm4b:s13+s15] =	stream.linear.scatter [tilespmem:s24], [sflag:$0x11], $0x1000, $0x38;
	[tilespmem:$0x12000] =	vst v63  }
0x156: {  	_ =	swait.ge [sflag:s25], $0x1000  }
0x157: {  	[sflag:s25] =	ssyncset.done $0x0  }
0x158: {  	s14 =	rddreg [dreg:$0x11];
	[sflag:s25] =	ssyncadd.s32 $0xFFFFF000  }
0x159: {  	[tilespmem:s24], [sflag:$0x11] =	stream.linear.gather [spmem:s14], $0x1000, $0x38;
	[tilespmem:$0x12000] =	vst v63  }
0x15a: {  	_ =	swait.ge [sflag:s25], $0x1000  }
0x15b: {  	[sflag:s25] =	ssyncset.done $0x0  }
0x15c: {  	s16 =	rddreg [dreg:$0x12];
	[sflag:s25] =	ssyncadd.s32 $0xFFFFF000  }
0x15d: {  	[hbm4b:s16+s15] =	stream.linear.scatter [tilespmem:s24], [sflag:$0x11], $0x1000, $0x38;
	[tilespmem:$0x12000] =	vst v63  }
0x15e: {  	_ =	swait.ge [sflag:s25], $0x1000  }
0x15f: {  	[sflag:s25] =	ssyncset.done $0x0  }
0x160: {  	s17 =	rddreg [dreg:$0x13];
	[sflag:s25] =	ssyncadd.s32 $0xFFFFF000  }
0x161: {  	[tilespmem:s24], [sflag:$0x11] =	stream.linear.gather [spmem:s17], $0x1000, $0x38;
	[tilespmem:$0x12000] =	vst v63  }
0x162: {  	_ =	swait.ge [sflag:s25], $0x1000  }
0x163: {  	[sflag:s25] =	ssyncset.done $0x0  }
0x164: {  	s18 =	rddreg [dreg:$0x14];
	[sflag:s25] =	ssyncadd.s32 $0xFFFFF000  }
0x165: {  	[hbm4b:s18+s15] =	stream.linear.scatter [tilespmem:s24], [sflag:$0x11], $0x1000, $0x38;
	[tilespmem:$0x12000] =	vst v63  }
0x166: {  	_ =	swait.ge [sflag:s25], $0x1000  }
0x167: {  	[sflag:s25] =	ssyncset.done $0x0  }
0x168: {  	s19 =	rddreg [dreg:$0x15];
	[sflag:s25] =	ssyncadd.s32 $0xFFFFF000  }
0x169: {  	[tilespmem:s24], [sflag:$0x11] =	stream.linear.gather [spmem:s19], $0x1000, $0x38;
	[tilespmem:$0x12000] =	vst v63  }
0x16a: {  	_ =	swait.ge [sflag:s25], $0x1000  }
0x16b: {  	[sflag:s25] =	ssyncset.done $0x0  }
0x16c: {  	s20 =	rddreg [dreg:$0x16];
	[sflag:s25] =	ssyncadd.s32 $0xFFFFF000  }
0x16d: {  	[hbm4b:s20+s15] =	stream.linear.scatter [tilespmem:s24], [sflag:$0x11], $0x1000, $0x38;
	[tilespmem:$0x12000] =	vst v63  }
0x16e: {  	_ =	swait.ge [sflag:s25], $0x1000  }
0x16f: {  	s21 =	rddreg [dreg:$0x17]  }
0x170: {  	s22 =	rddreg [dreg:$0x8];
	s7 =	sadd.s32 $0x1, s21  }
0x171: {  	p0 =	sne.s32 s7, s22  }
.Ltmp2:
0x172: {  	_ = 	snop;
	(pc) =	sbr.rel @p0 .LBB2_1-.Ltmp2, $3  }
0x173: {  	_ =	sdelay $0x1  }
0x174: {  	[sflag:s25] =	ssyncset.done $0x0  }
0x175: {  	[sflag:s25] =	ssyncadd.s32 $0xFFFFF000  }
0x176: {  	_ =	sfence.sel $0x180000  }
0x177: {  	[bflag:$0x0] =	sbarrier.arrive $0xFFFF  }
0x178: {  	_ =	strace $0x9000004D  }
0x179: {  	s0 =	stileid.u32;
	[bflag:$0x2] =	sbarrier.arrive $0xFFFF  }
0x17a: {  	p0 =	sne.s32 s0, $0x0;
	s0 =	rddreg [dreg:$0x2]  }
0x17b: {  	s0 =	sadd.s32 @!p0 $0x100000, s0  }
0x17c: {  	[sflag:s0] =	ssyncadd.tile.s32 @!p0 $0x1;
	_ =	shalt  }
.Lfunc_end2:
_tile_overlayer_lowered:
.L_overlay_start_2:
0x17d: {  	(tag) =	ssettag $0x2  }
0x17e: {  	s0 =	rddreg [dreg:$0x0];
	s2 =	stileid.u32  }
0x17f: {  	s1 =	rddreg [dreg:$0x1];
	p0 =	sne.s32 s2, $0x0  }
0x180: {  	s3 =	rddreg [dreg:$0x2];
	[bflag:$0x3] =	sbarrier.arrive $0xFFFF;
	s2 =	simm.s32 @!p0 $0x1C11  }
0x181: {  	[timem:s3], [sflag:s2] =	dma.local @!p0 [hbm:s0], s1  }
0x182: {  	s0 =	simm.s32 @!p0 $0x11  }
0x183: {  	_ =	swait.ge @!p0 [sflag:s0], s1  }
0x184: {  	s1 =	ssub.s32 @!p0 $0x0, s1;
	[sflag:s0] =	ssyncset.done @!p0 $0x0  }
0x185: {  	[sflag:s0] =	ssyncadd.s32 @!p0 s1  }
0x186: {  	[bflag:$0x3] =	sbarrier.arrive $0xFFFF  }
0x187: {  	_ =	shalt  }

// kernel: kernel.9.cloned.1.call-start
scs
__scs_entry_jumppad:
0x0: {  	(pc) =	sbr.rel $0x88, $3  }
0x1: {  	(tag) =	ssettag $0x0;
	lr =	simm.s32 $0x1  }
0x2: {  	[smem:$0x3F97] =	sst lr;
	_ =	strace $0xD0000000  }
0x3: {  	_ = 	snop  }
0x4: {  	_ = 	snop  }
0x5: {  	_ = 	snop  }
0x6: {  	_ = 	snop  }
0x7: {  	_ = 	snop  }
__scs_overlays_trampoline_lowered:
0x8: {  	[smem:$0x3FA6] =	sst s0  }
0x9: {  	[smem:$0x3FA7] =	sst s1  }
0xa: {  	[smem:$0x3FA8] =	sst s2  }
0xb: {  	[smem:$0x3FA9] =	sst s3  }
0xc: {  	[smem:$0x3FAA] =	sst s4  }
0xd: {  	[smem:$0x3FAB] =	sst s5  }
0xe: {  	[smem:$0x3FAC] =	sst s6  }
0xf: {  	[smem:$0x3FAD] =	sst s7  }
0x10: {  	[smem:$0x3FAE] =	sst s8  }
0x11: {  	[smem:$0x3FAF] =	sst s9;
	s0 =	simm.s32 @!p0 $0x0  }
0x12: {  	s1 =	sld [smem:$0x3F95];
	s0 =	simm.s32 @p0 $0x1  }
0x13: {  	[smem:$0x3FB0] =	sst s0;
	s0 =	simm.s32 @!p1 $0x0  }
0x14: {  	s2 =	sld [smem:$0x3F94];
	s0 =	simm.s32 @p1 $0x1  }
0x15: {  	[smem:$0x3FB1] =	sst s0;
	s0 =	simm.s32 @!p2 $0x0  }
0x16: {  	s3 =	sld [smem:$0x3FDB];
	s0 =	simm.s32 @p2 $0x1  }
0x17: {  	s4 =	simm.s32 $0x1BF5;
	[smem:$0x3FB3] =	sst s0  }
0x18: {  	s0 =	sld [smem:$0x3F96];
	_ =	swait.ge [sflag:s4], $0x0  }
0x19: {  	s7 =	sld [smem:$0x3F97]  }
0x1a: {  	s8 =	sadd.s32 $0xFFFFE003, lr  }
0x1b: {  	s9 =	sadd.s32 $0xFFFFFEF7, lr;
	s5 =	simm.s32 $0xFFFFFFFF;
	p2 =	slt.u32 s8, $0xFFFFF086  }
0x1c: {  	p1 =	slt.u32 s9, $0xF7A;
	s5 =	simm.s32 @!p2 $0x0  }
0x1d: {  	s5 =	simm.s32 @p1 $0x1;
	p0 =	seq.s32 s7, s2  }
0x1e: {  	s7 =	smul.u32 @!p0 $0xF7A, s2;
	p2 =	seq.s32 @!p0 s5, $0x0  }
0x1f: {  	s9 =	smul.u32 $0xF7A, s1;
	s8 =	simm.s32 @!p0 $0x1BF5;
	p2 =	por !p2, p0  }
0x20: {  	[sflag:s8] =	ssyncset.s32 @!p0 $0xFFFFF086;
	s6 =	sadd.s32 @!p0 s3, s7;
	s7 =	simm.s32 @!p0 $0x108  }
0x21: {  	s3 =	sadd.s32 s3, s9;
	s6 =	sadd.s32 @!p0 $0x88, s6;
	s7 =	simm.s32 @p2 $0x1082  }
0x22: {  	[simem:s7], [sflag:s8] =	dma.local @!p0 [hbm:s6], $0xF7A  }
0x23: {  	s9 =	sor.u32 $0xD0000000, s2;
	s6 =	simm.s32 $0x108;
	_ =	swait.ge @!p0 [sflag:s8], $0x0  }
0x24: {  	s3 =	sadd.s32 $0x88, s3;
	s6 =	simm.s32 @!p1 $0x1082;
	[sflag:s4] =	ssyncset.s32 $0xFFFFF086  }
0x25: {  	[simem:s6], [sflag:s4] =	dma.local [hbm:s3], $0xF7A  }
0x26: {  	[smem:$0x3F97] =	sst s1;
	(tag) =	ssettag s2;
	_ =	strace s9  }
0x27: {  	s1 =	sld [smem:$0x3FA7]  }
0x28: {  	s2 =	sld [smem:$0x3FA8]  }
0x29: {  	s4 =	sld [smem:$0x3FAA]  }
0x2a: {  	p0 =	seq.s32 s5, $0x0;
	s5 =	sld [smem:$0x3FAB]  }
0x2b: {  	s6 =	sld [smem:$0x3FAC]  }
0x2c: {  	s7 =	sld [smem:$0x3FAD]  }
0x2d: {  	s3 =	simm.s32 $0x108;
	s8 =	sld [smem:$0x3FAE]  }
0x2e: {  	s3 =	simm.s32 @!p0 $0x1082;
	s9 =	sld [smem:$0x3FAF]  }
0x2f: {  	lr =	sadd.s32 s0, s3;
	s0 =	sld [smem:$0x3FA6]  }
0x30: {  	s3 =	sld [smem:$0x3FA9]  }
0x31: {  	[smem:$0x3FB2] =	sst s10  }
0x32: {  	s10 =	sld [smem:$0x3FB0];
	_ =	sdelay $0x3  }
0x33: {  	p0 =	seq.s32 s10, $0x1;
	s10 =	sld [smem:$0x3FB2];
	_ =	sdelay $0x3  }
0x34: {  	[smem:$0x3FB2] =	sst s10  }
0x35: {  	s10 =	sld [smem:$0x3FB1];
	_ =	sdelay $0x3  }
0x36: {  	p1 =	seq.s32 s10, $0x1;
	s10 =	sld [smem:$0x3FB2];
	_ =	sdelay $0x3  }
0x37: {  	[smem:$0x3FB2] =	sst s10  }
0x38: {  	s10 =	sld [smem:$0x3FB3]  }
0x39: {  	_ = 	snop;
	(pc) =	sbr.ind lr, $3  }
0x3a: {  	_ = 	snop  }
0x3b: {  	_ = 	snop  }
0x3c: {  	p2 =	seq.s32 s10, $0x1;
	s10 =	sld [smem:$0x3FB2]  }
0x3d: {  	_ =	shalt  }
0x3e: {  	_ =	shalt  }
0x3f: {  	_ =	shalt  }
0x40: {  	_ =	shalt  }
0x41: {  	_ =	shalt  }
0x42: {  	_ =	shalt  }
0x43: {  	_ =	shalt  }
0x44: {  	_ =	shalt  }
0x45: {  	_ =	shalt  }
0x46: {  	_ =	shalt  }
0x47: {  	_ =	shalt  }
0x48: {  	_ =	shalt  }
0x49: {  	_ =	shalt  }
0x4a: {  	_ =	shalt  }
0x4b: {  	_ =	shalt  }
0x4c: {  	_ =	shalt  }
0x4d: {  	_ =	shalt  }
0x4e: {  	_ =	shalt  }
0x4f: {  	_ =	shalt  }
0x50: {  	_ =	shalt  }
0x51: {  	_ =	shalt  }
0x52: {  	_ =	shalt  }
0x53: {  	_ =	shalt  }
0x54: {  	_ =	shalt  }
0x55: {  	_ =	shalt  }
0x56: {  	_ =	shalt  }
0x57: {  	_ =	shalt  }
0x58: {  	_ =	shalt  }
0x59: {  	_ =	shalt  }
0x5a: {  	_ =	shalt  }
0x5b: {  	_ =	shalt  }
0x5c: {  	_ =	shalt  }
0x5d: {  	_ =	shalt  }
0x5e: {  	_ =	shalt  }
0x5f: {  	_ =	shalt  }
0x60: {  	_ =	shalt  }
0x61: {  	_ =	shalt  }
0x62: {  	_ =	shalt  }
0x63: {  	_ =	shalt  }
0x64: {  	_ =	shalt  }
0x65: {  	_ =	shalt  }
0x66: {  	_ =	shalt  }
0x67: {  	_ =	shalt  }
0x68: {  	_ =	shalt  }
0x69: {  	_ =	shalt  }
0x6a: {  	_ =	shalt  }
0x6b: {  	_ =	shalt  }
0x6c: {  	_ =	shalt  }
0x6d: {  	_ =	shalt  }
0x6e: {  	_ =	shalt  }
0x6f: {  	_ =	shalt  }
0x70: {  	_ =	shalt  }
0x71: {  	_ =	shalt  }
0x72: {  	_ =	shalt  }
0x73: {  	_ =	shalt  }
0x74: {  	_ =	shalt  }
0x75: {  	_ =	shalt  }
0x76: {  	_ =	shalt  }
0x77: {  	_ =	shalt  }
0x78: {  	_ =	shalt  }
0x79: {  	_ =	shalt  }
0x7a: {  	_ =	shalt  }
0x7b: {  	_ =	shalt  }
0x7c: {  	_ =	shalt  }
0x7d: {  	_ =	shalt  }
0x7e: {  	_ =	shalt  }
0x7f: {  	_ =	shalt  }
0x80: {  	_ =	shalt  }
0x81: {  	_ =	shalt  }
0x82: {  	_ =	shalt  }
0x83: {  	_ =	shalt  }
0x84: {  	_ =	shalt  }
0x85: {  	_ =	shalt  }
0x86: {  	_ =	shalt  }
0x87: {  	_ =	shalt  }
.Lfunc_end0:
.L_simem_size_0:
called_computation_lowered:
.L_overlay_start_0:
0x88: {  	s2 =	sld [smem:$0x3FD9]  }
0x89: {  	s3 =	sld [smem:$0x3FFE];
	_ =	sdelay $0x1  }
0x8a: {  	s1 =	srdreg.scid  }
0x8b: {  	s0 =	sand.u32 $0x1, s1  }
0x8c: {  	s17 =	sshll.u32 s0, $0xA;
	s2 =	sadd.s32 s3, s2  }
0x8d: {  	s2 =	sadd.s32 s2, s17  }
0x8e: {  	[smem:$0x3FBE] =	sst s2  }
0x8f: {  	_ = 	snop  }
0x90: {  	s2 =	sld [smem:$0x3FD0];
	(tm) =	ssettm $0x1  }
0x91: {  	s18 =	sld [smem:$0x3FFB];
	_ =	sdelay $0x3  }
0x92: {  	_ =	strace s18  }
0x93: {  	s3 =	sld [smem:$0x3FFC];
	_ =	sdelay $0x3  }
0x94: {  	_ =	strace s3  }
0x95: {  	s3 =	sld [smem:$0x3FFD];
	_ =	sdelay $0x3  }
0x96: {  	_ =	strace s3  }
0x97: {  	_ =	strace $0x8FFFFFFF  }
0x98: {  	s19 =	sld [smem:$0x3FDB];
	_ =	sdelay $0x1  }
0x99: {  	s4 =	simm.s32 $_scs_section_size  }
0x9a: {  	s5 =	simm.s32 $_size__tile_overlayer_lowered;
	s6 =	simm.s32 $_tile_overlayer_lowered  }
0x9b: {  	s22 =	simm.s32 $0x1BFF;
	s21 =	sshll.u32 s6, $0x1;
	s3 =	sadd.s32 s4, s19  }
0x9c: {  	s7 =	simm.s32 $0x0;
	s20 =	sshll.u32 s5, $0x1;
	s5 =	sadd.s32 s21, s3  }
0x9d: {  	[timem:s7], [sflag:s22] =	dma.local [hbm:s5], s20  }
0x9e: {  	_ =	swait.ge [sflag:s22], s20  }
0x9f: {  	s4 =	ssub.s32 $0x0, s20;
	[sflag:s22] =	ssyncset.done $0x0  }
0xa0: {  	[sflag:s22] =	ssyncadd.s32 s4;
	_ =	sdelay $0x1  }
0xa1: {  	s23 =	simm.s32 $0x1B8B  }
0xa2: {  	_ =	swait.ge [sflag:s23], $0x1  }
0xa3: {  	[sflag:s23] =	ssyncset.done $0x0  }
0xa4: {  	s25 =	simm.s32 $0x1B8E;
	s24 =	sld [smem:$0x3FFE];
	[sflag:s23] =	ssyncadd.s32 $0xFFFFFFFF  }
0xa5: {  	s26 =	simm.s32 $execute0_lowered;
	[smem:$0x3FD2] =	sst s25  }
0xa6: {  	s5 =	sshll.u32 s26, $0x1;
	_ =	strace $0x80000046;
	[dreg:$0x1] =	wrdreg $0xFFFFFFFF  }
0xa7: {  	s28 =	simm.s32 $_size_execute0_lowered;
	s3 =	sadd.s32 s3, s5;
	[dreg:$0x0] =	wrdreg $0x0  }
0xa8: {  	s5 =	sshll.u32 s28, $0x1;
	[dreg:$0x2] =	wrdreg s3  }
0xa9: {  	[dreg:$0x3] =	wrdreg s5  }
0xaa: {  	[dreg:$0x4] =	wrdreg $0xC0  }
0xab: {  	_ =	task [dreg:s7], $0x5FFFF  }
0xac: {  	[dreg:$0x1] =	wrdreg $0xFFFFFFFF  }
0xad: {  	[dreg:$0x0] =	wrdreg $0x60  }
0xae: {  	[dreg:$0x2] =	wrdreg s24  }
0xaf: {  	[dreg:$0x3] =	wrdreg s2  }
0xb0: {  	[dreg:$0x4] =	wrdreg $0x2B000  }
0xb1: {  	[dreg:$0x5] =	wrdreg $0x9  }
0xb2: {  	_ =	task.clear_ibuf [dreg:s7], $0x6FFFF;
	_ =	strace $0x90000046  }
0xb3: {  	s29 =	simm.s32 $0x9;
	_ =	strace $0x80000048  }
0xb4: {  	_ =	swait.ge [sflag:s29], $0x1  }
0xb5: {  	[sflag:s29] =	ssyncadd.s32 $0xFFFFFFFF  }
0xb6: {  	_ =	strace $0x90000048  }
0xb7: {  	_ =	sfence  }
0xb8: {  	s30 =	sld [smem:$0x0];
	_ =	sdelay $0x2  }
0xb9: {  	s31 =	sshll.u32 s1, $0xD;
	s1 =	sshrl.u32 s1, $0x2  }
0xba: {  	s3 =	sand.u32 $0x4000, s31;
	s1 =	sadd.s32 s1, s30  }
0xbb: {  	s0 =	sor.u32 s3, s0;
	s1 =	sshll.u32 s1, $0x11  }
0xbc: {  	s0 =	sor.u32 s1, s0  }
0xbd: {  	s0 =	sadd.s32 $0x8F2B, s0  }
0xbe: {  	[sflag:s0] =	ssyncadd.remote.s32 $0x1  }
0xbf: {  	_ =	sfence.sel $0xFFFF  }
0xc0: {  	[dreg:$0x0] =	wrdreg $0xFFFFFFFF;
	(pc) =	sbr.abs _section_cstart, $3  }
0xc1: {  	[dreg:$0x1] =	wrdreg $0xFFFFFFFF  }
0xc2: {  	_ =	task.clear_ibuf [dreg:s7], $0x2FFFF;
	_ =	strace $0x9FFFFFFF  }
0xc3: {  	(tm) =	ssettm $0x7FFFFFFF  }
tec
execute0_lowered:
.L_overlay_start_1:
0x0: {  	(tag) =	ssettag $0x1  }
0x1: {  	s4 =	rddreg [dreg:$0x0]  }
0x2: {  	s7 =	rddreg [dreg:$0x1]  }
0x3: {  	s0 =	srdreg.scid;
	s2 =	rddreg [dreg:$0x2]  }
0x4: {  	s3 =	simm.s32 $0x0;
	s6 =	sand.u32 $0x1, s0;
	s0 =	rddreg [dreg:$0x3]  }
0x5: {  	s1 =	stileid.u32;
	s12 =	simm.s32 $0x0;
	[smem:$0x7FF] =	sst s3  }
0x6: {  	s10 =	smul.u32 $0x280, s1;
	s11 =	sadd.s32 $0xD600, s4;
	s5 =	sshll.u32 s6, $0x4  }
0x7: {  	s8 =	ssub.s32 $0x2, s6;
	_ =	strace $0x80000047;
	p0 =	seq.s32 s6, $0x1  }
0x8: {  	s5 =	sor.u32 s1, s5;
	s9 =	sshrl.u32 s8, $0x1;
	s31 =	sshrl.u32 s10, $0x3  }
0x9: {  	s7 =	smov.u32 @p0 s11;
	s11 =	simm.s32 $0x2800;
	s5 =	smul.u32 $0x500, s5  }
0xa: {  	s8 =	ssub.s32 s8, s9;
	s7 =	sadd.s32 s7, s31;
	s9 =	simm.s32 $0x2880  }
0xb: {  	s6 =	smax.u32 s8, $0x1;
	s8 =	simm.s32 $0x1;
	s5 =	sadd.s32 s5, s4  }
0xc: {  	v0 =	vimm.f32 $0.0e+00;
	v1 =	vimm.f32 $1.000000000e+00;
	s4 =	sadd.s32 $0x3600, s5;
	s5 =	sadd.s32 s10, s2;
	s10 =	simm.s32 $0x80  }
.LBB2_1:
0xd: {  	[tilespmem:s3], [sflag:$0x1] =	stream.linear.gather [hbm4b:s4+s3], $0x2800, $0x38;
	[tilespmem:$0x2D80] =	vst v63  }
0xe: {  	_ =	swait.ge [sflag:s8], $0x2800  }
0xf: {  	[sflag:s8] =	ssyncset.done $0x0  }
0x10: {  	[sflag:s8] =	ssyncadd.s32 $0xFFFFD800  }
0x11: {  	[tilespmem:$0x2880] =	vst v0  }
0x12: {  	[tilespmem:$0x2890] =	vst v0  }
0x13: {  	[tilespmem:$0x28A0] =	vst v0  }
0x14: {  	[tilespmem:$0x28B0] =	vst v0  }
0x15: {  	[tilespmem:$0x28C0] =	vst v0  }
0x16: {  	[tilespmem:$0x28D0] =	vst v0  }
0x17: {  	[tilespmem:$0x28E0] =	vst v0  }
0x18: {  	[tilespmem:$0x28F0] =	vst v0  }
0x19: {  	[tilespmem:$0x2900] =	vst v0  }
0x1a: {  	[tilespmem:$0x2910] =	vst v0  }
0x1b: {  	[tilespmem:$0x2920] =	vst v0  }
0x1c: {  	[tilespmem:$0x2930] =	vst v0  }
0x1d: {  	[tilespmem:$0x2940] =	vst v0  }
0x1e: {  	[tilespmem:$0x2950] =	vst v0  }
0x1f: {  	[tilespmem:$0x2960] =	vst v0  }
0x20: {  	[tilespmem:$0x2970] =	vst v0  }
0x21: {  	[tilespmem:$0x2980] =	vst v0  }
0x22: {  	[tilespmem:$0x2990] =	vst v0  }
0x23: {  	[tilespmem:$0x29A0] =	vst v0  }
0x24: {  	[tilespmem:$0x29B0] =	vst v0  }
0x25: {  	[tilespmem:$0x29C0] =	vst v0  }
0x26: {  	[tilespmem:$0x29D0] =	vst v0  }
0x27: {  	[tilespmem:$0x29E0] =	vst v0  }
0x28: {  	[tilespmem:$0x29F0] =	vst v0  }
0x29: {  	[tilespmem:$0x2A00] =	vst v0  }
0x2a: {  	[tilespmem:$0x2A10] =	vst v0  }
0x2b: {  	[tilespmem:$0x2A20] =	vst v0  }
0x2c: {  	[tilespmem:$0x2A30] =	vst v0  }
0x2d: {  	[tilespmem:$0x2A40] =	vst v0  }
0x2e: {  	[tilespmem:$0x2A50] =	vst v0  }
0x2f: {  	[tilespmem:$0x2A60] =	vst v0  }
0x30: {  	[tilespmem:$0x2A70] =	vst v0  }
0x31: {  	[tilespmem:$0x2A80] =	vst v0  }
0x32: {  	[tilespmem:$0x2A90] =	vst v0  }
0x33: {  	[tilespmem:$0x2AA0] =	vst v0  }
0x34: {  	[tilespmem:$0x2AB0] =	vst v0  }
0x35: {  	[tilespmem:$0x2AC0] =	vst v0  }
0x36: {  	[tilespmem:$0x2AD0] =	vst v0  }
0x37: {  	[tilespmem:$0x2AE0] =	vst v0  }
0x38: {  	[tilespmem:$0x2AF0] =	vst v0  }
0x39: {  	[tilespmem:$0x2800] =	vst v1  }
0x3a: {  	[tilespmem:$0x2810] =	vst v1  }
0x3b: {  	[tilespmem:$0x2820] =	vst v1  }
0x3c: {  	[tilespmem:$0x2830] =	vst v1  }
0x3d: {  	[tilespmem:$0x2840] =	vst v1  }
0x3e: {  	[tilespmem:$0x2850] =	vst v1  }
0x3f: {  	[tilespmem:$0x2860] =	vst v1  }
0x40: {  	[tilespmem:$0x2870] =	vst v1  }
0x41: {  	[spmem:s5] =	stream.linear.scatter [tilespmem:s9], [sflag:$0x1], $0x280, $0x38;
	[tilespmem:$0x2D80] =	vst v63  }
0x42: {  	_ =	swait.ge [sflag:s8], $0x280  }
0x43: {  	[sflag:s8] =	ssyncset.done $0x0  }
0x44: {  	[sflag:s8] =	ssyncadd.s32 $0xFFFFFD80  }
0x45: {  	s13 =	simm.s32 $0x0;
	[bflag:$0x0] =	sbarrier.arrive $0xFFFF  }
0x46: {  	[spmem:s2] =	stream.indirect.scatter.add.f32 [tilespmem:s11], [sflag:$0x1], $0x1, s13, s10, $0xb8;
	[tilespmem:$0x2D80] =	vst v63  }
0x47: {  	_ =	swait.ge [sflag:s8], $0x80  }
0x48: {  	s13 =	simm.s32 $0x200;
	[sflag:s8] =	ssyncset.done $0x0  }
.LBB2_2:
0x49: {  	s14 =	sshra.s32 s13, $0x2;
	[sflag:s8] =	ssyncadd.s32 $0xFFFFFF80;
	p0 =	sne.s32 s13, $0x9E00  }
0x4a: {  	[spmem:s2] =	stream.indirect.scatter.add.f32 [tilespmem:s11], [sflag:$0x1], $0x1, s14, s10, $0xb8;
	[tilespmem:$0x2D80] =	vst v63  }
.Ltmp0:
0x4b: {  	_ = 	snop;
	(pc) =	sbr.rel @p0 .LBB2_2-.Ltmp0, $4  }
0x4c: {  	_ = 	snop  }
0x4d: {  	s13 =	sadd.s32 $0x200, s13  }
0x4e: {  	_ =	swait.ge [sflag:s8], $0x80  }
0x4f: {  	[sflag:s8] =	ssyncset.done $0x0  }
0x50: {  	[sflag:s8] =	ssyncadd.s32 $0xFFFFFF80  }
0x51: {  	[bflag:$0x0] =	sbarrier.arrive $0xFFFF  }
0x52: {  	[tilespmem:s9], [sflag:$0x1] =	stream.linear.gather [spmem:s5], $0x280, $0x38;
	[tilespmem:$0x2D80] =	vst v63  }
0x53: {  	s12 =	sadd.s32 $0x1, s12;
	_ =	swait.ge [sflag:s8], $0x280  }
0x54: {  	p0 =	sne.s32 s12, s6;
	[sflag:s8] =	ssyncset.done $0x0  }
.Ltmp1:
0x55: {  	[sflag:s8] =	ssyncadd.s32 $0xFFFFFD80;
	(pc) =	sbr.rel @p0 .LBB2_1-.Ltmp1, $4  }
0x56: {  	[hbm4b:s7+s3] =	stream.linear.scatter [tilespmem:s9], [sflag:$0x1], $0x280, $0x38;
	[tilespmem:$0x2D80] =	vst v63  }
0x57: {  	_ =	swait.ge [sflag:s8], $0x280  }
0x58: {  	[sflag:s8] =	ssyncset.done $0x0  }
0x59: {  	[sflag:s8] =	ssyncadd.s32 $0xFFFFFD80  }
0x5a: {  	_ =	sfence.sel $0x180000  }
0x5b: {  	[bflag:$0x0] =	sbarrier.arrive $0xFFFF  }
0x5c: {  	p0 =	sne.s32 s1, $0x0;
	_ =	strace $0x90000047  }
0x5d: {  	s0 =	sadd.s32 @!p0 $0x100000, s0;
	[bflag:$0x2] =	sbarrier.arrive $0xFFFF  }
0x5e: {  	[sflag:s0] =	ssyncadd.tile.s32 @!p0 $0x1;
	_ =	shalt  }
.Lfunc_end2:
_tile_overlayer_lowered:
.L_overlay_start_2:
0x5f: {  	(tag) =	ssettag $0x2  }
0x60: {  	s0 =	rddreg [dreg:$0x0];
	s2 =	stileid.u32  }
0x61: {  	s1 =	rddreg [dreg:$0x1];
	p0 =	sne.s32 s2, $0x0  }
0x62: {  	s3 =	rddreg [dreg:$0x2];
	[bflag:$0x3] =	sbarrier.arrive $0xFFFF;
	s2 =	simm.s32 @!p0 $0x1C01  }
0x63: {  	[timem:s3], [sflag:s2] =	dma.local @!p0 [hbm:s0], s1  }
0x64: {  	s0 =	simm.s32 @!p0 $0x1  }
0x65: {  	_ =	swait.ge @!p0 [sflag:s0], s1  }
0x66: {  	s1 =	ssub.s32 @!p0 $0x0, s1;
	[sflag:s0] =	ssyncset.done @!p0 $0x0  }
0x67: {  	[sflag:s0] =	ssyncadd.s32 @!p0 s1  }
0x68: {  	[bflag:$0x3] =	sbarrier.arrive $0xFFFF  }
0x69: {  	_ =	shalt  }

</sc_bundles>
